<compile_context>
chip_gen: v7x
topology: tpu7x:2x2x1
jax: 0.10.2.dev20260603
libtpu: 0.0.44.dev20260713+nightly
codegen_flags: <defaults>
</compile_context>

<pallas_src>
import functools

import jax
import jax.numpy as jnp
from jax import lax
from jax.experimental import pallas as pl
from jax.experimental.pallas import tpu as pltpu
from jax.experimental.pallas import tpu_sc as plsc

D = 128
NW = 32
CHUNK = 128
NBUF = 5

_mesh = plsc.VectorSubcoreMesh(
    core_axis_name="c", subcore_axis_name="s", num_cores=2, num_subcores=16
)


@functools.partial(jax.jit, static_argnames=("n", "nch"))
def _dual_gather(table, inp_idx, sup_idx, n, nch):
    ng = nch // NBUF

    @functools.partial(
        pl.kernel,
        mesh=_mesh,
        out_type=[
            jax.ShapeDtypeStruct((n, D), jnp.float32),
            jax.ShapeDtypeStruct((n, D), jnp.float32),
        ],
        scratch_types=[
            pltpu.VMEM((nch, CHUNK), jnp.int32),
            pltpu.VMEM((NBUF, CHUNK, D), jnp.float32),
            pltpu.SemaphoreType.DMA((NBUF,)),
            pltpu.SemaphoreType.DMA((NBUF,)),
        ],
    )
    def body(table_hbm, inp_hbm, sup_hbm, out1_hbm, out2_hbm,
             idx_v, rows_v, gsem, wsem):
        wid = lax.axis_index("s") * 2 + lax.axis_index("c")
        per_w = nch * CHUNK
        base = wid * per_w

        def wait_gather(bf):
            pltpu.make_async_copy(
                table_hbm.at[idx_v.at[0]], rows_v.at[bf], gsem.at[bf]
            ).wait()

        def wait_write(bf, out_hbm):
            pltpu.make_async_copy(
                rows_v.at[bf], out_hbm.at[pl.ds(base, CHUNK)], wsem.at[bf]
            ).wait()

        def one_lookup(idx_hbm, out_hbm):
            pltpu.sync_copy(idx_hbm.at[wid], idx_v)

            for bf in range(NBUF):
                pltpu.async_copy(
                    table_hbm.at[idx_v.at[bf]], rows_v.at[bf], gsem.at[bf]
                )

            def group_body(g, _):
                for bf in range(NBUF):
                    j = g * NBUF + bf
                    wait_gather(bf)
                    pltpu.async_copy(
                        rows_v.at[bf],
                        out_hbm.at[pl.ds(base + j * CHUNK, CHUNK)],
                        wsem.at[bf],
                    )
                for bf in range(NBUF):
                    jn = (g + 1) * NBUF + bf
                    wait_write(bf, out_hbm)
                    pltpu.async_copy(
                        table_hbm.at[idx_v.at[jn]], rows_v.at[bf], gsem.at[bf]
                    )
                return 0

            lax.fori_loop(0, ng - 1, group_body, 0)

            for bf in range(NBUF):
                j = (ng - 1) * NBUF + bf
                wait_gather(bf)
                pltpu.async_copy(
                    rows_v.at[bf],
                    out_hbm.at[pl.ds(base + j * CHUNK, CHUNK)],
                    wsem.at[bf],
                )
            for bf in range(NBUF):
                wait_write(bf, out_hbm)

        one_lookup(inp_hbm, out1_hbm)
        one_lookup(sup_hbm, out2_hbm)

    return body(table, inp_idx, sup_idx)


def kernel(input, support, table):
    b, s = input.shape
    n = b * s
    nch = n // (NW * CHUNK)
    inp = input.T.reshape(NW, nch, CHUNK).astype(jnp.int32)
    sup = support.T.reshape(NW, nch, CHUNK).astype(jnp.int32)
    out1, out2 = _dual_gather(table, inp, sup, n, nch)
    out1 = out1.reshape(s, b, D).transpose(1, 0, 2)
    out2 = out2.reshape(s, b, D).transpose(1, 0, 2)
    return (out1, out2)

# --- scband reference (transcript-rebuilt; emitter-appended) ---
"""Pipeline reference for scband-torch-embedding-85280870629909 (READ-ONLY COPY).

The authoritative reference and input builder live on the scoring server;
editing this copy changes nothing except your own understanding.
"""

import jax, jax.numpy as jnp
import numpy as np

NUM_EMBEDDINGS = 100000
EMBEDDING_SIZE = 128
BATCH = 4096
SEQ = 50

def setup_inputs(seed: int = 0) -> dict:
    key = jax.random.key(seed)
    k1, k2, k3 = jax.random.split(key, 3)
    inp = jax.random.randint(k1, (BATCH, SEQ), 0, NUM_EMBEDDINGS)
    sup = jax.random.randint(k2, (BATCH, SEQ), 0, NUM_EMBEDDINGS)
    table = jax.random.normal(k3, (NUM_EMBEDDINGS, EMBEDDING_SIZE), dtype=jnp.float32)
    # padding_idx=0 -> row 0 is the padding vector (zeros in torch init)
    table = table.at[0].set(0.0)
    return {"input": inp, "support": sup, "table": table}

def reference(input, support, table):
    # Faithful translation: emb(input) and emb(support) with a shared embedding table.
    emb_input = jnp.take(table, input, axis=0)
    emb_support = jnp.take(table, support, axis=0)
    return (emb_input, emb_support)

if __name__ == "__main__":
    import jax
    _d = setup_inputs()
    print(jax.jit(kernel)(*tuple(_d.values())))

</pallas_src>

<mosaic_0001>
#map = affine_map<(d0, d1) -> (0, 0)>
#map1 = affine_map<(d0, d1) -> (0, 0, 0)>
module attributes {stable_mosaic.version = 14 : i64} {
  func.func @body(%arg0: i32, %arg1: i32, %arg2: memref<100000x128xf32, #tpu.memory_space<hbm>>, %arg3: memref<32x50x128xi32, #tpu.memory_space<hbm>>, %arg4: memref<32x50x128xi32, #tpu.memory_space<hbm>>, %arg5: memref<204800x128xf32, #tpu.memory_space<hbm>>, %arg6: memref<204800x128xf32, #tpu.memory_space<hbm>>, %arg7: memref<50x128xi32, #tpu.memory_space<vmem>>, %arg8: memref<5x128x128xf32, #tpu.memory_space<vmem>>, %arg9: memref<5x!tpu.dma_semaphore, #tpu.memory_space<semaphore_mem>>, %arg10: memref<5x!tpu.dma_semaphore, #tpu.memory_space<semaphore_mem>>) attributes {dimension_semantics = [#tpu.dimension_semantics<core_parallel>, #tpu.dimension_semantics<subcore_parallel>], iteration_bounds = array<i64: 2, 16>, scalar_prefetch = 0 : i64, scratch_operands = 4 : i64, tpu.core_type = #tpu.core_type<sc_vector_subcore>, window_params = [{transform_indices = #map}, {transform_indices = #map1}, {transform_indices = #map1}, {transform_indices = #map}, {transform_indices = #map}]} {
    %mul3A = arith.constant 2 : i32
    %mul3A_0 = arith.muli %arg1, %mul3A : i32
    %add3A = arith.addi %mul3A_0, %arg0 : i32
    %mul3A_1 = arith.constant 6400 : i32
    %mul3A_2 = arith.muli %add3A, %mul3A_1 : i32
    "tpu.region"() ({
      %run_scoped3A = tpu.sem_alloc : memref<!tpu.dma_semaphore, #tpu.memory_space<semaphore_mem>>
      %dma_start3A_654 = arith.constant 0 : i32
      %dma_start3A_655 = arith.constant 0 : i32
      %dma_start3A_656 = tpu.memref_slice %arg3[%add3A, %dma_start3A_654, %dma_start3A_655] : memref<32x50x128xi32, #tpu.memory_space<hbm>> -> memref<1x50x128xi32, #tpu.memory_space<hbm>>
      %dma_start3A_657 = tpu.memref_squeeze %dma_start3A_656 : memref<1x50x128xi32, #tpu.memory_space<hbm>> -> memref<50x128xi32, #tpu.memory_space<hbm>>
      %dma_start3A_658 = arith.constant 0 : i32
      %dma_start3A_659 = arith.constant 0 : i32
      %dma_start3A_660 = tpu.memref_slice %arg3[%add3A, %dma_start3A_658, %dma_start3A_659] : memref<32x50x128xi32, #tpu.memory_space<hbm>> -> memref<1x50x128xi32, #tpu.memory_space<hbm>>
      %dma_start3A_661 = tpu.memref_squeeze %dma_start3A_660 : memref<1x50x128xi32, #tpu.memory_space<hbm>> -> memref<50x128xi32, #tpu.memory_space<hbm>>
      tpu.enqueue_dma source(%dma_start3A_661 : memref<50x128xi32, #tpu.memory_space<hbm>>) target(%arg7 : memref<50x128xi32, #tpu.memory_space<vmem>>) target_semaphore(%run_scoped3A : memref<!tpu.dma_semaphore, #tpu.memory_space<semaphore_mem>>)
      %dma_wait3A_662 = arith.constant 0 : i32
      %dma_wait3A_663 = arith.constant 0 : i32
      %dma_wait3A_664 = tpu.memref_slice %arg3[%add3A, %dma_wait3A_662, %dma_wait3A_663] : memref<32x50x128xi32, #tpu.memory_space<hbm>> -> memref<1x50x128xi32, #tpu.memory_space<hbm>>
      %dma_wait3A_665 = tpu.memref_squeeze %dma_wait3A_664 : memref<1x50x128xi32, #tpu.memory_space<hbm>> -> memref<50x128xi32, #tpu.memory_space<hbm>>
      %dma_wait3A_666 = arith.constant 0 : i32
      %dma_wait3A_667 = arith.constant 0 : i32
      %dma_wait3A_668 = tpu.memref_slice %arg3[%add3A, %dma_wait3A_666, %dma_wait3A_667] : memref<32x50x128xi32, #tpu.memory_space<hbm>> -> memref<1x50x128xi32, #tpu.memory_space<hbm>>
      %dma_wait3A_669 = tpu.memref_squeeze %dma_wait3A_668 : memref<1x50x128xi32, #tpu.memory_space<hbm>> -> memref<50x128xi32, #tpu.memory_space<hbm>>
      tpu.wait_dma2 semaphore(%run_scoped3A : memref<!tpu.dma_semaphore, #tpu.memory_space<semaphore_mem>>) src(%dma_wait3A_669 : memref<50x128xi32, #tpu.memory_space<hbm>>) dst(%arg7 : memref<50x128xi32, #tpu.memory_space<vmem>>)
      tpu.yield
    }) : () -> ()
    %dma_start3A = arith.constant 0 : i32
    %dma_start3A_3 = arith.constant 0 : i32
    %dma_start3A_4 = arith.constant 0 : i32
    %dma_start3A_5 = arith.constant 0 : i32
    %dma_start3A_6 = arith.constant 0 : i32
    %dma_start3A_7 = tpu.memref_slice %arg8[%dma_start3A_3, %dma_start3A_5, %dma_start3A_6] : memref<5x128x128xf32, #tpu.memory_space<vmem>> -> memref<1x128x128xf32, #tpu.memory_space<vmem>>
    %dma_start3A_8 = tpu.memref_squeeze %dma_start3A_7 : memref<1x128x128xf32, #tpu.memory_space<vmem>> -> memref<128x128xf32, #tpu.memory_space<vmem>>
    %dma_start3A_9 = arith.constant 0 : i32
    %dma_start3A_10 = tpu.memref_slice %arg7[%dma_start3A, %dma_start3A_9] : memref<50x128xi32, #tpu.memory_space<vmem>> -> memref<1x128xi32, #tpu.memory_space<vmem>>
    %dma_start3A_11 = tpu.memref_squeeze %dma_start3A_10 : memref<1x128xi32, #tpu.memory_space<vmem>> -> memref<128xi32, #tpu.memory_space<vmem>>
    %dma_start3A_12 = arith.constant 0 : i32
    %dma_start3A_13 = arith.constant 0 : i32
    %dma_start3A_14 = tpu.memref_slice %arg2[%dma_start3A_12, %dma_start3A_13] : memref<100000x128xf32, #tpu.memory_space<hbm>> -> memref<100000x128xf32, #tpu.memory_space<hbm>>
    %dma_start3A_15 = tpu.memref_slice %arg9[%dma_start3A_4] : memref<5x!tpu.dma_semaphore, #tpu.memory_space<semaphore_mem>> -> memref<1x!tpu.dma_semaphore, #tpu.memory_space<semaphore_mem>>
    %dma_start3A_16 = tpu.memref_squeeze %dma_start3A_15 : memref<1x!tpu.dma_semaphore, #tpu.memory_space<semaphore_mem>> -> memref<!tpu.dma_semaphore, #tpu.memory_space<semaphore_mem>>
    tpu.enqueue_indirect_dma source(%dma_start3A_14 : memref<100000x128xf32, #tpu.memory_space<hbm>>) target(%dma_start3A_8 : memref<128x128xf32, #tpu.memory_space<vmem>>) offsets(%dma_start3A_11 : memref<128xi32, #tpu.memory_space<vmem>>) semaphore(%dma_start3A_16 : memref<!tpu.dma_semaphore, #tpu.memory_space<semaphore_mem>>)
    %dma_start3A_17 = arith.constant 1 : i32
    %dma_start3A_18 = arith.constant 1 : i32
    %dma_start3A_19 = arith.constant 1 : i32
    %dma_start3A_20 = arith.constant 0 : i32
    %dma_start3A_21 = arith.constant 0 : i32
    %dma_start3A_22 = tpu.memref_slice %arg8[%dma_start3A_18, %dma_start3A_20, %dma_start3A_21] : memref<5x128x128xf32, #tpu.memory_space<vmem>> -> memref<1x128x128xf32, #tpu.memory_space<vmem>>
    %dma_start3A_23 = tpu.memref_squeeze %dma_start3A_22 : memref<1x128x128xf32, #tpu.memory_space<vmem>> -> memref<128x128xf32, #tpu.memory_space<vmem>>
    %dma_start3A_24 = arith.constant 0 : i32
    %dma_start3A_25 = tpu.memref_slice %arg7[%dma_start3A_17, %dma_start3A_24] : memref<50x128xi32, #tpu.memory_space<vmem>> -> memref<1x128xi32, #tpu.memory_space<vmem>>
    %dma_start3A_26 = tpu.memref_squeeze %dma_start3A_25 : memref<1x128xi32, #tpu.memory_space<vmem>> -> memref<128xi32, #tpu.memory_space<vmem>>
    %dma_start3A_27 = arith.constant 0 : i32
    %dma_start3A_28 = arith.constant 0 : i32
    %dma_start3A_29 = tpu.memref_slice %arg2[%dma_start3A_27, %dma_start3A_28] : memref<100000x128xf32, #tpu.memory_space<hbm>> -> memref<100000x128xf32, #tpu.memory_space<hbm>>
    %dma_start3A_30 = tpu.memref_slice %arg9[%dma_start3A_19] : memref<5x!tpu.dma_semaphore, #tpu.memory_space<semaphore_mem>> -> memref<1x!tpu.dma_semaphore, #tpu.memory_space<semaphore_mem>>
    %dma_start3A_31 = tpu.memref_squeeze %dma_start3A_30 : memref<1x!tpu.dma_semaphore, #tpu.memory_space<semaphore_mem>> -> memref<!tpu.dma_semaphore, #tpu.memory_space<semaphore_mem>>
    tpu.enqueue_indirect_dma source(%dma_start3A_29 : memref<100000x128xf32, #tpu.memory_space<hbm>>) target(%dma_start3A_23 : memref<128x128xf32, #tpu.memory_space<vmem>>) offsets(%dma_start3A_26 : memref<128xi32, #tpu.memory_space<vmem>>) semaphore(%dma_start3A_31 : memref<!tpu.dma_semaphore, #tpu.memory_space<semaphore_mem>>)
    %dma_start3A_32 = arith.constant 2 : i32
    %dma_start3A_33 = arith.constant 2 : i32
    %dma_start3A_34 = arith.constant 2 : i32
    %dma_start3A_35 = arith.constant 0 : i32
    %dma_start3A_36 = arith.constant 0 : i32
    %dma_start3A_37 = tpu.memref_slice %arg8[%dma_start3A_33, %dma_start3A_35, %dma_start3A_36] : memref<5x128x128xf32, #tpu.memory_space<vmem>> -> memref<1x128x128xf32, #tpu.memory_space<vmem>>
    %dma_start3A_38 = tpu.memref_squeeze %dma_start3A_37 : memref<1x128x128xf32, #tpu.memory_space<vmem>> -> memref<128x128xf32, #tpu.memory_space<vmem>>
    %dma_start3A_39 = arith.constant 0 : i32
    %dma_start3A_40 = tpu.memref_slice %arg7[%dma_start3A_32, %dma_start3A_39] : memref<50x128xi32, #tpu.memory_space<vmem>> -> memref<1x128xi32, #tpu.memory_space<vmem>>
    %dma_start3A_41 = tpu.memref_squeeze %dma_start3A_40 : memref<1x128xi32, #tpu.memory_space<vmem>> -> memref<128xi32, #tpu.memory_space<vmem>>
    %dma_start3A_42 = arith.constant 0 : i32
    %dma_start3A_43 = arith.constant 0 : i32
    %dma_start3A_44 = tpu.memref_slice %arg2[%dma_start3A_42, %dma_start3A_43] : memref<100000x128xf32, #tpu.memory_space<hbm>> -> memref<100000x128xf32, #tpu.memory_space<hbm>>
    %dma_start3A_45 = tpu.memref_slice %arg9[%dma_start3A_34] : memref<5x!tpu.dma_semaphore, #tpu.memory_space<semaphore_mem>> -> memref<1x!tpu.dma_semaphore, #tpu.memory_space<semaphore_mem>>
    %dma_start3A_46 = tpu.memref_squeeze %dma_start3A_45 : memref<1x!tpu.dma_semaphore, #tpu.memory_space<semaphore_mem>> -> memref<!tpu.dma_semaphore, #tpu.memory_space<semaphore_mem>>
    tpu.enqueue_indirect_dma source(%dma_start3A_44 : memref<100000x128xf32, #tpu.memory_space<hbm>>) target(%dma_start3A_38 : memref<128x128xf32, #tpu.memory_space<vmem>>) offsets(%dma_start3A_41 : memref<128xi32, #tpu.memory_space<vmem>>) semaphore(%dma_start3A_46 : memref<!tpu.dma_semaphore, #tpu.memory_space<semaphore_mem>>)
    %dma_start3A_47 = arith.constant 3 : i32
    %dma_start3A_48 = arith.constant 3 : i32
    %dma_start3A_49 = arith.constant 3 : i32
    %dma_start3A_50 = arith.constant 0 : i32
    %dma_start3A_51 = arith.constant 0 : i32
    %dma_start3A_52 = tpu.memref_slice %arg8[%dma_start3A_48, %dma_start3A_50, %dma_start3A_51] : memref<5x128x128xf32, #tpu.memory_space<vmem>> -> memref<1x128x128xf32, #tpu.memory_space<vmem>>
    %dma_start3A_53 = tpu.memref_squeeze %dma_start3A_52 : memref<1x128x128xf32, #tpu.memory_space<vmem>> -> memref<128x128xf32, #tpu.memory_space<vmem>>
    %dma_start3A_54 = arith.constant 0 : i32
    %dma_start3A_55 = tpu.memref_slice %arg7[%dma_start3A_47, %dma_start3A_54] : memref<50x128xi32, #tpu.memory_space<vmem>> -> memref<1x128xi32, #tpu.memory_space<vmem>>
    %dma_start3A_56 = tpu.memref_squeeze %dma_start3A_55 : memref<1x128xi32, #tpu.memory_space<vmem>> -> memref<128xi32, #tpu.memory_space<vmem>>
    %dma_start3A_57 = arith.constant 0 : i32
    %dma_start3A_58 = arith.constant 0 : i32
    %dma_start3A_59 = tpu.memref_slice %arg2[%dma_start3A_57, %dma_start3A_58] : memref<100000x128xf32, #tpu.memory_space<hbm>> -> memref<100000x128xf32, #tpu.memory_space<hbm>>
    %dma_start3A_60 = tpu.memref_slice %arg9[%dma_start3A_49] : memref<5x!tpu.dma_semaphore, #tpu.memory_space<semaphore_mem>> -> memref<1x!tpu.dma_semaphore, #tpu.memory_space<semaphore_mem>>
    %dma_start3A_61 = tpu.memref_squeeze %dma_start3A_60 : memref<1x!tpu.dma_semaphore, #tpu.memory_space<semaphore_mem>> -> memref<!tpu.dma_semaphore, #tpu.memory_space<semaphore_mem>>
    tpu.enqueue_indirect_dma source(%dma_start3A_59 : memref<100000x128xf32, #tpu.memory_space<hbm>>) target(%dma_start3A_53 : memref<128x128xf32, #tpu.memory_space<vmem>>) offsets(%dma_start3A_56 : memref<128xi32, #tpu.memory_space<vmem>>) semaphore(%dma_start3A_61 : memref<!tpu.dma_semaphore, #tpu.memory_space<semaphore_mem>>)
    %dma_start3A_62 = arith.constant 4 : i32
    %dma_start3A_63 = arith.constant 4 : i32
    %dma_start3A_64 = arith.constant 4 : i32
    %dma_start3A_65 = arith.constant 0 : i32
    %dma_start3A_66 = arith.constant 0 : i32
    %dma_start3A_67 = tpu.memref_slice %arg8[%dma_start3A_63, %dma_start3A_65, %dma_start3A_66] : memref<5x128x128xf32, #tpu.memory_space<vmem>> -> memref<1x128x128xf32, #tpu.memory_space<vmem>>
    %dma_start3A_68 = tpu.memref_squeeze %dma_start3A_67 : memref<1x128x128xf32, #tpu.memory_space<vmem>> -> memref<128x128xf32, #tpu.memory_space<vmem>>
    %dma_start3A_69 = arith.constant 0 : i32
    %dma_start3A_70 = tpu.memref_slice %arg7[%dma_start3A_62, %dma_start3A_69] : memref<50x128xi32, #tpu.memory_space<vmem>> -> memref<1x128xi32, #tpu.memory_space<vmem>>
    %dma_start3A_71 = tpu.memref_squeeze %dma_start3A_70 : memref<1x128xi32, #tpu.memory_space<vmem>> -> memref<128xi32, #tpu.memory_space<vmem>>
    %dma_start3A_72 = arith.constant 0 : i32
    %dma_start3A_73 = arith.constant 0 : i32
    %dma_start3A_74 = tpu.memref_slice %arg2[%dma_start3A_72, %dma_start3A_73] : memref<100000x128xf32, #tpu.memory_space<hbm>> -> memref<100000x128xf32, #tpu.memory_space<hbm>>
    %dma_start3A_75 = tpu.memref_slice %arg9[%dma_start3A_64] : memref<5x!tpu.dma_semaphore, #tpu.memory_space<semaphore_mem>> -> memref<1x!tpu.dma_semaphore, #tpu.memory_space<semaphore_mem>>
    %dma_start3A_76 = tpu.memref_squeeze %dma_start3A_75 : memref<1x!tpu.dma_semaphore, #tpu.memory_space<semaphore_mem>> -> memref<!tpu.dma_semaphore, #tpu.memory_space<semaphore_mem>>
    tpu.enqueue_indirect_dma source(%dma_start3A_74 : memref<100000x128xf32, #tpu.memory_space<hbm>>) target(%dma_start3A_68 : memref<128x128xf32, #tpu.memory_space<vmem>>) offsets(%dma_start3A_71 : memref<128xi32, #tpu.memory_space<vmem>>) semaphore(%dma_start3A_76 : memref<!tpu.dma_semaphore, #tpu.memory_space<semaphore_mem>>)
    %scan3A = arith.constant 0 : i32
    %scan3A_77 = arith.constant 0 : i32
    %scan3A_78 = arith.constant 9 : i32
    %scan3A_79 = arith.addi %scan3A_77, %scan3A_78 : i32
    %scan3A_80 = arith.constant 1 : i32
    %scan3A_81 = scf.for %scan3A_654 = %scan3A_77 to %scan3A_79 step %scan3A_80 iter_args(%scan3A_655 = %scan3A) -> (i32)  : i32 {
      %mul3A_656 = arith.constant 5 : i32
      %mul3A_657 = arith.muli %scan3A_654, %mul3A_656 : i32
      %add3A_658 = arith.constant 0 : i32
      %add3A_659 = arith.addi %mul3A_657, %add3A_658 : i32
      %dma_wait3A_660 = arith.constant 0 : i32
      %dma_wait3A_661 = arith.constant 0 : i32
      %dma_wait3A_662 = arith.constant 0 : i32
      %dma_wait3A_663 = arith.constant 0 : i32
      %dma_wait3A_664 = arith.constant 0 : i32
      %dma_wait3A_665 = tpu.memref_slice %arg8[%dma_wait3A_661, %dma_wait3A_663, %dma_wait3A_664] : memref<5x128x128xf32, #tpu.memory_space<vmem>> -> memref<1x128x128xf32, #tpu.memory_space<vmem>>
      %dma_wait3A_666 = tpu.memref_squeeze %dma_wait3A_665 : memref<1x128x128xf32, #tpu.memory_space<vmem>> -> memref<128x128xf32, #tpu.memory_space<vmem>>
      %dma_wait3A_667 = arith.constant 0 : i32
      %dma_wait3A_668 = tpu.memref_slice %arg7[%dma_wait3A_660, %dma_wait3A_667] : memref<50x128xi32, #tpu.memory_space<vmem>> -> memref<1x128xi32, #tpu.memory_space<vmem>>
      %dma_wait3A_669 = tpu.memref_squeeze %dma_wait3A_668 : memref<1x128xi32, #tpu.memory_space<vmem>> -> memref<128xi32, #tpu.memory_space<vmem>>
      %dma_wait3A_670 = arith.constant 0 : i32
      %dma_wait3A_671 = arith.constant 0 : i32
      %dma_wait3A_672 = tpu.memref_slice %arg2[%dma_wait3A_670, %dma_wait3A_671] : memref<100000x128xf32, #tpu.memory_space<hbm>> -> memref<100000x128xf32, #tpu.memory_space<hbm>>
      %dma_wait3A_673 = tpu.memref_slice %arg9[%dma_wait3A_662] : memref<5x!tpu.dma_semaphore, #tpu.memory_space<semaphore_mem>> -> memref<1x!tpu.dma_semaphore, #tpu.memory_space<semaphore_mem>>
      %dma_wait3A_674 = tpu.memref_squeeze %dma_wait3A_673 : memref<1x!tpu.dma_semaphore, #tpu.memory_space<semaphore_mem>> -> memref<!tpu.dma_semaphore, #tpu.memory_space<semaphore_mem>>
      tpu.wait_indirect_dma semaphore(%dma_wait3A_674 : memref<!tpu.dma_semaphore, #tpu.memory_space<semaphore_mem>>) src(%dma_wait3A_672 : memref<100000x128xf32, #tpu.memory_space<hbm>>) dst(%dma_wait3A_666 : memref<128x128xf32, #tpu.memory_space<vmem>>)
      %mul3A_675 = arith.constant 128 : i32
      %mul3A_676 = arith.muli %add3A_659, %mul3A_675 : i32
      %add3A_677 = arith.addi %mul3A_2, %mul3A_676 : i32
      %dma_start3A_678 = arith.constant 0 : i32
      %dma_start3A_679 = arith.constant 0 : i32
      %dma_start3A_680 = arith.constant 0 : i32
      %dma_start3A_681 = arith.constant 0 : i32
      %dma_start3A_682 = tpu.memref_slice %arg8[%dma_start3A_678, %dma_start3A_680, %dma_start3A_681] : memref<5x128x128xf32, #tpu.memory_space<vmem>> -> memref<1x128x128xf32, #tpu.memory_space<vmem>>
      %dma_start3A_683 = tpu.memref_squeeze %dma_start3A_682 : memref<1x128x128xf32, #tpu.memory_space<vmem>> -> memref<128x128xf32, #tpu.memory_space<vmem>>
      %dma_start3A_684 = arith.constant 0 : i32
      %dma_start3A_685 = tpu.memref_slice %arg5[%add3A_677, %dma_start3A_684] : memref<204800x128xf32, #tpu.memory_space<hbm>> -> memref<128x128xf32, #tpu.memory_space<hbm>>
      %dma_start3A_686 = tpu.memref_slice %arg10[%dma_start3A_679] : memref<5x!tpu.dma_semaphore, #tpu.memory_space<semaphore_mem>> -> memref<1x!tpu.dma_semaphore, #tpu.memory_space<semaphore_mem>>
      %dma_start3A_687 = tpu.memref_squeeze %dma_start3A_686 : memref<1x!tpu.dma_semaphore, #tpu.memory_space<semaphore_mem>> -> memref<!tpu.dma_semaphore, #tpu.memory_space<semaphore_mem>>
      %dma_start3A_688 = arith.constant 0 : i32
      %dma_start3A_689 = tpu.memref_slice %arg5[%add3A_677, %dma_start3A_688] : memref<204800x128xf32, #tpu.memory_space<hbm>> -> memref<128x128xf32, #tpu.memory_space<hbm>>
      %dma_start3A_690 = arith.constant 0 : i32
      %dma_start3A_691 = arith.constant 0 : i32
      %dma_start3A_692 = tpu.memref_slice %arg8[%dma_start3A_678, %dma_start3A_690, %dma_start3A_691] : memref<5x128x128xf32, #tpu.memory_space<vmem>> -> memref<1x128x128xf32, #tpu.memory_space<vmem>>
      %dma_start3A_693 = tpu.memref_squeeze %dma_start3A_692 : memref<1x128x128xf32, #tpu.memory_space<vmem>> -> memref<128x128xf32, #tpu.memory_space<vmem>>
      tpu.enqueue_dma source(%dma_start3A_693 : memref<128x128xf32, #tpu.memory_space<vmem>>) target(%dma_start3A_689 : memref<128x128xf32, #tpu.memory_space<hbm>>) target_semaphore(%dma_start3A_687 : memref<!tpu.dma_semaphore, #tpu.memory_space<semaphore_mem>>)
      %mul3A_694 = arith.constant 5 : i32
      %mul3A_695 = arith.muli %scan3A_654, %mul3A_694 : i32
      %add3A_696 = arith.constant 1 : i32
      %add3A_697 = arith.addi %mul3A_695, %add3A_696 : i32
      %dma_wait3A_698 = arith.constant 0 : i32
      %dma_wait3A_699 = arith.constant 1 : i32
      %dma_wait3A_700 = arith.constant 1 : i32
      %dma_wait3A_701 = arith.constant 0 : i32
      %dma_wait3A_702 = arith.constant 0 : i32
      %dma_wait3A_703 = tpu.memref_slice %arg8[%dma_wait3A_699, %dma_wait3A_701, %dma_wait3A_702] : memref<5x128x128xf32, #tpu.memory_space<vmem>> -> memref<1x128x128xf32, #tpu.memory_space<vmem>>
      %dma_wait3A_704 = tpu.memref_squeeze %dma_wait3A_703 : memref<1x128x128xf32, #tpu.memory_space<vmem>> -> memref<128x128xf32, #tpu.memory_space<vmem>>
      %dma_wait3A_705 = arith.constant 0 : i32
      %dma_wait3A_706 = tpu.memref_slice %arg7[%dma_wait3A_698, %dma_wait3A_705] : memref<50x128xi32, #tpu.memory_space<vmem>> -> memref<1x128xi32, #tpu.memory_space<vmem>>
      %dma_wait3A_707 = tpu.memref_squeeze %dma_wait3A_706 : memref<1x128xi32, #tpu.memory_space<vmem>> -> memref<128xi32, #tpu.memory_space<vmem>>
      %dma_wait3A_708 = arith.constant 0 : i32
      %dma_wait3A_709 = arith.constant 0 : i32
      %dma_wait3A_710 = tpu.memref_slice %arg2[%dma_wait3A_708, %dma_wait3A_709] : memref<100000x128xf32, #tpu.memory_space<hbm>> -> memref<100000x128xf32, #tpu.memory_space<hbm>>
      %dma_wait3A_711 = tpu.memref_slice %arg9[%dma_wait3A_700] : memref<5x!tpu.dma_semaphore, #tpu.memory_space<semaphore_mem>> -> memref<1x!tpu.dma_semaphore, #tpu.memory_space<semaphore_mem>>
      %dma_wait3A_712 = tpu.memref_squeeze %dma_wait3A_711 : memref<1x!tpu.dma_semaphore, #tpu.memory_space<semaphore_mem>> -> memref<!tpu.dma_semaphore, #tpu.memory_space<semaphore_mem>>
      tpu.wait_indirect_dma semaphore(%dma_wait3A_712 : memref<!tpu.dma_semaphore, #tpu.memory_space<semaphore_mem>>) src(%dma_wait3A_710 : memref<100000x128xf32, #tpu.memory_space<hbm>>) dst(%dma_wait3A_704 : memref<128x128xf32, #tpu.memory_space<vmem>>)
      %mul3A_713 = arith.constant 128 : i32
      %mul3A_714 = arith.muli %add3A_697, %mul3A_713 : i32
      %add3A_715 = arith.addi %mul3A_2, %mul3A_714 : i32
      %dma_start3A_716 = arith.constant 1 : i32
      %dma_start3A_717 = arith.constant 1 : i32
      %dma_start3A_718 = arith.constant 0 : i32
      %dma_start3A_719 = arith.constant 0 : i32
      %dma_start3A_720 = tpu.memref_slice %arg8[%dma_start3A_716, %dma_start3A_718, %dma_start3A_719] : memref<5x128x128xf32, #tpu.memory_space<vmem>> -> memref<1x128x128xf32, #tpu.memory_space<vmem>>
      %dma_start3A_721 = tpu.memref_squeeze %dma_start3A_720 : memref<1x128x128xf32, #tpu.memory_space<vmem>> -> memref<128x128xf32, #tpu.memory_space<vmem>>
      %dma_start3A_722 = arith.constant 0 : i32
      %dma_start3A_723 = tpu.memref_slice %arg5[%add3A_715, %dma_start3A_722] : memref<204800x128xf32, #tpu.memory_space<hbm>> -> memref<128x128xf32, #tpu.memory_space<hbm>>
      %dma_start3A_724 = tpu.memref_slice %arg10[%dma_start3A_717] : memref<5x!tpu.dma_semaphore, #tpu.memory_space<semaphore_mem>> -> memref<1x!tpu.dma_semaphore, #tpu.memory_space<semaphore_mem>>
      %dma_start3A_725 = tpu.memref_squeeze %dma_start3A_724 : memref<1x!tpu.dma_semaphore, #tpu.memory_space<semaphore_mem>> -> memref<!tpu.dma_semaphore, #tpu.memory_space<semaphore_mem>>
      %dma_start3A_726 = arith.constant 0 : i32
      %dma_start3A_727 = tpu.memref_slice %arg5[%add3A_715, %dma_start3A_726] : memref<204800x128xf32, #tpu.memory_space<hbm>> -> memref<128x128xf32, #tpu.memory_space<hbm>>
      %dma_start3A_728 = arith.constant 0 : i32
      %dma_start3A_729 = arith.constant 0 : i32
      %dma_start3A_730 = tpu.memref_slice %arg8[%dma_start3A_716, %dma_start3A_728, %dma_start3A_729] : memref<5x128x128xf32, #tpu.memory_space<vmem>> -> memref<1x128x128xf32, #tpu.memory_space<vmem>>
      %dma_start3A_731 = tpu.memref_squeeze %dma_start3A_730 : memref<1x128x128xf32, #tpu.memory_space<vmem>> -> memref<128x128xf32, #tpu.memory_space<vmem>>
      tpu.enqueue_dma source(%dma_start3A_731 : memref<128x128xf32, #tpu.memory_space<vmem>>) target(%dma_start3A_727 : memref<128x128xf32, #tpu.memory_space<hbm>>) target_semaphore(%dma_start3A_725 : memref<!tpu.dma_semaphore, #tpu.memory_space<semaphore_mem>>)
      %mul3A_732 = arith.constant 5 : i32
      %mul3A_733 = arith.muli %scan3A_654, %mul3A_732 : i32
      %add3A_734 = arith.constant 2 : i32
      %add3A_735 = arith.addi %mul3A_733, %add3A_734 : i32
      %dma_wait3A_736 = arith.constant 0 : i32
      %dma_wait3A_737 = arith.constant 2 : i32
      %dma_wait3A_738 = arith.constant 2 : i32
      %dma_wait3A_739 = arith.constant 0 : i32
      %dma_wait3A_740 = arith.constant 0 : i32
      %dma_wait3A_741 = tpu.memref_slice %arg8[%dma_wait3A_737, %dma_wait3A_739, %dma_wait3A_740] : memref<5x128x128xf32, #tpu.memory_space<vmem>> -> memref<1x128x128xf32, #tpu.memory_space<vmem>>
      %dma_wait3A_742 = tpu.memref_squeeze %dma_wait3A_741 : memref<1x128x128xf32, #tpu.memory_space<vmem>> -> memref<128x128xf32, #tpu.memory_space<vmem>>
      %dma_wait3A_743 = arith.constant 0 : i32
      %dma_wait3A_744 = tpu.memref_slice %arg7[%dma_wait3A_736, %dma_wait3A_743] : memref<50x128xi32, #tpu.memory_space<vmem>> -> memref<1x128xi32, #tpu.memory_space<vmem>>
      %dma_wait3A_745 = tpu.memref_squeeze %dma_wait3A_744 : memref<1x128xi32, #tpu.memory_space<vmem>> -> memref<128xi32, #tpu.memory_space<vmem>>
      %dma_wait3A_746 = arith.constant 0 : i32
      %dma_wait3A_747 = arith.constant 0 : i32
      %dma_wait3A_748 = tpu.memref_slice %arg2[%dma_wait3A_746, %dma_wait3A_747] : memref<100000x128xf32, #tpu.memory_space<hbm>> -> memref<100000x128xf32, #tpu.memory_space<hbm>>
      %dma_wait3A_749 = tpu.memref_slice %arg9[%dma_wait3A_738] : memref<5x!tpu.dma_semaphore, #tpu.memory_space<semaphore_mem>> -> memref<1x!tpu.dma_semaphore, #tpu.memory_space<semaphore_mem>>
      %dma_wait3A_750 = tpu.memref_squeeze %dma_wait3A_749 : memref<1x!tpu.dma_semaphore, #tpu.memory_space<semaphore_mem>> -> memref<!tpu.dma_semaphore, #tpu.memory_space<semaphore_mem>>
      tpu.wait_indirect_dma semaphore(%dma_wait3A_750 : memref<!tpu.dma_semaphore, #tpu.memory_space<semaphore_mem>>) src(%dma_wait3A_748 : memref<100000x128xf32, #tpu.memory_space<hbm>>) dst(%dma_wait3A_742 : memref<128x128xf32, #tpu.memory_space<vmem>>)
      %mul3A_751 = arith.constant 128 : i32
      %mul3A_752 = arith.muli %add3A_735, %mul3A_751 : i32
      %add3A_753 = arith.addi %mul3A_2, %mul3A_752 : i32
      %dma_start3A_754 = arith.constant 2 : i32
      %dma_start3A_755 = arith.constant 2 : i32
      %dma_start3A_756 = arith.constant 0 : i32
      %dma_start3A_757 = arith.constant 0 : i32
      %dma_start3A_758 = tpu.memref_slice %arg8[%dma_start3A_754, %dma_start3A_756, %dma_start3A_757] : memref<5x128x128xf32, #tpu.memory_space<vmem>> -> memref<1x128x128xf32, #tpu.memory_space<vmem>>
      %dma_start3A_759 = tpu.memref_squeeze %dma_start3A_758 : memref<1x128x128xf32, #tpu.memory_space<vmem>> -> memref<128x128xf32, #tpu.memory_space<vmem>>
      %dma_start3A_760 = arith.constant 0 : i32
      %dma_start3A_761 = tpu.memref_slice %arg5[%add3A_753, %dma_start3A_760] : memref<204800x128xf32, #tpu.memory_space<hbm>> -> memref<128x128xf32, #tpu.memory_space<hbm>>
      %dma_start3A_762 = tpu.memref_slice %arg10[%dma_start3A_755] : memref<5x!tpu.dma_semaphore, #tpu.memory_space<semaphore_mem>> -> memref<1x!tpu.dma_semaphore, #tpu.memory_space<semaphore_mem>>
      %dma_start3A_763 = tpu.memref_squeeze %dma_start3A_762 : memref<1x!tpu.dma_semaphore, #tpu.memory_space<semaphore_mem>> -> memref<!tpu.dma_semaphore, #tpu.memory_space<semaphore_mem>>
      %dma_start3A_764 = arith.constant 0 : i32
      %dma_start3A_765 = tpu.memref_slice %arg5[%add3A_753, %dma_start3A_764] : memref<204800x128xf32, #tpu.memory_space<hbm>> -> memref<128x128xf32, #tpu.memory_space<hbm>>
      %dma_start3A_766 = arith.constant 0 : i32
      %dma_start3A_767 = arith.constant 0 : i32
      %dma_start3A_768 = tpu.memref_slice %arg8[%dma_start3A_754, %dma_start3A_766, %dma_start3A_767] : memref<5x128x128xf32, #tpu.memory_space<vmem>> -> memref<1x128x128xf32, #tpu.memory_space<vmem>>
      %dma_start3A_769 = tpu.memref_squeeze %dma_start3A_768 : memref<1x128x128xf32, #tpu.memory_space<vmem>> -> memref<128x128xf32, #tpu.memory_space<vmem>>
      tpu.enqueue_dma source(%dma_start3A_769 : memref<128x128xf32, #tpu.memory_space<vmem>>) target(%dma_start3A_765 : memref<128x128xf32, #tpu.memory_space<hbm>>) target_semaphore(%dma_start3A_763 : memref<!tpu.dma_semaphore, #tpu.memory_space<semaphore_mem>>)
      %mul3A_770 = arith.constant 5 : i32
      %mul3A_771 = arith.muli %scan3A_654, %mul3A_770 : i32
      %add3A_772 = arith.constant 3 : i32
      %add3A_773 = arith.addi %mul3A_771, %add3A_772 : i32
      %dma_wait3A_774 = arith.constant 0 : i32
      %dma_wait3A_775 = arith.constant 3 : i32
      %dma_wait3A_776 = arith.constant 3 : i32
      %dma_wait3A_777 = arith.constant 0 : i32
      %dma_wait3A_778 = arith.constant 0 : i32
      %dma_wait3A_779 = tpu.memref_slice %arg8[%dma_wait3A_775, %dma_wait3A_777, %dma_wait3A_778] : memref<5x128x128xf32, #tpu.memory_space<vmem>> -> memref<1x128x128xf32, #tpu.memory_space<vmem>>
      %dma_wait3A_780 = tpu.memref_squeeze %dma_wait3A_779 : memref<1x128x128xf32, #tpu.memory_space<vmem>> -> memref<128x128xf32, #tpu.memory_space<vmem>>
      %dma_wait3A_781 = arith.constant 0 : i32
      %dma_wait3A_782 = tpu.memref_slice %arg7[%dma_wait3A_774, %dma_wait3A_781] : memref<50x128xi32, #tpu.memory_space<vmem>> -> memref<1x128xi32, #tpu.memory_space<vmem>>
      %dma_wait3A_783 = tpu.memref_squeeze %dma_wait3A_782 : memref<1x128xi32, #tpu.memory_space<vmem>> -> memref<128xi32, #tpu.memory_space<vmem>>
      %dma_wait3A_784 = arith.constant 0 : i32
      %dma_wait3A_785 = arith.constant 0 : i32
      %dma_wait3A_786 = tpu.memref_slice %arg2[%dma_wait3A_784, %dma_wait3A_785] : memref<100000x128xf32, #tpu.memory_space<hbm>> -> memref<100000x128xf32, #tpu.memory_space<hbm>>
      %dma_wait3A_787 = tpu.memref_slice %arg9[%dma_wait3A_776] : memref<5x!tpu.dma_semaphore, #tpu.memory_space<semaphore_mem>> -> memref<1x!tpu.dma_semaphore, #tpu.memory_space<semaphore_mem>>
      %dma_wait3A_788 = tpu.memref_squeeze %dma_wait3A_787 : memref<1x!tpu.dma_semaphore, #tpu.memory_space<semaphore_mem>> -> memref<!tpu.dma_semaphore, #tpu.memory_space<semaphore_mem>>
      tpu.wait_indirect_dma semaphore(%dma_wait3A_788 : memref<!tpu.dma_semaphore, #tpu.memory_space<semaphore_mem>>) src(%dma_wait3A_786 : memref<100000x128xf32, #tpu.memory_space<hbm>>) dst(%dma_wait3A_780 : memref<128x128xf32, #tpu.memory_space<vmem>>)
      %mul3A_789 = arith.constant 128 : i32
      %mul3A_790 = arith.muli %add3A_773, %mul3A_789 : i32
      %add3A_791 = arith.addi %mul3A_2, %mul3A_790 : i32
      %dma_start3A_792 = arith.constant 3 : i32
      %dma_start3A_793 = arith.constant 3 : i32
      %dma_start3A_794 = arith.constant 0 : i32
      %dma_start3A_795 = arith.constant 0 : i32
      %dma_start3A_796 = tpu.memref_slice %arg8[%dma_start3A_792, %dma_start3A_794, %dma_start3A_795] : memref<5x128x128xf32, #tpu.memory_space<vmem>> -> memref<1x128x128xf32, #tpu.memory_space<vmem>>
      %dma_start3A_797 = tpu.memref_squeeze %dma_start3A_796 : memref<1x128x128xf32, #tpu.memory_space<vmem>> -> memref<128x128xf32, #tpu.memory_space<vmem>>
      %dma_start3A_798 = arith.constant 0 : i32
      %dma_start3A_799 = tpu.memref_slice %arg5[%add3A_791, %dma_start3A_798] : memref<204800x128xf32, #tpu.memory_space<hbm>> -> memref<128x128xf32, #tpu.memory_space<hbm>>
      %dma_start3A_800 = tpu.memref_slice %arg10[%dma_start3A_793] : memref<5x!tpu.dma_semaphore, #tpu.memory_space<semaphore_mem>> -> memref<1x!tpu.dma_semaphore, #tpu.memory_space<semaphore_mem>>
      %dma_start3A_801 = tpu.memref_squeeze %dma_start3A_800 : memref<1x!tpu.dma_semaphore, #tpu.memory_space<semaphore_mem>> -> memref<!tpu.dma_semaphore, #tpu.memory_space<semaphore_mem>>
      %dma_start3A_802 = arith.constant 0 : i32
      %dma_start3A_803 = tpu.memref_slice %arg5[%add3A_791, %dma_start3A_802] : memref<204800x128xf32, #tpu.memory_space<hbm>> -> memref<128x128xf32, #tpu.memory_space<hbm>>
      %dma_start3A_804 = arith.constant 0 : i32
      %dma_start3A_805 = arith.constant 0 : i32
      %dma_start3A_806 = tpu.memref_slice %arg8[%dma_start3A_792, %dma_start3A_804, %dma_start3A_805] : memref<5x128x128xf32, #tpu.memory_space<vmem>> -> memref<1x128x128xf32, #tpu.memory_space<vmem>>
      %dma_start3A_807 = tpu.memref_squeeze %dma_start3A_806 : memref<1x128x128xf32, #tpu.memory_space<vmem>> -> memref<128x128xf32, #tpu.memory_space<vmem>>
      tpu.enqueue_dma source(%dma_start3A_807 : memref<128x128xf32, #tpu.memory_space<vmem>>) target(%dma_start3A_803 : memref<128x128xf32, #tpu.memory_space<hbm>>) target_semaphore(%dma_start3A_801 : memref<!tpu.dma_semaphore, #tpu.memory_space<semaphore_mem>>)
      %mul3A_808 = arith.constant 5 : i32
      %mul3A_809 = arith.muli %scan3A_654, %mul3A_808 : i32
      %add3A_810 = arith.constant 4 : i32
      %add3A_811 = arith.addi %mul3A_809, %add3A_810 : i32
      %dma_wait3A_812 = arith.constant 0 : i32
      %dma_wait3A_813 = arith.constant 4 : i32
      %dma_wait3A_814 = arith.constant 4 : i32
      %dma_wait3A_815 = arith.constant 0 : i32
      %dma_wait3A_816 = arith.constant 0 : i32
      %dma_wait3A_817 = tpu.memref_slice %arg8[%dma_wait3A_813, %dma_wait3A_815, %dma_wait3A_816] : memref<5x128x128xf32, #tpu.memory_space<vmem>> -> memref<1x128x128xf32, #tpu.memory_space<vmem>>
      %dma_wait3A_818 = tpu.memref_squeeze %dma_wait3A_817 : memref<1x128x128xf32, #tpu.memory_space<vmem>> -> memref<128x128xf32, #tpu.memory_space<vmem>>
      %dma_wait3A_819 = arith.constant 0 : i32
      %dma_wait3A_820 = tpu.memref_slice %arg7[%dma_wait3A_812, %dma_wait3A_819] : memref<50x128xi32, #tpu.memory_space<vmem>> -> memref<1x128xi32, #tpu.memory_space<vmem>>
      %dma_wait3A_821 = tpu.memref_squeeze %dma_wait3A_820 : memref<1x128xi32, #tpu.memory_space<vmem>> -> memref<128xi32, #tpu.memory_space<vmem>>
      %dma_wait3A_822 = arith.constant 0 : i32
      %dma_wait3A_823 = arith.constant 0 : i32
      %dma_wait3A_824 = tpu.memref_slice %arg2[%dma_wait3A_822, %dma_wait3A_823] : memref<100000x128xf32, #tpu.memory_space<hbm>> -> memref<100000x128xf32, #tpu.memory_space<hbm>>
      %dma_wait3A_825 = tpu.memref_slice %arg9[%dma_wait3A_814] : memref<5x!tpu.dma_semaphore, #tpu.memory_space<semaphore_mem>> -> memref<1x!tpu.dma_semaphore, #tpu.memory_space<semaphore_mem>>
      %dma_wait3A_826 = tpu.memref_squeeze %dma_wait3A_825 : memref<1x!tpu.dma_semaphore, #tpu.memory_space<semaphore_mem>> -> memref<!tpu.dma_semaphore, #tpu.memory_space<semaphore_mem>>
      tpu.wait_indirect_dma semaphore(%dma_wait3A_826 : memref<!tpu.dma_semaphore, #tpu.memory_space<semaphore_mem>>) src(%dma_wait3A_824 : memref<100000x128xf32, #tpu.memory_space<hbm>>) dst(%dma_wait3A_818 : memref<128x128xf32, #tpu.memory_space<vmem>>)
      %mul3A_827 = arith.constant 128 : i32
      %mul3A_828 = arith.muli %add3A_811, %mul3A_827 : i32
      %add3A_829 = arith.addi %mul3A_2, %mul3A_828 : i32
      %dma_start3A_830 = arith.constant 4 : i32
      %dma_start3A_831 = arith.constant 4 : i32
      %dma_start3A_832 = arith.constant 0 : i32
      %dma_start3A_833 = arith.constant 0 : i32
      %dma_start3A_834 = tpu.memref_slice %arg8[%dma_start3A_830, %dma_start3A_832, %dma_start3A_833] : memref<5x128x128xf32, #tpu.memory_space<vmem>> -> memref<1x128x128xf32, #tpu.memory_space<vmem>>
      %dma_start3A_835 = tpu.memref_squeeze %dma_start3A_834 : memref<1x128x128xf32, #tpu.memory_space<vmem>> -> memref<128x128xf32, #tpu.memory_space<vmem>>
      %dma_start3A_836 = arith.constant 0 : i32
      %dma_start3A_837 = tpu.memref_slice %arg5[%add3A_829, %dma_start3A_836] : memref<204800x128xf32, #tpu.memory_space<hbm>> -> memref<128x128xf32, #tpu.memory_space<hbm>>
      %dma_start3A_838 = tpu.memref_slice %arg10[%dma_start3A_831] : memref<5x!tpu.dma_semaphore, #tpu.memory_space<semaphore_mem>> -> memref<1x!tpu.dma_semaphore, #tpu.memory_space<semaphore_mem>>
      %dma_start3A_839 = tpu.memref_squeeze %dma_start3A_838 : memref<1x!tpu.dma_semaphore, #tpu.memory_space<semaphore_mem>> -> memref<!tpu.dma_semaphore, #tpu.memory_space<semaphore_mem>>
      %dma_start3A_840 = arith.constant 0 : i32
      %dma_start3A_841 = tpu.memref_slice %arg5[%add3A_829, %dma_start3A_840] : memref<204800x128xf32, #tpu.memory_space<hbm>> -> memref<128x128xf32, #tpu.memory_space<hbm>>
      %dma_start3A_842 = arith.constant 0 : i32
      %dma_start3A_843 = arith.constant 0 : i32
      %dma_start3A_844 = tpu.memref_slice %arg8[%dma_start3A_830, %dma_start3A_842, %dma_start3A_843] : memref<5x128x128xf32, #tpu.memory_space<vmem>> -> memref<1x128x128xf32, #tpu.memory_space<vmem>>
      %dma_start3A_845 = tpu.memref_squeeze %dma_start3A_844 : memref<1x128x128xf32, #tpu.memory_space<vmem>> -> memref<128x128xf32, #tpu.memory_space<vmem>>
      tpu.enqueue_dma source(%dma_start3A_845 : memref<128x128xf32, #tpu.memory_space<vmem>>) target(%dma_start3A_841 : memref<128x128xf32, #tpu.memory_space<hbm>>) target_semaphore(%dma_start3A_839 : memref<!tpu.dma_semaphore, #tpu.memory_space<semaphore_mem>>)
      %add3A_846 = arith.constant 1 : i32
      %add3A_847 = arith.addi %scan3A_654, %add3A_846 : i32
      %mul3A_848 = arith.constant 5 : i32
      %mul3A_849 = arith.muli %add3A_847, %mul3A_848 : i32
      %add3A_850 = arith.constant 0 : i32
      %add3A_851 = arith.addi %mul3A_849, %add3A_850 : i32
      %dma_wait3A_852 = arith.constant 0 : i32
      %dma_wait3A_853 = arith.constant 0 : i32
      %dma_wait3A_854 = arith.constant 0 : i32
      %dma_wait3A_855 = arith.constant 0 : i32
      %dma_wait3A_856 = tpu.memref_slice %arg8[%dma_wait3A_852, %dma_wait3A_854, %dma_wait3A_855] : memref<5x128x128xf32, #tpu.memory_space<vmem>> -> memref<1x128x128xf32, #tpu.memory_space<vmem>>
      %dma_wait3A_857 = tpu.memref_squeeze %dma_wait3A_856 : memref<1x128x128xf32, #tpu.memory_space<vmem>> -> memref<128x128xf32, #tpu.memory_space<vmem>>
      %dma_wait3A_858 = arith.constant 0 : i32
      %dma_wait3A_859 = tpu.memref_slice %arg5[%mul3A_2, %dma_wait3A_858] : memref<204800x128xf32, #tpu.memory_space<hbm>> -> memref<128x128xf32, #tpu.memory_space<hbm>>
      %dma_wait3A_860 = tpu.memref_slice %arg10[%dma_wait3A_853] : memref<5x!tpu.dma_semaphore, #tpu.memory_space<semaphore_mem>> -> memref<1x!tpu.dma_semaphore, #tpu.memory_space<semaphore_mem>>
      %dma_wait3A_861 = tpu.memref_squeeze %dma_wait3A_860 : memref<1x!tpu.dma_semaphore, #tpu.memory_space<semaphore_mem>> -> memref<!tpu.dma_semaphore, #tpu.memory_space<semaphore_mem>>
      %dma_wait3A_862 = arith.constant 0 : i32
      %dma_wait3A_863 = tpu.memref_slice %arg5[%mul3A_2, %dma_wait3A_862] : memref<204800x128xf32, #tpu.memory_space<hbm>> -> memref<128x128xf32, #tpu.memory_space<hbm>>
      %dma_wait3A_864 = arith.constant 0 : i32
      %dma_wait3A_865 = arith.constant 0 : i32
      %dma_wait3A_866 = tpu.memref_slice %arg8[%dma_wait3A_852, %dma_wait3A_864, %dma_wait3A_865] : memref<5x128x128xf32, #tpu.memory_space<vmem>> -> memref<1x128x128xf32, #tpu.memory_space<vmem>>
      %dma_wait3A_867 = tpu.memref_squeeze %dma_wait3A_866 : memref<1x128x128xf32, #tpu.memory_space<vmem>> -> memref<128x128xf32, #tpu.memory_space<vmem>>
      tpu.wait_dma2 semaphore(%dma_wait3A_861 : memref<!tpu.dma_semaphore, #tpu.memory_space<semaphore_mem>>) src(%dma_wait3A_867 : memref<128x128xf32, #tpu.memory_space<vmem>>) dst(%dma_wait3A_863 : memref<128x128xf32, #tpu.memory_space<hbm>>)
      %dma_start3A_868 = arith.constant 0 : i32
      %dma_start3A_869 = arith.constant 0 : i32
      %dma_start3A_870 = arith.constant 0 : i32
      %dma_start3A_871 = arith.constant 0 : i32
      %dma_start3A_872 = tpu.memref_slice %arg8[%dma_start3A_868, %dma_start3A_870, %dma_start3A_871] : memref<5x128x128xf32, #tpu.memory_space<vmem>> -> memref<1x128x128xf32, #tpu.memory_space<vmem>>
      %dma_start3A_873 = tpu.memref_squeeze %dma_start3A_872 : memref<1x128x128xf32, #tpu.memory_space<vmem>> -> memref<128x128xf32, #tpu.memory_space<vmem>>
      %dma_start3A_874 = arith.constant 0 : i32
      %dma_start3A_875 = tpu.memref_slice %arg7[%add3A_851, %dma_start3A_874] : memref<50x128xi32, #tpu.memory_space<vmem>> -> memref<1x128xi32, #tpu.memory_space<vmem>>
      %dma_start3A_876 = tpu.memref_squeeze %dma_start3A_875 : memref<1x128xi32, #tpu.memory_space<vmem>> -> memref<128xi32, #tpu.memory_space<vmem>>
      %dma_start3A_877 = arith.constant 0 : i32
      %dma_start3A_878 = arith.constant 0 : i32
      %dma_start3A_879 = tpu.memref_slice %arg2[%dma_start3A_877, %dma_start3A_878] : memref<100000x128xf32, #tpu.memory_space<hbm>> -> memref<100000x128xf32, #tpu.memory_space<hbm>>
      %dma_start3A_880 = tpu.memref_slice %arg9[%dma_start3A_869] : memref<5x!tpu.dma_semaphore, #tpu.memory_space<semaphore_mem>> -> memref<1x!tpu.dma_semaphore, #tpu.memory_space<semaphore_mem>>
      %dma_start3A_881 = tpu.memref_squeeze %dma_start3A_880 : memref<1x!tpu.dma_semaphore, #tpu.memory_space<semaphore_mem>> -> memref<!tpu.dma_semaphore, #tpu.memory_space<semaphore_mem>>
      tpu.enqueue_indirect_dma source(%dma_start3A_879 : memref<100000x128xf32, #tpu.memory_space<hbm>>) target(%dma_start3A_873 : memref<128x128xf32, #tpu.memory_space<vmem>>) offsets(%dma_start3A_876 : memref<128xi32, #tpu.memory_space<vmem>>) semaphore(%dma_start3A_881 : memref<!tpu.dma_semaphore, #tpu.memory_space<semaphore_mem>>)
      %add3A_882 = arith.constant 1 : i32
      %add3A_883 = arith.addi %scan3A_654, %add3A_882 : i32
      %mul3A_884 = arith.constant 5 : i32
      %mul3A_885 = arith.muli %add3A_883, %mul3A_884 : i32
      %add3A_886 = arith.constant 1 : i32
      %add3A_887 = arith.addi %mul3A_885, %add3A_886 : i32
      %dma_wait3A_888 = arith.constant 1 : i32
      %dma_wait3A_889 = arith.constant 1 : i32
      %dma_wait3A_890 = arith.constant 0 : i32
      %dma_wait3A_891 = arith.constant 0 : i32
      %dma_wait3A_892 = tpu.memref_slice %arg8[%dma_wait3A_888, %dma_wait3A_890, %dma_wait3A_891] : memref<5x128x128xf32, #tpu.memory_space<vmem>> -> memref<1x128x128xf32, #tpu.memory_space<vmem>>
      %dma_wait3A_893 = tpu.memref_squeeze %dma_wait3A_892 : memref<1x128x128xf32, #tpu.memory_space<vmem>> -> memref<128x128xf32, #tpu.memory_space<vmem>>
      %dma_wait3A_894 = arith.constant 0 : i32
      %dma_wait3A_895 = tpu.memref_slice %arg5[%mul3A_2, %dma_wait3A_894] : memref<204800x128xf32, #tpu.memory_space<hbm>> -> memref<128x128xf32, #tpu.memory_space<hbm>>
      %dma_wait3A_896 = tpu.memref_slice %arg10[%dma_wait3A_889] : memref<5x!tpu.dma_semaphore, #tpu.memory_space<semaphore_mem>> -> memref<1x!tpu.dma_semaphore, #tpu.memory_space<semaphore_mem>>
      %dma_wait3A_897 = tpu.memref_squeeze %dma_wait3A_896 : memref<1x!tpu.dma_semaphore, #tpu.memory_space<semaphore_mem>> -> memref<!tpu.dma_semaphore, #tpu.memory_space<semaphore_mem>>
      %dma_wait3A_898 = arith.constant 0 : i32
      %dma_wait3A_899 = tpu.memref_slice %arg5[%mul3A_2, %dma_wait3A_898] : memref<204800x128xf32, #tpu.memory_space<hbm>> -> memref<128x128xf32, #tpu.memory_space<hbm>>
      %dma_wait3A_900 = arith.constant 0 : i32
      %dma_wait3A_901 = arith.constant 0 : i32
      %dma_wait3A_902 = tpu.memref_slice %arg8[%dma_wait3A_888, %dma_wait3A_900, %dma_wait3A_901] : memref<5x128x128xf32, #tpu.memory_space<vmem>> -> memref<1x128x128xf32, #tpu.memory_space<vmem>>
      %dma_wait3A_903 = tpu.memref_squeeze %dma_wait3A_902 : memref<1x128x128xf32, #tpu.memory_space<vmem>> -> memref<128x128xf32, #tpu.memory_space<vmem>>
      tpu.wait_dma2 semaphore(%dma_wait3A_897 : memref<!tpu.dma_semaphore, #tpu.memory_space<semaphore_mem>>) src(%dma_wait3A_903 : memref<128x128xf32, #tpu.memory_space<vmem>>) dst(%dma_wait3A_899 : memref<128x128xf32, #tpu.memory_space<hbm>>)
      %dma_start3A_904 = arith.constant 1 : i32
      %dma_start3A_905 = arith.constant 1 : i32
      %dma_start3A_906 = arith.constant 0 : i32
      %dma_start3A_907 = arith.constant 0 : i32
      %dma_start3A_908 = tpu.memref_slice %arg8[%dma_start3A_904, %dma_start3A_906, %dma_start3A_907] : memref<5x128x128xf32, #tpu.memory_space<vmem>> -> memref<1x128x128xf32, #tpu.memory_space<vmem>>
      %dma_start3A_909 = tpu.memref_squeeze %dma_start3A_908 : memref<1x128x128xf32, #tpu.memory_space<vmem>> -> memref<128x128xf32, #tpu.memory_space<vmem>>
      %dma_start3A_910 = arith.constant 0 : i32
      %dma_start3A_911 = tpu.memref_slice %arg7[%add3A_887, %dma_start3A_910] : memref<50x128xi32, #tpu.memory_space<vmem>> -> memref<1x128xi32, #tpu.memory_space<vmem>>
      %dma_start3A_912 = tpu.memref_squeeze %dma_start3A_911 : memref<1x128xi32, #tpu.memory_space<vmem>> -> memref<128xi32, #tpu.memory_space<vmem>>
      %dma_start3A_913 = arith.constant 0 : i32
      %dma_start3A_914 = arith.constant 0 : i32
      %dma_start3A_915 = tpu.memref_slice %arg2[%dma_start3A_913, %dma_start3A_914] : memref<100000x128xf32, #tpu.memory_space<hbm>> -> memref<100000x128xf32, #tpu.memory_space<hbm>>
      %dma_start3A_916 = tpu.memref_slice %arg9[%dma_start3A_905] : memref<5x!tpu.dma_semaphore, #tpu.memory_space<semaphore_mem>> -> memref<1x!tpu.dma_semaphore, #tpu.memory_space<semaphore_mem>>
      %dma_start3A_917 = tpu.memref_squeeze %dma_start3A_916 : memref<1x!tpu.dma_semaphore, #tpu.memory_space<semaphore_mem>> -> memref<!tpu.dma_semaphore, #tpu.memory_space<semaphore_mem>>
      tpu.enqueue_indirect_dma source(%dma_start3A_915 : memref<100000x128xf32, #tpu.memory_space<hbm>>) target(%dma_start3A_909 : memref<128x128xf32, #tpu.memory_space<vmem>>) offsets(%dma_start3A_912 : memref<128xi32, #tpu.memory_space<vmem>>) semaphore(%dma_start3A_917 : memref<!tpu.dma_semaphore, #tpu.memory_space<semaphore_mem>>)
      %add3A_918 = arith.constant 1 : i32
      %add3A_919 = arith.addi %scan3A_654, %add3A_918 : i32
      %mul3A_920 = arith.constant 5 : i32
      %mul3A_921 = arith.muli %add3A_919, %mul3A_920 : i32
      %add3A_922 = arith.constant 2 : i32
      %add3A_923 = arith.addi %mul3A_921, %add3A_922 : i32
      %dma_wait3A_924 = arith.constant 2 : i32
      %dma_wait3A_925 = arith.constant 2 : i32
      %dma_wait3A_926 = arith.constant 0 : i32
      %dma_wait3A_927 = arith.constant 0 : i32
      %dma_wait3A_928 = tpu.memref_slice %arg8[%dma_wait3A_924, %dma_wait3A_926, %dma_wait3A_927] : memref<5x128x128xf32, #tpu.memory_space<vmem>> -> memref<1x128x128xf32, #tpu.memory_space<vmem>>
      %dma_wait3A_929 = tpu.memref_squeeze %dma_wait3A_928 : memref<1x128x128xf32, #tpu.memory_space<vmem>> -> memref<128x128xf32, #tpu.memory_space<vmem>>
      %dma_wait3A_930 = arith.constant 0 : i32
      %dma_wait3A_931 = tpu.memref_slice %arg5[%mul3A_2, %dma_wait3A_930] : memref<204800x128xf32, #tpu.memory_space<hbm>> -> memref<128x128xf32, #tpu.memory_space<hbm>>
      %dma_wait3A_932 = tpu.memref_slice %arg10[%dma_wait3A_925] : memref<5x!tpu.dma_semaphore, #tpu.memory_space<semaphore_mem>> -> memref<1x!tpu.dma_semaphore, #tpu.memory_space<semaphore_mem>>
      %dma_wait3A_933 = tpu.memref_squeeze %dma_wait3A_932 : memref<1x!tpu.dma_semaphore, #tpu.memory_space<semaphore_mem>> -> memref<!tpu.dma_semaphore, #tpu.memory_space<semaphore_mem>>
      %dma_wait3A_934 = arith.constant 0 : i32
      %dma_wait3A_935 = tpu.memref_slice %arg5[%mul3A_2, %dma_wait3A_934] : memref<204800x128xf32, #tpu.memory_space<hbm>> -> memref<128x128xf32, #tpu.memory_space<hbm>>
      %dma_wait3A_936 = arith.constant 0 : i32
      %dma_wait3A_937 = arith.constant 0 : i32
      %dma_wait3A_938 = tpu.memref_slice %arg8[%dma_wait3A_924, %dma_wait3A_936, %dma_wait3A_937] : memref<5x128x128xf32, #tpu.memory_space<vmem>> -> memref<1x128x128xf32, #tpu.memory_space<vmem>>
      %dma_wait3A_939 = tpu.memref_squeeze %dma_wait3A_938 : memref<1x128x128xf32, #tpu.memory_space<vmem>> -> memref<128x128xf32, #tpu.memory_space<vmem>>
      tpu.wait_dma2 semaphore(%dma_wait3A_933 : memref<!tpu.dma_semaphore, #tpu.memory_space<semaphore_mem>>) src(%dma_wait3A_939 : memref<128x128xf32, #tpu.memory_space<vmem>>) dst(%dma_wait3A_935 : memref<128x128xf32, #tpu.memory_space<hbm>>)
      %dma_start3A_940 = arith.constant 2 : i32
      %dma_start3A_941 = arith.constant 2 : i32
      %dma_start3A_942 = arith.constant 0 : i32
      %dma_start3A_943 = arith.constant 0 : i32
      %dma_start3A_944 = tpu.memref_slice %arg8[%dma_start3A_940, %dma_start3A_942, %dma_start3A_943] : memref<5x128x128xf32, #tpu.memory_space<vmem>> -> memref<1x128x128xf32, #tpu.memory_space<vmem>>
      %dma_start3A_945 = tpu.memref_squeeze %dma_start3A_944 : memref<1x128x128xf32, #tpu.memory_space<vmem>> -> memref<128x128xf32, #tpu.memory_space<vmem>>
      %dma_start3A_946 = arith.constant 0 : i32
      %dma_start3A_947 = tpu.memref_slice %arg7[%add3A_923, %dma_start3A_946] : memref<50x128xi32, #tpu.memory_space<vmem>> -> memref<1x128xi32, #tpu.memory_space<vmem>>
      %dma_start3A_948 = tpu.memref_squeeze %dma_start3A_947 : memref<1x128xi32, #tpu.memory_space<vmem>> -> memref<128xi32, #tpu.memory_space<vmem>>
      %dma_start3A_949 = arith.constant 0 : i32
      %dma_start3A_950 = arith.constant 0 : i32
      %dma_start3A_951 = tpu.memref_slice %arg2[%dma_start3A_949, %dma_start3A_950] : memref<100000x128xf32, #tpu.memory_space<hbm>> -> memref<100000x128xf32, #tpu.memory_space<hbm>>
      %dma_start3A_952 = tpu.memref_slice %arg9[%dma_start3A_941] : memref<5x!tpu.dma_semaphore, #tpu.memory_space<semaphore_mem>> -> memref<1x!tpu.dma_semaphore, #tpu.memory_space<semaphore_mem>>
      %dma_start3A_953 = tpu.memref_squeeze %dma_start3A_952 : memref<1x!tpu.dma_semaphore, #tpu.memory_space<semaphore_mem>> -> memref<!tpu.dma_semaphore, #tpu.memory_space<semaphore_mem>>
      tpu.enqueue_indirect_dma source(%dma_start3A_951 : memref<100000x128xf32, #tpu.memory_space<hbm>>) target(%dma_start3A_945 : memref<128x128xf32, #tpu.memory_space<vmem>>) offsets(%dma_start3A_948 : memref<128xi32, #tpu.memory_space<vmem>>) semaphore(%dma_start3A_953 : memref<!tpu.dma_semaphore, #tpu.memory_space<semaphore_mem>>)
      %add3A_954 = arith.constant 1 : i32
      %add3A_955 = arith.addi %scan3A_654, %add3A_954 : i32
      %mul3A_956 = arith.constant 5 : i32
      %mul3A_957 = arith.muli %add3A_955, %mul3A_956 : i32
      %add3A_958 = arith.constant 3 : i32
      %add3A_959 = arith.addi %mul3A_957, %add3A_958 : i32
      %dma_wait3A_960 = arith.constant 3 : i32
      %dma_wait3A_961 = arith.constant 3 : i32
      %dma_wait3A_962 = arith.constant 0 : i32
      %dma_wait3A_963 = arith.constant 0 : i32
      %dma_wait3A_964 = tpu.memref_slice %arg8[%dma_wait3A_960, %dma_wait3A_962, %dma_wait3A_963] : memref<5x128x128xf32, #tpu.memory_space<vmem>> -> memref<1x128x128xf32, #tpu.memory_space<vmem>>
      %dma_wait3A_965 = tpu.memref_squeeze %dma_wait3A_964 : memref<1x128x128xf32, #tpu.memory_space<vmem>> -> memref<128x128xf32, #tpu.memory_space<vmem>>
      %dma_wait3A_966 = arith.constant 0 : i32
      %dma_wait3A_967 = tpu.memref_slice %arg5[%mul3A_2, %dma_wait3A_966] : memref<204800x128xf32, #tpu.memory_space<hbm>> -> memref<128x128xf32, #tpu.memory_space<hbm>>
      %dma_wait3A_968 = tpu.memref_slice %arg10[%dma_wait3A_961] : memref<5x!tpu.dma_semaphore, #tpu.memory_space<semaphore_mem>> -> memref<1x!tpu.dma_semaphore, #tpu.memory_space<semaphore_mem>>
      %dma_wait3A_969 = tpu.memref_squeeze %dma_wait3A_968 : memref<1x!tpu.dma_semaphore, #tpu.memory_space<semaphore_mem>> -> memref<!tpu.dma_semaphore, #tpu.memory_space<semaphore_mem>>
      %dma_wait3A_970 = arith.constant 0 : i32
      %dma_wait3A_971 = tpu.memref_slice %arg5[%mul3A_2, %dma_wait3A_970] : memref<204800x128xf32, #tpu.memory_space<hbm>> -> memref<128x128xf32, #tpu.memory_space<hbm>>
      %dma_wait3A_972 = arith.constant 0 : i32
      %dma_wait3A_973 = arith.constant 0 : i32
      %dma_wait3A_974 = tpu.memref_slice %arg8[%dma_wait3A_960, %dma_wait3A_972, %dma_wait3A_973] : memref<5x128x128xf32, #tpu.memory_space<vmem>> -> memref<1x128x128xf32, #tpu.memory_space<vmem>>
      %dma_wait3A_975 = tpu.memref_squeeze %dma_wait3A_974 : memref<1x128x128xf32, #tpu.memory_space<vmem>> -> memref<128x128xf32, #tpu.memory_space<vmem>>
      tpu.wait_dma2 semaphore(%dma_wait3A_969 : memref<!tpu.dma_semaphore, #tpu.memory_space<semaphore_mem>>) src(%dma_wait3A_975 : memref<128x128xf32, #tpu.memory_space<vmem>>) dst(%dma_wait3A_971 : memref<128x128xf32, #tpu.memory_space<hbm>>)
      %dma_start3A_976 = arith.constant 3 : i32
      %dma_start3A_977 = arith.constant 3 : i32
      %dma_start3A_978 = arith.constant 0 : i32
      %dma_start3A_979 = arith.constant 0 : i32
      %dma_start3A_980 = tpu.memref_slice %arg8[%dma_start3A_976, %dma_start3A_978, %dma_start3A_979] : memref<5x128x128xf32, #tpu.memory_space<vmem>> -> memref<1x128x128xf32, #tpu.memory_space<vmem>>
      %dma_start3A_981 = tpu.memref_squeeze %dma_start3A_980 : memref<1x128x128xf32, #tpu.memory_space<vmem>> -> memref<128x128xf32, #tpu.memory_space<vmem>>
      %dma_start3A_982 = arith.constant 0 : i32
      %dma_start3A_983 = tpu.memref_slice %arg7[%add3A_959, %dma_start3A_982] : memref<50x128xi32, #tpu.memory_space<vmem>> -> memref<1x128xi32, #tpu.memory_space<vmem>>
      %dma_start3A_984 = tpu.memref_squeeze %dma_start3A_983 : memref<1x128xi32, #tpu.memory_space<vmem>> -> memref<128xi32, #tpu.memory_space<vmem>>
      %dma_start3A_985 = arith.constant 0 : i32
      %dma_start3A_986 = arith.constant 0 : i32
      %dma_start3A_987 = tpu.memref_slice %arg2[%dma_start3A_985, %dma_start3A_986] : memref<100000x128xf32, #tpu.memory_space<hbm>> -> memref<100000x128xf32, #tpu.memory_space<hbm>>
      %dma_start3A_988 = tpu.memref_slice %arg9[%dma_start3A_977] : memref<5x!tpu.dma_semaphore, #tpu.memory_space<semaphore_mem>> -> memref<1x!tpu.dma_semaphore, #tpu.memory_space<semaphore_mem>>
      %dma_start3A_989 = tpu.memref_squeeze %dma_start3A_988 : memref<1x!tpu.dma_semaphore, #tpu.memory_space<semaphore_mem>> -> memref<!tpu.dma_semaphore, #tpu.memory_space<semaphore_mem>>
      tpu.enqueue_indirect_dma source(%dma_start3A_987 : memref<100000x128xf32, #tpu.memory_space<hbm>>) target(%dma_start3A_981 : memref<128x128xf32, #tpu.memory_space<vmem>>) offsets(%dma_start3A_984 : memref<128xi32, #tpu.memory_space<vmem>>) semaphore(%dma_start3A_989 : memref<!tpu.dma_semaphore, #tpu.memory_space<semaphore_mem>>)
      %add3A_990 = arith.constant 1 : i32
      %add3A_991 = arith.addi %scan3A_654, %add3A_990 : i32
      %mul3A_992 = arith.constant 5 : i32
      %mul3A_993 = arith.muli %add3A_991, %mul3A_992 : i32
      %add3A_994 = arith.constant 4 : i32
      %add3A_995 = arith.addi %mul3A_993, %add3A_994 : i32
      %dma_wait3A_996 = arith.constant 4 : i32
      %dma_wait3A_997 = arith.constant 4 : i32
      %dma_wait3A_998 = arith.constant 0 : i32
      %dma_wait3A_999 = arith.constant 0 : i32
      %dma_wait3A_1000 = tpu.memref_slice %arg8[%dma_wait3A_996, %dma_wait3A_998, %dma_wait3A_999] : memref<5x128x128xf32, #tpu.memory_space<vmem>> -> memref<1x128x128xf32, #tpu.memory_space<vmem>>
      %dma_wait3A_1001 = tpu.memref_squeeze %dma_wait3A_1000 : memref<1x128x128xf32, #tpu.memory_space<vmem>> -> memref<128x128xf32, #tpu.memory_space<vmem>>
      %dma_wait3A_1002 = arith.constant 0 : i32
      %dma_wait3A_1003 = tpu.memref_slice %arg5[%mul3A_2, %dma_wait3A_1002] : memref<204800x128xf32, #tpu.memory_space<hbm>> -> memref<128x128xf32, #tpu.memory_space<hbm>>
      %dma_wait3A_1004 = tpu.memref_slice %arg10[%dma_wait3A_997] : memref<5x!tpu.dma_semaphore, #tpu.memory_space<semaphore_mem>> -> memref<1x!tpu.dma_semaphore, #tpu.memory_space<semaphore_mem>>
      %dma_wait3A_1005 = tpu.memref_squeeze %dma_wait3A_1004 : memref<1x!tpu.dma_semaphore, #tpu.memory_space<semaphore_mem>> -> memref<!tpu.dma_semaphore, #tpu.memory_space<semaphore_mem>>
      %dma_wait3A_1006 = arith.constant 0 : i32
      %dma_wait3A_1007 = tpu.memref_slice %arg5[%mul3A_2, %dma_wait3A_1006] : memref<204800x128xf32, #tpu.memory_space<hbm>> -> memref<128x128xf32, #tpu.memory_space<hbm>>
      %dma_wait3A_1008 = arith.constant 0 : i32
      %dma_wait3A_1009 = arith.constant 0 : i32
      %dma_wait3A_1010 = tpu.memref_slice %arg8[%dma_wait3A_996, %dma_wait3A_1008, %dma_wait3A_1009] : memref<5x128x128xf32, #tpu.memory_space<vmem>> -> memref<1x128x128xf32, #tpu.memory_space<vmem>>
      %dma_wait3A_1011 = tpu.memref_squeeze %dma_wait3A_1010 : memref<1x128x128xf32, #tpu.memory_space<vmem>> -> memref<128x128xf32, #tpu.memory_space<vmem>>
      tpu.wait_dma2 semaphore(%dma_wait3A_1005 : memref<!tpu.dma_semaphore, #tpu.memory_space<semaphore_mem>>) src(%dma_wait3A_1011 : memref<128x128xf32, #tpu.memory_space<vmem>>) dst(%dma_wait3A_1007 : memref<128x128xf32, #tpu.memory_space<hbm>>)
      %dma_start3A_1012 = arith.constant 4 : i32
      %dma_start3A_1013 = arith.constant 4 : i32
      %dma_start3A_1014 = arith.constant 0 : i32
      %dma_start3A_1015 = arith.constant 0 : i32
      %dma_start3A_1016 = tpu.memref_slice %arg8[%dma_start3A_1012, %dma_start3A_1014, %dma_start3A_1015] : memref<5x128x128xf32, #tpu.memory_space<vmem>> -> memref<1x128x128xf32, #tpu.memory_space<vmem>>
      %dma_start3A_1017 = tpu.memref_squeeze %dma_start3A_1016 : memref<1x128x128xf32, #tpu.memory_space<vmem>> -> memref<128x128xf32, #tpu.memory_space<vmem>>
      %dma_start3A_1018 = arith.constant 0 : i32
      %dma_start3A_1019 = tpu.memref_slice %arg7[%add3A_995, %dma_start3A_1018] : memref<50x128xi32, #tpu.memory_space<vmem>> -> memref<1x128xi32, #tpu.memory_space<vmem>>
      %dma_start3A_1020 = tpu.memref_squeeze %dma_start3A_1019 : memref<1x128xi32, #tpu.memory_space<vmem>> -> memref<128xi32, #tpu.memory_space<vmem>>
      %dma_start3A_1021 = arith.constant 0 : i32
      %dma_start3A_1022 = arith.constant 0 : i32
      %dma_start3A_1023 = tpu.memref_slice %arg2[%dma_start3A_1021, %dma_start3A_1022] : memref<100000x128xf32, #tpu.memory_space<hbm>> -> memref<100000x128xf32, #tpu.memory_space<hbm>>
      %dma_start3A_1024 = tpu.memref_slice %arg9[%dma_start3A_1013] : memref<5x!tpu.dma_semaphore, #tpu.memory_space<semaphore_mem>> -> memref<1x!tpu.dma_semaphore, #tpu.memory_space<semaphore_mem>>
      %dma_start3A_1025 = tpu.memref_squeeze %dma_start3A_1024 : memref<1x!tpu.dma_semaphore, #tpu.memory_space<semaphore_mem>> -> memref<!tpu.dma_semaphore, #tpu.memory_space<semaphore_mem>>
      tpu.enqueue_indirect_dma source(%dma_start3A_1023 : memref<100000x128xf32, #tpu.memory_space<hbm>>) target(%dma_start3A_1017 : memref<128x128xf32, #tpu.memory_space<vmem>>) offsets(%dma_start3A_1020 : memref<128xi32, #tpu.memory_space<vmem>>) semaphore(%dma_start3A_1025 : memref<!tpu.dma_semaphore, #tpu.memory_space<semaphore_mem>>)
      %scan3A_1026 = arith.constant 0 : i32
      scf.yield %scan3A_1026 : i32
    }
    %scan3A_82 = arith.constant 9 : i32
    %dma_wait3A = arith.constant 0 : i32
    %dma_wait3A_83 = arith.constant 0 : i32
    %dma_wait3A_84 = arith.constant 0 : i32
    %dma_wait3A_85 = arith.constant 0 : i32
    %dma_wait3A_86 = arith.constant 0 : i32
    %dma_wait3A_87 = tpu.memref_slice %arg8[%dma_wait3A_83, %dma_wait3A_85, %dma_wait3A_86] : memref<5x128x128xf32, #tpu.memory_space<vmem>> -> memref<1x128x128xf32, #tpu.memory_space<vmem>>
    %dma_wait3A_88 = tpu.memref_squeeze %dma_wait3A_87 : memref<1x128x128xf32, #tpu.memory_space<vmem>> -> memref<128x128xf32, #tpu.memory_space<vmem>>
    %dma_wait3A_89 = arith.constant 0 : i32
    %dma_wait3A_90 = tpu.memref_slice %arg7[%dma_wait3A, %dma_wait3A_89] : memref<50x128xi32, #tpu.memory_space<vmem>> -> memref<1x128xi32, #tpu.memory_space<vmem>>
    %dma_wait3A_91 = tpu.memref_squeeze %dma_wait3A_90 : memref<1x128xi32, #tpu.memory_space<vmem>> -> memref<128xi32, #tpu.memory_space<vmem>>
    %dma_wait3A_92 = arith.constant 0 : i32
    %dma_wait3A_93 = arith.constant 0 : i32
    %dma_wait3A_94 = tpu.memref_slice %arg2[%dma_wait3A_92, %dma_wait3A_93] : memref<100000x128xf32, #tpu.memory_space<hbm>> -> memref<100000x128xf32, #tpu.memory_space<hbm>>
    %dma_wait3A_95 = tpu.memref_slice %arg9[%dma_wait3A_84] : memref<5x!tpu.dma_semaphore, #tpu.memory_space<semaphore_mem>> -> memref<1x!tpu.dma_semaphore, #tpu.memory_space<semaphore_mem>>
    %dma_wait3A_96 = tpu.memref_squeeze %dma_wait3A_95 : memref<1x!tpu.dma_semaphore, #tpu.memory_space<semaphore_mem>> -> memref<!tpu.dma_semaphore, #tpu.memory_space<semaphore_mem>>
    tpu.wait_indirect_dma semaphore(%dma_wait3A_96 : memref<!tpu.dma_semaphore, #tpu.memory_space<semaphore_mem>>) src(%dma_wait3A_94 : memref<100000x128xf32, #tpu.memory_space<hbm>>) dst(%dma_wait3A_88 : memref<128x128xf32, #tpu.memory_space<vmem>>)
    %add3A_97 = arith.constant 5760 : i32
    %add3A_98 = arith.addi %mul3A_2, %add3A_97 : i32
    %dma_start3A_99 = arith.constant 0 : i32
    %dma_start3A_100 = arith.constant 0 : i32
    %dma_start3A_101 = arith.constant 0 : i32
    %dma_start3A_102 = arith.constant 0 : i32
    %dma_start3A_103 = tpu.memref_slice %arg8[%dma_start3A_99, %dma_start3A_101, %dma_start3A_102] : memref<5x128x128xf32, #tpu.memory_space<vmem>> -> memref<1x128x128xf32, #tpu.memory_space<vmem>>
    %dma_start3A_104 = tpu.memref_squeeze %dma_start3A_103 : memref<1x128x128xf32, #tpu.memory_space<vmem>> -> memref<128x128xf32, #tpu.memory_space<vmem>>
    %dma_start3A_105 = arith.constant 0 : i32
    %dma_start3A_106 = tpu.memref_slice %arg5[%add3A_98, %dma_start3A_105] : memref<204800x128xf32, #tpu.memory_space<hbm>> -> memref<128x128xf32, #tpu.memory_space<hbm>>
    %dma_start3A_107 = tpu.memref_slice %arg10[%dma_start3A_100] : memref<5x!tpu.dma_semaphore, #tpu.memory_space<semaphore_mem>> -> memref<1x!tpu.dma_semaphore, #tpu.memory_space<semaphore_mem>>
    %dma_start3A_108 = tpu.memref_squeeze %dma_start3A_107 : memref<1x!tpu.dma_semaphore, #tpu.memory_space<semaphore_mem>> -> memref<!tpu.dma_semaphore, #tpu.memory_space<semaphore_mem>>
    %dma_start3A_109 = arith.constant 0 : i32
    %dma_start3A_110 = tpu.memref_slice %arg5[%add3A_98, %dma_start3A_109] : memref<204800x128xf32, #tpu.memory_space<hbm>> -> memref<128x128xf32, #tpu.memory_space<hbm>>
    %dma_start3A_111 = arith.constant 0 : i32
    %dma_start3A_112 = arith.constant 0 : i32
    %dma_start3A_113 = tpu.memref_slice %arg8[%dma_start3A_99, %dma_start3A_111, %dma_start3A_112] : memref<5x128x128xf32, #tpu.memory_space<vmem>> -> memref<1x128x128xf32, #tpu.memory_space<vmem>>
    %dma_start3A_114 = tpu.memref_squeeze %dma_start3A_113 : memref<1x128x128xf32, #tpu.memory_space<vmem>> -> memref<128x128xf32, #tpu.memory_space<vmem>>
    tpu.enqueue_dma source(%dma_start3A_114 : memref<128x128xf32, #tpu.memory_space<vmem>>) target(%dma_start3A_110 : memref<128x128xf32, #tpu.memory_space<hbm>>) target_semaphore(%dma_start3A_108 : memref<!tpu.dma_semaphore, #tpu.memory_space<semaphore_mem>>)
    %dma_wait3A_115 = arith.constant 0 : i32
    %dma_wait3A_116 = arith.constant 1 : i32
    %dma_wait3A_117 = arith.constant 1 : i32
    %dma_wait3A_118 = arith.constant 0 : i32
    %dma_wait3A_119 = arith.constant 0 : i32
    %dma_wait3A_120 = tpu.memref_slice %arg8[%dma_wait3A_116, %dma_wait3A_118, %dma_wait3A_119] : memref<5x128x128xf32, #tpu.memory_space<vmem>> -> memref<1x128x128xf32, #tpu.memory_space<vmem>>
    %dma_wait3A_121 = tpu.memref_squeeze %dma_wait3A_120 : memref<1x128x128xf32, #tpu.memory_space<vmem>> -> memref<128x128xf32, #tpu.memory_space<vmem>>
    %dma_wait3A_122 = arith.constant 0 : i32
    %dma_wait3A_123 = tpu.memref_slice %arg7[%dma_wait3A_115, %dma_wait3A_122] : memref<50x128xi32, #tpu.memory_space<vmem>> -> memref<1x128xi32, #tpu.memory_space<vmem>>
    %dma_wait3A_124 = tpu.memref_squeeze %dma_wait3A_123 : memref<1x128xi32, #tpu.memory_space<vmem>> -> memref<128xi32, #tpu.memory_space<vmem>>
    %dma_wait3A_125 = arith.constant 0 : i32
    %dma_wait3A_126 = arith.constant 0 : i32
    %dma_wait3A_127 = tpu.memref_slice %arg2[%dma_wait3A_125, %dma_wait3A_126] : memref<100000x128xf32, #tpu.memory_space<hbm>> -> memref<100000x128xf32, #tpu.memory_space<hbm>>
    %dma_wait3A_128 = tpu.memref_slice %arg9[%dma_wait3A_117] : memref<5x!tpu.dma_semaphore, #tpu.memory_space<semaphore_mem>> -> memref<1x!tpu.dma_semaphore, #tpu.memory_space<semaphore_mem>>
    %dma_wait3A_129 = tpu.memref_squeeze %dma_wait3A_128 : memref<1x!tpu.dma_semaphore, #tpu.memory_space<semaphore_mem>> -> memref<!tpu.dma_semaphore, #tpu.memory_space<semaphore_mem>>
    tpu.wait_indirect_dma semaphore(%dma_wait3A_129 : memref<!tpu.dma_semaphore, #tpu.memory_space<semaphore_mem>>) src(%dma_wait3A_127 : memref<100000x128xf32, #tpu.memory_space<hbm>>) dst(%dma_wait3A_121 : memref<128x128xf32, #tpu.memory_space<vmem>>)
    %add3A_130 = arith.constant 5888 : i32
    %add3A_131 = arith.addi %mul3A_2, %add3A_130 : i32
    %dma_start3A_132 = arith.constant 1 : i32
    %dma_start3A_133 = arith.constant 1 : i32
    %dma_start3A_134 = arith.constant 0 : i32
    %dma_start3A_135 = arith.constant 0 : i32
    %dma_start3A_136 = tpu.memref_slice %arg8[%dma_start3A_132, %dma_start3A_134, %dma_start3A_135] : memref<5x128x128xf32, #tpu.memory_space<vmem>> -> memref<1x128x128xf32, #tpu.memory_space<vmem>>
    %dma_start3A_137 = tpu.memref_squeeze %dma_start3A_136 : memref<1x128x128xf32, #tpu.memory_space<vmem>> -> memref<128x128xf32, #tpu.memory_space<vmem>>
    %dma_start3A_138 = arith.constant 0 : i32
    %dma_start3A_139 = tpu.memref_slice %arg5[%add3A_131, %dma_start3A_138] : memref<204800x128xf32, #tpu.memory_space<hbm>> -> memref<128x128xf32, #tpu.memory_space<hbm>>
    %dma_start3A_140 = tpu.memref_slice %arg10[%dma_start3A_133] : memref<5x!tpu.dma_semaphore, #tpu.memory_space<semaphore_mem>> -> memref<1x!tpu.dma_semaphore, #tpu.memory_space<semaphore_mem>>
    %dma_start3A_141 = tpu.memref_squeeze %dma_start3A_140 : memref<1x!tpu.dma_semaphore, #tpu.memory_space<semaphore_mem>> -> memref<!tpu.dma_semaphore, #tpu.memory_space<semaphore_mem>>
    %dma_start3A_142 = arith.constant 0 : i32
    %dma_start3A_143 = tpu.memref_slice %arg5[%add3A_131, %dma_start3A_142] : memref<204800x128xf32, #tpu.memory_space<hbm>> -> memref<128x128xf32, #tpu.memory_space<hbm>>
    %dma_start3A_144 = arith.constant 0 : i32
    %dma_start3A_145 = arith.constant 0 : i32
    %dma_start3A_146 = tpu.memref_slice %arg8[%dma_start3A_132, %dma_start3A_144, %dma_start3A_145] : memref<5x128x128xf32, #tpu.memory_space<vmem>> -> memref<1x128x128xf32, #tpu.memory_space<vmem>>
    %dma_start3A_147 = tpu.memref_squeeze %dma_start3A_146 : memref<1x128x128xf32, #tpu.memory_space<vmem>> -> memref<128x128xf32, #tpu.memory_space<vmem>>
    tpu.enqueue_dma source(%dma_start3A_147 : memref<128x128xf32, #tpu.memory_space<vmem>>) target(%dma_start3A_143 : memref<128x128xf32, #tpu.memory_space<hbm>>) target_semaphore(%dma_start3A_141 : memref<!tpu.dma_semaphore, #tpu.memory_space<semaphore_mem>>)
    %dma_wait3A_148 = arith.constant 0 : i32
    %dma_wait3A_149 = arith.constant 2 : i32
    %dma_wait3A_150 = arith.constant 2 : i32
    %dma_wait3A_151 = arith.constant 0 : i32
    %dma_wait3A_152 = arith.constant 0 : i32
    %dma_wait3A_153 = tpu.memref_slice %arg8[%dma_wait3A_149, %dma_wait3A_151, %dma_wait3A_152] : memref<5x128x128xf32, #tpu.memory_space<vmem>> -> memref<1x128x128xf32, #tpu.memory_space<vmem>>
    %dma_wait3A_154 = tpu.memref_squeeze %dma_wait3A_153 : memref<1x128x128xf32, #tpu.memory_space<vmem>> -> memref<128x128xf32, #tpu.memory_space<vmem>>
    %dma_wait3A_155 = arith.constant 0 : i32
    %dma_wait3A_156 = tpu.memref_slice %arg7[%dma_wait3A_148, %dma_wait3A_155] : memref<50x128xi32, #tpu.memory_space<vmem>> -> memref<1x128xi32, #tpu.memory_space<vmem>>
    %dma_wait3A_157 = tpu.memref_squeeze %dma_wait3A_156 : memref<1x128xi32, #tpu.memory_space<vmem>> -> memref<128xi32, #tpu.memory_space<vmem>>
    %dma_wait3A_158 = arith.constant 0 : i32
    %dma_wait3A_159 = arith.constant 0 : i32
    %dma_wait3A_160 = tpu.memref_slice %arg2[%dma_wait3A_158, %dma_wait3A_159] : memref<100000x128xf32, #tpu.memory_space<hbm>> -> memref<100000x128xf32, #tpu.memory_space<hbm>>
    %dma_wait3A_161 = tpu.memref_slice %arg9[%dma_wait3A_150] : memref<5x!tpu.dma_semaphore, #tpu.memory_space<semaphore_mem>> -> memref<1x!tpu.dma_semaphore, #tpu.memory_space<semaphore_mem>>
    %dma_wait3A_162 = tpu.memref_squeeze %dma_wait3A_161 : memref<1x!tpu.dma_semaphore, #tpu.memory_space<semaphore_mem>> -> memref<!tpu.dma_semaphore, #tpu.memory_space<semaphore_mem>>
    tpu.wait_indirect_dma semaphore(%dma_wait3A_162 : memref<!tpu.dma_semaphore, #tpu.memory_space<semaphore_mem>>) src(%dma_wait3A_160 : memref<100000x128xf32, #tpu.memory_space<hbm>>) dst(%dma_wait3A_154 : memref<128x128xf32, #tpu.memory_space<vmem>>)
    %add3A_163 = arith.constant 6016 : i32
    %add3A_164 = arith.addi %mul3A_2, %add3A_163 : i32
    %dma_start3A_165 = arith.constant 2 : i32
    %dma_start3A_166 = arith.constant 2 : i32
    %dma_start3A_167 = arith.constant 0 : i32
    %dma_start3A_168 = arith.constant 0 : i32
    %dma_start3A_169 = tpu.memref_slice %arg8[%dma_start3A_165, %dma_start3A_167, %dma_start3A_168] : memref<5x128x128xf32, #tpu.memory_space<vmem>> -> memref<1x128x128xf32, #tpu.memory_space<vmem>>
    %dma_start3A_170 = tpu.memref_squeeze %dma_start3A_169 : memref<1x128x128xf32, #tpu.memory_space<vmem>> -> memref<128x128xf32, #tpu.memory_space<vmem>>
    %dma_start3A_171 = arith.constant 0 : i32
    %dma_start3A_172 = tpu.memref_slice %arg5[%add3A_164, %dma_start3A_171] : memref<204800x128xf32, #tpu.memory_space<hbm>> -> memref<128x128xf32, #tpu.memory_space<hbm>>
    %dma_start3A_173 = tpu.memref_slice %arg10[%dma_start3A_166] : memref<5x!tpu.dma_semaphore, #tpu.memory_space<semaphore_mem>> -> memref<1x!tpu.dma_semaphore, #tpu.memory_space<semaphore_mem>>
    %dma_start3A_174 = tpu.memref_squeeze %dma_start3A_173 : memref<1x!tpu.dma_semaphore, #tpu.memory_space<semaphore_mem>> -> memref<!tpu.dma_semaphore, #tpu.memory_space<semaphore_mem>>
    %dma_start3A_175 = arith.constant 0 : i32
    %dma_start3A_176 = tpu.memref_slice %arg5[%add3A_164, %dma_start3A_175] : memref<204800x128xf32, #tpu.memory_space<hbm>> -> memref<128x128xf32, #tpu.memory_space<hbm>>
    %dma_start3A_177 = arith.constant 0 : i32
    %dma_start3A_178 = arith.constant 0 : i32
    %dma_start3A_179 = tpu.memref_slice %arg8[%dma_start3A_165, %dma_start3A_177, %dma_start3A_178] : memref<5x128x128xf32, #tpu.memory_space<vmem>> -> memref<1x128x128xf32, #tpu.memory_space<vmem>>
    %dma_start3A_180 = tpu.memref_squeeze %dma_start3A_179 : memref<1x128x128xf32, #tpu.memory_space<vmem>> -> memref<128x128xf32, #tpu.memory_space<vmem>>
    tpu.enqueue_dma source(%dma_start3A_180 : memref<128x128xf32, #tpu.memory_space<vmem>>) target(%dma_start3A_176 : memref<128x128xf32, #tpu.memory_space<hbm>>) target_semaphore(%dma_start3A_174 : memref<!tpu.dma_semaphore, #tpu.memory_space<semaphore_mem>>)
    %dma_wait3A_181 = arith.constant 0 : i32
    %dma_wait3A_182 = arith.constant 3 : i32
    %dma_wait3A_183 = arith.constant 3 : i32
    %dma_wait3A_184 = arith.constant 0 : i32
    %dma_wait3A_185 = arith.constant 0 : i32
    %dma_wait3A_186 = tpu.memref_slice %arg8[%dma_wait3A_182, %dma_wait3A_184, %dma_wait3A_185] : memref<5x128x128xf32, #tpu.memory_space<vmem>> -> memref<1x128x128xf32, #tpu.memory_space<vmem>>
    %dma_wait3A_187 = tpu.memref_squeeze %dma_wait3A_186 : memref<1x128x128xf32, #tpu.memory_space<vmem>> -> memref<128x128xf32, #tpu.memory_space<vmem>>
    %dma_wait3A_188 = arith.constant 0 : i32
    %dma_wait3A_189 = tpu.memref_slice %arg7[%dma_wait3A_181, %dma_wait3A_188] : memref<50x128xi32, #tpu.memory_space<vmem>> -> memref<1x128xi32, #tpu.memory_space<vmem>>
    %dma_wait3A_190 = tpu.memref_squeeze %dma_wait3A_189 : memref<1x128xi32, #tpu.memory_space<vmem>> -> memref<128xi32, #tpu.memory_space<vmem>>
    %dma_wait3A_191 = arith.constant 0 : i32
    %dma_wait3A_192 = arith.constant 0 : i32
    %dma_wait3A_193 = tpu.memref_slice %arg2[%dma_wait3A_191, %dma_wait3A_192] : memref<100000x128xf32, #tpu.memory_space<hbm>> -> memref<100000x128xf32, #tpu.memory_space<hbm>>
    %dma_wait3A_194 = tpu.memref_slice %arg9[%dma_wait3A_183] : memref<5x!tpu.dma_semaphore, #tpu.memory_space<semaphore_mem>> -> memref<1x!tpu.dma_semaphore, #tpu.memory_space<semaphore_mem>>
    %dma_wait3A_195 = tpu.memref_squeeze %dma_wait3A_194 : memref<1x!tpu.dma_semaphore, #tpu.memory_space<semaphore_mem>> -> memref<!tpu.dma_semaphore, #tpu.memory_space<semaphore_mem>>
    tpu.wait_indirect_dma semaphore(%dma_wait3A_195 : memref<!tpu.dma_semaphore, #tpu.memory_space<semaphore_mem>>) src(%dma_wait3A_193 : memref<100000x128xf32, #tpu.memory_space<hbm>>) dst(%dma_wait3A_187 : memref<128x128xf32, #tpu.memory_space<vmem>>)
    %add3A_196 = arith.constant 6144 : i32
    %add3A_197 = arith.addi %mul3A_2, %add3A_196 : i32
    %dma_start3A_198 = arith.constant 3 : i32
    %dma_start3A_199 = arith.constant 3 : i32
    %dma_start3A_200 = arith.constant 0 : i32
    %dma_start3A_201 = arith.constant 0 : i32
    %dma_start3A_202 = tpu.memref_slice %arg8[%dma_start3A_198, %dma_start3A_200, %dma_start3A_201] : memref<5x128x128xf32, #tpu.memory_space<vmem>> -> memref<1x128x128xf32, #tpu.memory_space<vmem>>
    %dma_start3A_203 = tpu.memref_squeeze %dma_start3A_202 : memref<1x128x128xf32, #tpu.memory_space<vmem>> -> memref<128x128xf32, #tpu.memory_space<vmem>>
    %dma_start3A_204 = arith.constant 0 : i32
    %dma_start3A_205 = tpu.memref_slice %arg5[%add3A_197, %dma_start3A_204] : memref<204800x128xf32, #tpu.memory_space<hbm>> -> memref<128x128xf32, #tpu.memory_space<hbm>>
    %dma_start3A_206 = tpu.memref_slice %arg10[%dma_start3A_199] : memref<5x!tpu.dma_semaphore, #tpu.memory_space<semaphore_mem>> -> memref<1x!tpu.dma_semaphore, #tpu.memory_space<semaphore_mem>>
    %dma_start3A_207 = tpu.memref_squeeze %dma_start3A_206 : memref<1x!tpu.dma_semaphore, #tpu.memory_space<semaphore_mem>> -> memref<!tpu.dma_semaphore, #tpu.memory_space<semaphore_mem>>
    %dma_start3A_208 = arith.constant 0 : i32
    %dma_start3A_209 = tpu.memref_slice %arg5[%add3A_197, %dma_start3A_208] : memref<204800x128xf32, #tpu.memory_space<hbm>> -> memref<128x128xf32, #tpu.memory_space<hbm>>
    %dma_start3A_210 = arith.constant 0 : i32
    %dma_start3A_211 = arith.constant 0 : i32
    %dma_start3A_212 = tpu.memref_slice %arg8[%dma_start3A_198, %dma_start3A_210, %dma_start3A_211] : memref<5x128x128xf32, #tpu.memory_space<vmem>> -> memref<1x128x128xf32, #tpu.memory_space<vmem>>
    %dma_start3A_213 = tpu.memref_squeeze %dma_start3A_212 : memref<1x128x128xf32, #tpu.memory_space<vmem>> -> memref<128x128xf32, #tpu.memory_space<vmem>>
    tpu.enqueue_dma source(%dma_start3A_213 : memref<128x128xf32, #tpu.memory_space<vmem>>) target(%dma_start3A_209 : memref<128x128xf32, #tpu.memory_space<hbm>>) target_semaphore(%dma_start3A_207 : memref<!tpu.dma_semaphore, #tpu.memory_space<semaphore_mem>>)
    %dma_wait3A_214 = arith.constant 0 : i32
    %dma_wait3A_215 = arith.constant 4 : i32
    %dma_wait3A_216 = arith.constant 4 : i32
    %dma_wait3A_217 = arith.constant 0 : i32
    %dma_wait3A_218 = arith.constant 0 : i32
    %dma_wait3A_219 = tpu.memref_slice %arg8[%dma_wait3A_215, %dma_wait3A_217, %dma_wait3A_218] : memref<5x128x128xf32, #tpu.memory_space<vmem>> -> memref<1x128x128xf32, #tpu.memory_space<vmem>>
    %dma_wait3A_220 = tpu.memref_squeeze %dma_wait3A_219 : memref<1x128x128xf32, #tpu.memory_space<vmem>> -> memref<128x128xf32, #tpu.memory_space<vmem>>
    %dma_wait3A_221 = arith.constant 0 : i32
    %dma_wait3A_222 = tpu.memref_slice %arg7[%dma_wait3A_214, %dma_wait3A_221] : memref<50x128xi32, #tpu.memory_space<vmem>> -> memref<1x128xi32, #tpu.memory_space<vmem>>
    %dma_wait3A_223 = tpu.memref_squeeze %dma_wait3A_222 : memref<1x128xi32, #tpu.memory_space<vmem>> -> memref<128xi32, #tpu.memory_space<vmem>>
    %dma_wait3A_224 = arith.constant 0 : i32
    %dma_wait3A_225 = arith.constant 0 : i32
    %dma_wait3A_226 = tpu.memref_slice %arg2[%dma_wait3A_224, %dma_wait3A_225] : memref<100000x128xf32, #tpu.memory_space<hbm>> -> memref<100000x128xf32, #tpu.memory_space<hbm>>
    %dma_wait3A_227 = tpu.memref_slice %arg9[%dma_wait3A_216] : memref<5x!tpu.dma_semaphore, #tpu.memory_space<semaphore_mem>> -> memref<1x!tpu.dma_semaphore, #tpu.memory_space<semaphore_mem>>
    %dma_wait3A_228 = tpu.memref_squeeze %dma_wait3A_227 : memref<1x!tpu.dma_semaphore, #tpu.memory_space<semaphore_mem>> -> memref<!tpu.dma_semaphore, #tpu.memory_space<semaphore_mem>>
    tpu.wait_indirect_dma semaphore(%dma_wait3A_228 : memref<!tpu.dma_semaphore, #tpu.memory_space<semaphore_mem>>) src(%dma_wait3A_226 : memref<100000x128xf32, #tpu.memory_space<hbm>>) dst(%dma_wait3A_220 : memref<128x128xf32, #tpu.memory_space<vmem>>)
    %add3A_229 = arith.constant 6272 : i32
    %add3A_230 = arith.addi %mul3A_2, %add3A_229 : i32
    %dma_start3A_231 = arith.constant 4 : i32
    %dma_start3A_232 = arith.constant 4 : i32
    %dma_start3A_233 = arith.constant 0 : i32
    %dma_start3A_234 = arith.constant 0 : i32
    %dma_start3A_235 = tpu.memref_slice %arg8[%dma_start3A_231, %dma_start3A_233, %dma_start3A_234] : memref<5x128x128xf32, #tpu.memory_space<vmem>> -> memref<1x128x128xf32, #tpu.memory_space<vmem>>
    %dma_start3A_236 = tpu.memref_squeeze %dma_start3A_235 : memref<1x128x128xf32, #tpu.memory_space<vmem>> -> memref<128x128xf32, #tpu.memory_space<vmem>>
    %dma_start3A_237 = arith.constant 0 : i32
    %dma_start3A_238 = tpu.memref_slice %arg5[%add3A_230, %dma_start3A_237] : memref<204800x128xf32, #tpu.memory_space<hbm>> -> memref<128x128xf32, #tpu.memory_space<hbm>>
    %dma_start3A_239 = tpu.memref_slice %arg10[%dma_start3A_232] : memref<5x!tpu.dma_semaphore, #tpu.memory_space<semaphore_mem>> -> memref<1x!tpu.dma_semaphore, #tpu.memory_space<semaphore_mem>>
    %dma_start3A_240 = tpu.memref_squeeze %dma_start3A_239 : memref<1x!tpu.dma_semaphore, #tpu.memory_space<semaphore_mem>> -> memref<!tpu.dma_semaphore, #tpu.memory_space<semaphore_mem>>
    %dma_start3A_241 = arith.constant 0 : i32
    %dma_start3A_242 = tpu.memref_slice %arg5[%add3A_230, %dma_start3A_241] : memref<204800x128xf32, #tpu.memory_space<hbm>> -> memref<128x128xf32, #tpu.memory_space<hbm>>
    %dma_start3A_243 = arith.constant 0 : i32
    %dma_start3A_244 = arith.constant 0 : i32
    %dma_start3A_245 = tpu.memref_slice %arg8[%dma_start3A_231, %dma_start3A_243, %dma_start3A_244] : memref<5x128x128xf32, #tpu.memory_space<vmem>> -> memref<1x128x128xf32, #tpu.memory_space<vmem>>
    %dma_start3A_246 = tpu.memref_squeeze %dma_start3A_245 : memref<1x128x128xf32, #tpu.memory_space<vmem>> -> memref<128x128xf32, #tpu.memory_space<vmem>>
    tpu.enqueue_dma source(%dma_start3A_246 : memref<128x128xf32, #tpu.memory_space<vmem>>) target(%dma_start3A_242 : memref<128x128xf32, #tpu.memory_space<hbm>>) target_semaphore(%dma_start3A_240 : memref<!tpu.dma_semaphore, #tpu.memory_space<semaphore_mem>>)
    %dma_wait3A_247 = arith.constant 0 : i32
    %dma_wait3A_248 = arith.constant 0 : i32
    %dma_wait3A_249 = arith.constant 0 : i32
    %dma_wait3A_250 = arith.constant 0 : i32
    %dma_wait3A_251 = tpu.memref_slice %arg8[%dma_wait3A_247, %dma_wait3A_249, %dma_wait3A_250] : memref<5x128x128xf32, #tpu.memory_space<vmem>> -> memref<1x128x128xf32, #tpu.memory_space<vmem>>
    %dma_wait3A_252 = tpu.memref_squeeze %dma_wait3A_251 : memref<1x128x128xf32, #tpu.memory_space<vmem>> -> memref<128x128xf32, #tpu.memory_space<vmem>>
    %dma_wait3A_253 = arith.constant 0 : i32
    %dma_wait3A_254 = tpu.memref_slice %arg5[%mul3A_2, %dma_wait3A_253] : memref<204800x128xf32, #tpu.memory_space<hbm>> -> memref<128x128xf32, #tpu.memory_space<hbm>>
    %dma_wait3A_255 = tpu.memref_slice %arg10[%dma_wait3A_248] : memref<5x!tpu.dma_semaphore, #tpu.memory_space<semaphore_mem>> -> memref<1x!tpu.dma_semaphore, #tpu.memory_space<semaphore_mem>>
    %dma_wait3A_256 = tpu.memref_squeeze %dma_wait3A_255 : memref<1x!tpu.dma_semaphore, #tpu.memory_space<semaphore_mem>> -> memref<!tpu.dma_semaphore, #tpu.memory_space<semaphore_mem>>
    %dma_wait3A_257 = arith.constant 0 : i32
    %dma_wait3A_258 = tpu.memref_slice %arg5[%mul3A_2, %dma_wait3A_257] : memref<204800x128xf32, #tpu.memory_space<hbm>> -> memref<128x128xf32, #tpu.memory_space<hbm>>
    %dma_wait3A_259 = arith.constant 0 : i32
    %dma_wait3A_260 = arith.constant 0 : i32
    %dma_wait3A_261 = tpu.memref_slice %arg8[%dma_wait3A_247, %dma_wait3A_259, %dma_wait3A_260] : memref<5x128x128xf32, #tpu.memory_space<vmem>> -> memref<1x128x128xf32, #tpu.memory_space<vmem>>
    %dma_wait3A_262 = tpu.memref_squeeze %dma_wait3A_261 : memref<1x128x128xf32, #tpu.memory_space<vmem>> -> memref<128x128xf32, #tpu.memory_space<vmem>>
    tpu.wait_dma2 semaphore(%dma_wait3A_256 : memref<!tpu.dma_semaphore, #tpu.memory_space<semaphore_mem>>) src(%dma_wait3A_262 : memref<128x128xf32, #tpu.memory_space<vmem>>) dst(%dma_wait3A_258 : memref<128x128xf32, #tpu.memory_space<hbm>>)
    %dma_wait3A_263 = arith.constant 1 : i32
    %dma_wait3A_264 = arith.constant 1 : i32
    %dma_wait3A_265 = arith.constant 0 : i32
    %dma_wait3A_266 = arith.constant 0 : i32
    %dma_wait3A_267 = tpu.memref_slice %arg8[%dma_wait3A_263, %dma_wait3A_265, %dma_wait3A_266] : memref<5x128x128xf32, #tpu.memory_space<vmem>> -> memref<1x128x128xf32, #tpu.memory_space<vmem>>
    %dma_wait3A_268 = tpu.memref_squeeze %dma_wait3A_267 : memref<1x128x128xf32, #tpu.memory_space<vmem>> -> memref<128x128xf32, #tpu.memory_space<vmem>>
    %dma_wait3A_269 = arith.constant 0 : i32
    %dma_wait3A_270 = tpu.memref_slice %arg5[%mul3A_2, %dma_wait3A_269] : memref<204800x128xf32, #tpu.memory_space<hbm>> -> memref<128x128xf32, #tpu.memory_space<hbm>>
    %dma_wait3A_271 = tpu.memref_slice %arg10[%dma_wait3A_264] : memref<5x!tpu.dma_semaphore, #tpu.memory_space<semaphore_mem>> -> memref<1x!tpu.dma_semaphore, #tpu.memory_space<semaphore_mem>>
    %dma_wait3A_272 = tpu.memref_squeeze %dma_wait3A_271 : memref<1x!tpu.dma_semaphore, #tpu.memory_space<semaphore_mem>> -> memref<!tpu.dma_semaphore, #tpu.memory_space<semaphore_mem>>
    %dma_wait3A_273 = arith.constant 0 : i32
    %dma_wait3A_274 = tpu.memref_slice %arg5[%mul3A_2, %dma_wait3A_273] : memref<204800x128xf32, #tpu.memory_space<hbm>> -> memref<128x128xf32, #tpu.memory_space<hbm>>
    %dma_wait3A_275 = arith.constant 0 : i32
    %dma_wait3A_276 = arith.constant 0 : i32
    %dma_wait3A_277 = tpu.memref_slice %arg8[%dma_wait3A_263, %dma_wait3A_275, %dma_wait3A_276] : memref<5x128x128xf32, #tpu.memory_space<vmem>> -> memref<1x128x128xf32, #tpu.memory_space<vmem>>
    %dma_wait3A_278 = tpu.memref_squeeze %dma_wait3A_277 : memref<1x128x128xf32, #tpu.memory_space<vmem>> -> memref<128x128xf32, #tpu.memory_space<vmem>>
    tpu.wait_dma2 semaphore(%dma_wait3A_272 : memref<!tpu.dma_semaphore, #tpu.memory_space<semaphore_mem>>) src(%dma_wait3A_278 : memref<128x128xf32, #tpu.memory_space<vmem>>) dst(%dma_wait3A_274 : memref<128x128xf32, #tpu.memory_space<hbm>>)
    %dma_wait3A_279 = arith.constant 2 : i32
    %dma_wait3A_280 = arith.constant 2 : i32
    %dma_wait3A_281 = arith.constant 0 : i32
    %dma_wait3A_282 = arith.constant 0 : i32
    %dma_wait3A_283 = tpu.memref_slice %arg8[%dma_wait3A_279, %dma_wait3A_281, %dma_wait3A_282] : memref<5x128x128xf32, #tpu.memory_space<vmem>> -> memref<1x128x128xf32, #tpu.memory_space<vmem>>
    %dma_wait3A_284 = tpu.memref_squeeze %dma_wait3A_283 : memref<1x128x128xf32, #tpu.memory_space<vmem>> -> memref<128x128xf32, #tpu.memory_space<vmem>>
    %dma_wait3A_285 = arith.constant 0 : i32
    %dma_wait3A_286 = tpu.memref_slice %arg5[%mul3A_2, %dma_wait3A_285] : memref<204800x128xf32, #tpu.memory_space<hbm>> -> memref<128x128xf32, #tpu.memory_space<hbm>>
    %dma_wait3A_287 = tpu.memref_slice %arg10[%dma_wait3A_280] : memref<5x!tpu.dma_semaphore, #tpu.memory_space<semaphore_mem>> -> memref<1x!tpu.dma_semaphore, #tpu.memory_space<semaphore_mem>>
    %dma_wait3A_288 = tpu.memref_squeeze %dma_wait3A_287 : memref<1x!tpu.dma_semaphore, #tpu.memory_space<semaphore_mem>> -> memref<!tpu.dma_semaphore, #tpu.memory_space<semaphore_mem>>
    %dma_wait3A_289 = arith.constant 0 : i32
    %dma_wait3A_290 = tpu.memref_slice %arg5[%mul3A_2, %dma_wait3A_289] : memref<204800x128xf32, #tpu.memory_space<hbm>> -> memref<128x128xf32, #tpu.memory_space<hbm>>
    %dma_wait3A_291 = arith.constant 0 : i32
    %dma_wait3A_292 = arith.constant 0 : i32
    %dma_wait3A_293 = tpu.memref_slice %arg8[%dma_wait3A_279, %dma_wait3A_291, %dma_wait3A_292] : memref<5x128x128xf32, #tpu.memory_space<vmem>> -> memref<1x128x128xf32, #tpu.memory_space<vmem>>
    %dma_wait3A_294 = tpu.memref_squeeze %dma_wait3A_293 : memref<1x128x128xf32, #tpu.memory_space<vmem>> -> memref<128x128xf32, #tpu.memory_space<vmem>>
    tpu.wait_dma2 semaphore(%dma_wait3A_288 : memref<!tpu.dma_semaphore, #tpu.memory_space<semaphore_mem>>) src(%dma_wait3A_294 : memref<128x128xf32, #tpu.memory_space<vmem>>) dst(%dma_wait3A_290 : memref<128x128xf32, #tpu.memory_space<hbm>>)
    %dma_wait3A_295 = arith.constant 3 : i32
    %dma_wait3A_296 = arith.constant 3 : i32
    %dma_wait3A_297 = arith.constant 0 : i32
    %dma_wait3A_298 = arith.constant 0 : i32
    %dma_wait3A_299 = tpu.memref_slice %arg8[%dma_wait3A_295, %dma_wait3A_297, %dma_wait3A_298] : memref<5x128x128xf32, #tpu.memory_space<vmem>> -> memref<1x128x128xf32, #tpu.memory_space<vmem>>
    %dma_wait3A_300 = tpu.memref_squeeze %dma_wait3A_299 : memref<1x128x128xf32, #tpu.memory_space<vmem>> -> memref<128x128xf32, #tpu.memory_space<vmem>>
    %dma_wait3A_301 = arith.constant 0 : i32
    %dma_wait3A_302 = tpu.memref_slice %arg5[%mul3A_2, %dma_wait3A_301] : memref<204800x128xf32, #tpu.memory_space<hbm>> -> memref<128x128xf32, #tpu.memory_space<hbm>>
    %dma_wait3A_303 = tpu.memref_slice %arg10[%dma_wait3A_296] : memref<5x!tpu.dma_semaphore, #tpu.memory_space<semaphore_mem>> -> memref<1x!tpu.dma_semaphore, #tpu.memory_space<semaphore_mem>>
    %dma_wait3A_304 = tpu.memref_squeeze %dma_wait3A_303 : memref<1x!tpu.dma_semaphore, #tpu.memory_space<semaphore_mem>> -> memref<!tpu.dma_semaphore, #tpu.memory_space<semaphore_mem>>
    %dma_wait3A_305 = arith.constant 0 : i32
    %dma_wait3A_306 = tpu.memref_slice %arg5[%mul3A_2, %dma_wait3A_305] : memref<204800x128xf32, #tpu.memory_space<hbm>> -> memref<128x128xf32, #tpu.memory_space<hbm>>
    %dma_wait3A_307 = arith.constant 0 : i32
    %dma_wait3A_308 = arith.constant 0 : i32
    %dma_wait3A_309 = tpu.memref_slice %arg8[%dma_wait3A_295, %dma_wait3A_307, %dma_wait3A_308] : memref<5x128x128xf32, #tpu.memory_space<vmem>> -> memref<1x128x128xf32, #tpu.memory_space<vmem>>
    %dma_wait3A_310 = tpu.memref_squeeze %dma_wait3A_309 : memref<1x128x128xf32, #tpu.memory_space<vmem>> -> memref<128x128xf32, #tpu.memory_space<vmem>>
    tpu.wait_dma2 semaphore(%dma_wait3A_304 : memref<!tpu.dma_semaphore, #tpu.memory_space<semaphore_mem>>) src(%dma_wait3A_310 : memref<128x128xf32, #tpu.memory_space<vmem>>) dst(%dma_wait3A_306 : memref<128x128xf32, #tpu.memory_space<hbm>>)
    %dma_wait3A_311 = arith.constant 4 : i32
    %dma_wait3A_312 = arith.constant 4 : i32
    %dma_wait3A_313 = arith.constant 0 : i32
    %dma_wait3A_314 = arith.constant 0 : i32
    %dma_wait3A_315 = tpu.memref_slice %arg8[%dma_wait3A_311, %dma_wait3A_313, %dma_wait3A_314] : memref<5x128x128xf32, #tpu.memory_space<vmem>> -> memref<1x128x128xf32, #tpu.memory_space<vmem>>
    %dma_wait3A_316 = tpu.memref_squeeze %dma_wait3A_315 : memref<1x128x128xf32, #tpu.memory_space<vmem>> -> memref<128x128xf32, #tpu.memory_space<vmem>>
    %dma_wait3A_317 = arith.constant 0 : i32
    %dma_wait3A_318 = tpu.memref_slice %arg5[%mul3A_2, %dma_wait3A_317] : memref<204800x128xf32, #tpu.memory_space<hbm>> -> memref<128x128xf32, #tpu.memory_space<hbm>>
    %dma_wait3A_319 = tpu.memref_slice %arg10[%dma_wait3A_312] : memref<5x!tpu.dma_semaphore, #tpu.memory_space<semaphore_mem>> -> memref<1x!tpu.dma_semaphore, #tpu.memory_space<semaphore_mem>>
    %dma_wait3A_320 = tpu.memref_squeeze %dma_wait3A_319 : memref<1x!tpu.dma_semaphore, #tpu.memory_space<semaphore_mem>> -> memref<!tpu.dma_semaphore, #tpu.memory_space<semaphore_mem>>
    %dma_wait3A_321 = arith.constant 0 : i32
    %dma_wait3A_322 = tpu.memref_slice %arg5[%mul3A_2, %dma_wait3A_321] : memref<204800x128xf32, #tpu.memory_space<hbm>> -> memref<128x128xf32, #tpu.memory_space<hbm>>
    %dma_wait3A_323 = arith.constant 0 : i32
    %dma_wait3A_324 = arith.constant 0 : i32
    %dma_wait3A_325 = tpu.memref_slice %arg8[%dma_wait3A_311, %dma_wait3A_323, %dma_wait3A_324] : memref<5x128x128xf32, #tpu.memory_space<vmem>> -> memref<1x128x128xf32, #tpu.memory_space<vmem>>
    %dma_wait3A_326 = tpu.memref_squeeze %dma_wait3A_325 : memref<1x128x128xf32, #tpu.memory_space<vmem>> -> memref<128x128xf32, #tpu.memory_space<vmem>>
    tpu.wait_dma2 semaphore(%dma_wait3A_320 : memref<!tpu.dma_semaphore, #tpu.memory_space<semaphore_mem>>) src(%dma_wait3A_326 : memref<128x128xf32, #tpu.memory_space<vmem>>) dst(%dma_wait3A_322 : memref<128x128xf32, #tpu.memory_space<hbm>>)
    "tpu.region"() ({
      %run_scoped3A = tpu.sem_alloc : memref<!tpu.dma_semaphore, #tpu.memory_space<semaphore_mem>>
      %dma_start3A_654 = arith.constant 0 : i32
      %dma_start3A_655 = arith.constant 0 : i32
      %dma_start3A_656 = tpu.memref_slice %arg4[%add3A, %dma_start3A_654, %dma_start3A_655] : memref<32x50x128xi32, #tpu.memory_space<hbm>> -> memref<1x50x128xi32, #tpu.memory_space<hbm>>
      %dma_start3A_657 = tpu.memref_squeeze %dma_start3A_656 : memref<1x50x128xi32, #tpu.memory_space<hbm>> -> memref<50x128xi32, #tpu.memory_space<hbm>>
      %dma_start3A_658 = arith.constant 0 : i32
      %dma_start3A_659 = arith.constant 0 : i32
      %dma_start3A_660 = tpu.memref_slice %arg4[%add3A, %dma_start3A_658, %dma_start3A_659] : memref<32x50x128xi32, #tpu.memory_space<hbm>> -> memref<1x50x128xi32, #tpu.memory_space<hbm>>
      %dma_start3A_661 = tpu.memref_squeeze %dma_start3A_660 : memref<1x50x128xi32, #tpu.memory_space<hbm>> -> memref<50x128xi32, #tpu.memory_space<hbm>>
      tpu.enqueue_dma source(%dma_start3A_661 : memref<50x128xi32, #tpu.memory_space<hbm>>) target(%arg7 : memref<50x128xi32, #tpu.memory_space<vmem>>) target_semaphore(%run_scoped3A : memref<!tpu.dma_semaphore, #tpu.memory_space<semaphore_mem>>)
      %dma_wait3A_662 = arith.constant 0 : i32
      %dma_wait3A_663 = arith.constant 0 : i32
      %dma_wait3A_664 = tpu.memref_slice %arg4[%add3A, %dma_wait3A_662, %dma_wait3A_663] : memref<32x50x128xi32, #tpu.memory_space<hbm>> -> memref<1x50x128xi32, #tpu.memory_space<hbm>>
      %dma_wait3A_665 = tpu.memref_squeeze %dma_wait3A_664 : memref<1x50x128xi32, #tpu.memory_space<hbm>> -> memref<50x128xi32, #tpu.memory_space<hbm>>
      %dma_wait3A_666 = arith.constant 0 : i32
      %dma_wait3A_667 = arith.constant 0 : i32
      %dma_wait3A_668 = tpu.memref_slice %arg4[%add3A, %dma_wait3A_666, %dma_wait3A_667] : memref<32x50x128xi32, #tpu.memory_space<hbm>> -> memref<1x50x128xi32, #tpu.memory_space<hbm>>
      %dma_wait3A_669 = tpu.memref_squeeze %dma_wait3A_668 : memref<1x50x128xi32, #tpu.memory_space<hbm>> -> memref<50x128xi32, #tpu.memory_space<hbm>>
      tpu.wait_dma2 semaphore(%run_scoped3A : memref<!tpu.dma_semaphore, #tpu.memory_space<semaphore_mem>>) src(%dma_wait3A_669 : memref<50x128xi32, #tpu.memory_space<hbm>>) dst(%arg7 : memref<50x128xi32, #tpu.memory_space<vmem>>)
      tpu.yield
    }) : () -> ()
    %dma_start3A_327 = arith.constant 0 : i32
    %dma_start3A_328 = arith.constant 0 : i32
    %dma_start3A_329 = arith.constant 0 : i32
    %dma_start3A_330 = arith.constant 0 : i32
    %dma_start3A_331 = arith.constant 0 : i32
    %dma_start3A_332 = tpu.memref_slice %arg8[%dma_start3A_328, %dma_start3A_330, %dma_start3A_331] : memref<5x128x128xf32, #tpu.memory_space<vmem>> -> memref<1x128x128xf32, #tpu.memory_space<vmem>>
    %dma_start3A_333 = tpu.memref_squeeze %dma_start3A_332 : memref<1x128x128xf32, #tpu.memory_space<vmem>> -> memref<128x128xf32, #tpu.memory_space<vmem>>
    %dma_start3A_334 = arith.constant 0 : i32
    %dma_start3A_335 = tpu.memref_slice %arg7[%dma_start3A_327, %dma_start3A_334] : memref<50x128xi32, #tpu.memory_space<vmem>> -> memref<1x128xi32, #tpu.memory_space<vmem>>
    %dma_start3A_336 = tpu.memref_squeeze %dma_start3A_335 : memref<1x128xi32, #tpu.memory_space<vmem>> -> memref<128xi32, #tpu.memory_space<vmem>>
    %dma_start3A_337 = arith.constant 0 : i32
    %dma_start3A_338 = arith.constant 0 : i32
    %dma_start3A_339 = tpu.memref_slice %arg2[%dma_start3A_337, %dma_start3A_338] : memref<100000x128xf32, #tpu.memory_space<hbm>> -> memref<100000x128xf32, #tpu.memory_space<hbm>>
    %dma_start3A_340 = tpu.memref_slice %arg9[%dma_start3A_329] : memref<5x!tpu.dma_semaphore, #tpu.memory_space<semaphore_mem>> -> memref<1x!tpu.dma_semaphore, #tpu.memory_space<semaphore_mem>>
    %dma_start3A_341 = tpu.memref_squeeze %dma_start3A_340 : memref<1x!tpu.dma_semaphore, #tpu.memory_space<semaphore_mem>> -> memref<!tpu.dma_semaphore, #tpu.memory_space<semaphore_mem>>
    tpu.enqueue_indirect_dma source(%dma_start3A_339 : memref<100000x128xf32, #tpu.memory_space<hbm>>) target(%dma_start3A_333 : memref<128x128xf32, #tpu.memory_space<vmem>>) offsets(%dma_start3A_336 : memref<128xi32, #tpu.memory_space<vmem>>) semaphore(%dma_start3A_341 : memref<!tpu.dma_semaphore, #tpu.memory_space<semaphore_mem>>)
    %dma_start3A_342 = arith.constant 1 : i32
    %dma_start3A_343 = arith.constant 1 : i32
    %dma_start3A_344 = arith.constant 1 : i32
    %dma_start3A_345 = arith.constant 0 : i32
    %dma_start3A_346 = arith.constant 0 : i32
    %dma_start3A_347 = tpu.memref_slice %arg8[%dma_start3A_343, %dma_start3A_345, %dma_start3A_346] : memref<5x128x128xf32, #tpu.memory_space<vmem>> -> memref<1x128x128xf32, #tpu.memory_space<vmem>>
    %dma_start3A_348 = tpu.memref_squeeze %dma_start3A_347 : memref<1x128x128xf32, #tpu.memory_space<vmem>> -> memref<128x128xf32, #tpu.memory_space<vmem>>
    %dma_start3A_349 = arith.constant 0 : i32
    %dma_start3A_350 = tpu.memref_slice %arg7[%dma_start3A_342, %dma_start3A_349] : memref<50x128xi32, #tpu.memory_space<vmem>> -> memref<1x128xi32, #tpu.memory_space<vmem>>
    %dma_start3A_351 = tpu.memref_squeeze %dma_start3A_350 : memref<1x128xi32, #tpu.memory_space<vmem>> -> memref<128xi32, #tpu.memory_space<vmem>>
    %dma_start3A_352 = arith.constant 0 : i32
    %dma_start3A_353 = arith.constant 0 : i32
    %dma_start3A_354 = tpu.memref_slice %arg2[%dma_start3A_352, %dma_start3A_353] : memref<100000x128xf32, #tpu.memory_space<hbm>> -> memref<100000x128xf32, #tpu.memory_space<hbm>>
    %dma_start3A_355 = tpu.memref_slice %arg9[%dma_start3A_344] : memref<5x!tpu.dma_semaphore, #tpu.memory_space<semaphore_mem>> -> memref<1x!tpu.dma_semaphore, #tpu.memory_space<semaphore_mem>>
    %dma_start3A_356 = tpu.memref_squeeze %dma_start3A_355 : memref<1x!tpu.dma_semaphore, #tpu.memory_space<semaphore_mem>> -> memref<!tpu.dma_semaphore, #tpu.memory_space<semaphore_mem>>
    tpu.enqueue_indirect_dma source(%dma_start3A_354 : memref<100000x128xf32, #tpu.memory_space<hbm>>) target(%dma_start3A_348 : memref<128x128xf32, #tpu.memory_space<vmem>>) offsets(%dma_start3A_351 : memref<128xi32, #tpu.memory_space<vmem>>) semaphore(%dma_start3A_356 : memref<!tpu.dma_semaphore, #tpu.memory_space<semaphore_mem>>)
    %dma_start3A_357 = arith.constant 2 : i32
    %dma_start3A_358 = arith.constant 2 : i32
    %dma_start3A_359 = arith.constant 2 : i32
    %dma_start3A_360 = arith.constant 0 : i32
    %dma_start3A_361 = arith.constant 0 : i32
    %dma_start3A_362 = tpu.memref_slice %arg8[%dma_start3A_358, %dma_start3A_360, %dma_start3A_361] : memref<5x128x128xf32, #tpu.memory_space<vmem>> -> memref<1x128x128xf32, #tpu.memory_space<vmem>>
    %dma_start3A_363 = tpu.memref_squeeze %dma_start3A_362 : memref<1x128x128xf32, #tpu.memory_space<vmem>> -> memref<128x128xf32, #tpu.memory_space<vmem>>
    %dma_start3A_364 = arith.constant 0 : i32
    %dma_start3A_365 = tpu.memref_slice %arg7[%dma_start3A_357, %dma_start3A_364] : memref<50x128xi32, #tpu.memory_space<vmem>> -> memref<1x128xi32, #tpu.memory_space<vmem>>
    %dma_start3A_366 = tpu.memref_squeeze %dma_start3A_365 : memref<1x128xi32, #tpu.memory_space<vmem>> -> memref<128xi32, #tpu.memory_space<vmem>>
    %dma_start3A_367 = arith.constant 0 : i32
    %dma_start3A_368 = arith.constant 0 : i32
    %dma_start3A_369 = tpu.memref_slice %arg2[%dma_start3A_367, %dma_start3A_368] : memref<100000x128xf32, #tpu.memory_space<hbm>> -> memref<100000x128xf32, #tpu.memory_space<hbm>>
    %dma_start3A_370 = tpu.memref_slice %arg9[%dma_start3A_359] : memref<5x!tpu.dma_semaphore, #tpu.memory_space<semaphore_mem>> -> memref<1x!tpu.dma_semaphore, #tpu.memory_space<semaphore_mem>>
    %dma_start3A_371 = tpu.memref_squeeze %dma_start3A_370 : memref<1x!tpu.dma_semaphore, #tpu.memory_space<semaphore_mem>> -> memref<!tpu.dma_semaphore, #tpu.memory_space<semaphore_mem>>
    tpu.enqueue_indirect_dma source(%dma_start3A_369 : memref<100000x128xf32, #tpu.memory_space<hbm>>) target(%dma_start3A_363 : memref<128x128xf32, #tpu.memory_space<vmem>>) offsets(%dma_start3A_366 : memref<128xi32, #tpu.memory_space<vmem>>) semaphore(%dma_start3A_371 : memref<!tpu.dma_semaphore, #tpu.memory_space<semaphore_mem>>)
    %dma_start3A_372 = arith.constant 3 : i32
    %dma_start3A_373 = arith.constant 3 : i32
    %dma_start3A_374 = arith.constant 3 : i32
    %dma_start3A_375 = arith.constant 0 : i32
    %dma_start3A_376 = arith.constant 0 : i32
    %dma_start3A_377 = tpu.memref_slice %arg8[%dma_start3A_373, %dma_start3A_375, %dma_start3A_376] : memref<5x128x128xf32, #tpu.memory_space<vmem>> -> memref<1x128x128xf32, #tpu.memory_space<vmem>>
    %dma_start3A_378 = tpu.memref_squeeze %dma_start3A_377 : memref<1x128x128xf32, #tpu.memory_space<vmem>> -> memref<128x128xf32, #tpu.memory_space<vmem>>
    %dma_start3A_379 = arith.constant 0 : i32
    %dma_start3A_380 = tpu.memref_slice %arg7[%dma_start3A_372, %dma_start3A_379] : memref<50x128xi32, #tpu.memory_space<vmem>> -> memref<1x128xi32, #tpu.memory_space<vmem>>
    %dma_start3A_381 = tpu.memref_squeeze %dma_start3A_380 : memref<1x128xi32, #tpu.memory_space<vmem>> -> memref<128xi32, #tpu.memory_space<vmem>>
    %dma_start3A_382 = arith.constant 0 : i32
    %dma_start3A_383 = arith.constant 0 : i32
    %dma_start3A_384 = tpu.memref_slice %arg2[%dma_start3A_382, %dma_start3A_383] : memref<100000x128xf32, #tpu.memory_space<hbm>> -> memref<100000x128xf32, #tpu.memory_space<hbm>>
    %dma_start3A_385 = tpu.memref_slice %arg9[%dma_start3A_374] : memref<5x!tpu.dma_semaphore, #tpu.memory_space<semaphore_mem>> -> memref<1x!tpu.dma_semaphore, #tpu.memory_space<semaphore_mem>>
    %dma_start3A_386 = tpu.memref_squeeze %dma_start3A_385 : memref<1x!tpu.dma_semaphore, #tpu.memory_space<semaphore_mem>> -> memref<!tpu.dma_semaphore, #tpu.memory_space<semaphore_mem>>
    tpu.enqueue_indirect_dma source(%dma_start3A_384 : memref<100000x128xf32, #tpu.memory_space<hbm>>) target(%dma_start3A_378 : memref<128x128xf32, #tpu.memory_space<vmem>>) offsets(%dma_start3A_381 : memref<128xi32, #tpu.memory_space<vmem>>) semaphore(%dma_start3A_386 : memref<!tpu.dma_semaphore, #tpu.memory_space<semaphore_mem>>)
    %dma_start3A_387 = arith.constant 4 : i32
    %dma_start3A_388 = arith.constant 4 : i32
    %dma_start3A_389 = arith.constant 4 : i32
    %dma_start3A_390 = arith.constant 0 : i32
    %dma_start3A_391 = arith.constant 0 : i32
    %dma_start3A_392 = tpu.memref_slice %arg8[%dma_start3A_388, %dma_start3A_390, %dma_start3A_391] : memref<5x128x128xf32, #tpu.memory_space<vmem>> -> memref<1x128x128xf32, #tpu.memory_space<vmem>>
    %dma_start3A_393 = tpu.memref_squeeze %dma_start3A_392 : memref<1x128x128xf32, #tpu.memory_space<vmem>> -> memref<128x128xf32, #tpu.memory_space<vmem>>
    %dma_start3A_394 = arith.constant 0 : i32
    %dma_start3A_395 = tpu.memref_slice %arg7[%dma_start3A_387, %dma_start3A_394] : memref<50x128xi32, #tpu.memory_space<vmem>> -> memref<1x128xi32, #tpu.memory_space<vmem>>
    %dma_start3A_396 = tpu.memref_squeeze %dma_start3A_395 : memref<1x128xi32, #tpu.memory_space<vmem>> -> memref<128xi32, #tpu.memory_space<vmem>>
    %dma_start3A_397 = arith.constant 0 : i32
    %dma_start3A_398 = arith.constant 0 : i32
    %dma_start3A_399 = tpu.memref_slice %arg2[%dma_start3A_397, %dma_start3A_398] : memref<100000x128xf32, #tpu.memory_space<hbm>> -> memref<100000x128xf32, #tpu.memory_space<hbm>>
    %dma_start3A_400 = tpu.memref_slice %arg9[%dma_start3A_389] : memref<5x!tpu.dma_semaphore, #tpu.memory_space<semaphore_mem>> -> memref<1x!tpu.dma_semaphore, #tpu.memory_space<semaphore_mem>>
    %dma_start3A_401 = tpu.memref_squeeze %dma_start3A_400 : memref<1x!tpu.dma_semaphore, #tpu.memory_space<semaphore_mem>> -> memref<!tpu.dma_semaphore, #tpu.memory_space<semaphore_mem>>
    tpu.enqueue_indirect_dma source(%dma_start3A_399 : memref<100000x128xf32, #tpu.memory_space<hbm>>) target(%dma_start3A_393 : memref<128x128xf32, #tpu.memory_space<vmem>>) offsets(%dma_start3A_396 : memref<128xi32, #tpu.memory_space<vmem>>) semaphore(%dma_start3A_401 : memref<!tpu.dma_semaphore, #tpu.memory_space<semaphore_mem>>)
    %scan3A_402 = arith.constant 0 : i32
    %scan3A_403 = arith.constant 0 : i32
    %scan3A_404 = arith.constant 9 : i32
    %scan3A_405 = arith.addi %scan3A_403, %scan3A_404 : i32
    %scan3A_406 = arith.constant 1 : i32
    %scan3A_407 = scf.for %scan3A_654 = %scan3A_403 to %scan3A_405 step %scan3A_406 iter_args(%scan3A_655 = %scan3A_402) -> (i32)  : i32 {
      %mul3A_656 = arith.constant 5 : i32
      %mul3A_657 = arith.muli %scan3A_654, %mul3A_656 : i32
      %add3A_658 = arith.constant 0 : i32
      %add3A_659 = arith.addi %mul3A_657, %add3A_658 : i32
      %dma_wait3A_660 = arith.constant 0 : i32
      %dma_wait3A_661 = arith.constant 0 : i32
      %dma_wait3A_662 = arith.constant 0 : i32
      %dma_wait3A_663 = arith.constant 0 : i32
      %dma_wait3A_664 = arith.constant 0 : i32
      %dma_wait3A_665 = tpu.memref_slice %arg8[%dma_wait3A_661, %dma_wait3A_663, %dma_wait3A_664] : memref<5x128x128xf32, #tpu.memory_space<vmem>> -> memref<1x128x128xf32, #tpu.memory_space<vmem>>
      %dma_wait3A_666 = tpu.memref_squeeze %dma_wait3A_665 : memref<1x128x128xf32, #tpu.memory_space<vmem>> -> memref<128x128xf32, #tpu.memory_space<vmem>>
      %dma_wait3A_667 = arith.constant 0 : i32
      %dma_wait3A_668 = tpu.memref_slice %arg7[%dma_wait3A_660, %dma_wait3A_667] : memref<50x128xi32, #tpu.memory_space<vmem>> -> memref<1x128xi32, #tpu.memory_space<vmem>>
      %dma_wait3A_669 = tpu.memref_squeeze %dma_wait3A_668 : memref<1x128xi32, #tpu.memory_space<vmem>> -> memref<128xi32, #tpu.memory_space<vmem>>
      %dma_wait3A_670 = arith.constant 0 : i32
      %dma_wait3A_671 = arith.constant 0 : i32
      %dma_wait3A_672 = tpu.memref_slice %arg2[%dma_wait3A_670, %dma_wait3A_671] : memref<100000x128xf32, #tpu.memory_space<hbm>> -> memref<100000x128xf32, #tpu.memory_space<hbm>>
      %dma_wait3A_673 = tpu.memref_slice %arg9[%dma_wait3A_662] : memref<5x!tpu.dma_semaphore, #tpu.memory_space<semaphore_mem>> -> memref<1x!tpu.dma_semaphore, #tpu.memory_space<semaphore_mem>>
      %dma_wait3A_674 = tpu.memref_squeeze %dma_wait3A_673 : memref<1x!tpu.dma_semaphore, #tpu.memory_space<semaphore_mem>> -> memref<!tpu.dma_semaphore, #tpu.memory_space<semaphore_mem>>
      tpu.wait_indirect_dma semaphore(%dma_wait3A_674 : memref<!tpu.dma_semaphore, #tpu.memory_space<semaphore_mem>>) src(%dma_wait3A_672 : memref<100000x128xf32, #tpu.memory_space<hbm>>) dst(%dma_wait3A_666 : memref<128x128xf32, #tpu.memory_space<vmem>>)
      %mul3A_675 = arith.constant 128 : i32
      %mul3A_676 = arith.muli %add3A_659, %mul3A_675 : i32
      %add3A_677 = arith.addi %mul3A_2, %mul3A_676 : i32
      %dma_start3A_678 = arith.constant 0 : i32
      %dma_start3A_679 = arith.constant 0 : i32
      %dma_start3A_680 = arith.constant 0 : i32
      %dma_start3A_681 = arith.constant 0 : i32
      %dma_start3A_682 = tpu.memref_slice %arg8[%dma_start3A_678, %dma_start3A_680, %dma_start3A_681] : memref<5x128x128xf32, #tpu.memory_space<vmem>> -> memref<1x128x128xf32, #tpu.memory_space<vmem>>
      %dma_start3A_683 = tpu.memref_squeeze %dma_start3A_682 : memref<1x128x128xf32, #tpu.memory_space<vmem>> -> memref<128x128xf32, #tpu.memory_space<vmem>>
      %dma_start3A_684 = arith.constant 0 : i32
      %dma_start3A_685 = tpu.memref_slice %arg6[%add3A_677, %dma_start3A_684] : memref<204800x128xf32, #tpu.memory_space<hbm>> -> memref<128x128xf32, #tpu.memory_space<hbm>>
      %dma_start3A_686 = tpu.memref_slice %arg10[%dma_start3A_679] : memref<5x!tpu.dma_semaphore, #tpu.memory_space<semaphore_mem>> -> memref<1x!tpu.dma_semaphore, #tpu.memory_space<semaphore_mem>>
      %dma_start3A_687 = tpu.memref_squeeze %dma_start3A_686 : memref<1x!tpu.dma_semaphore, #tpu.memory_space<semaphore_mem>> -> memref<!tpu.dma_semaphore, #tpu.memory_space<semaphore_mem>>
      %dma_start3A_688 = arith.constant 0 : i32
      %dma_start3A_689 = tpu.memref_slice %arg6[%add3A_677, %dma_start3A_688] : memref<204800x128xf32, #tpu.memory_space<hbm>> -> memref<128x128xf32, #tpu.memory_space<hbm>>
      %dma_start3A_690 = arith.constant 0 : i32
      %dma_start3A_691 = arith.constant 0 : i32
      %dma_start3A_692 = tpu.memref_slice %arg8[%dma_start3A_678, %dma_start3A_690, %dma_start3A_691] : memref<5x128x128xf32, #tpu.memory_space<vmem>> -> memref<1x128x128xf32, #tpu.memory_space<vmem>>
      %dma_start3A_693 = tpu.memref_squeeze %dma_start3A_692 : memref<1x128x128xf32, #tpu.memory_space<vmem>> -> memref<128x128xf32, #tpu.memory_space<vmem>>
      tpu.enqueue_dma source(%dma_start3A_693 : memref<128x128xf32, #tpu.memory_space<vmem>>) target(%dma_start3A_689 : memref<128x128xf32, #tpu.memory_space<hbm>>) target_semaphore(%dma_start3A_687 : memref<!tpu.dma_semaphore, #tpu.memory_space<semaphore_mem>>)
      %mul3A_694 = arith.constant 5 : i32
      %mul3A_695 = arith.muli %scan3A_654, %mul3A_694 : i32
      %add3A_696 = arith.constant 1 : i32
      %add3A_697 = arith.addi %mul3A_695, %add3A_696 : i32
      %dma_wait3A_698 = arith.constant 0 : i32
      %dma_wait3A_699 = arith.constant 1 : i32
      %dma_wait3A_700 = arith.constant 1 : i32
      %dma_wait3A_701 = arith.constant 0 : i32
      %dma_wait3A_702 = arith.constant 0 : i32
      %dma_wait3A_703 = tpu.memref_slice %arg8[%dma_wait3A_699, %dma_wait3A_701, %dma_wait3A_702] : memref<5x128x128xf32, #tpu.memory_space<vmem>> -> memref<1x128x128xf32, #tpu.memory_space<vmem>>
      %dma_wait3A_704 = tpu.memref_squeeze %dma_wait3A_703 : memref<1x128x128xf32, #tpu.memory_space<vmem>> -> memref<128x128xf32, #tpu.memory_space<vmem>>
      %dma_wait3A_705 = arith.constant 0 : i32
      %dma_wait3A_706 = tpu.memref_slice %arg7[%dma_wait3A_698, %dma_wait3A_705] : memref<50x128xi32, #tpu.memory_space<vmem>> -> memref<1x128xi32, #tpu.memory_space<vmem>>
      %dma_wait3A_707 = tpu.memref_squeeze %dma_wait3A_706 : memref<1x128xi32, #tpu.memory_space<vmem>> -> memref<128xi32, #tpu.memory_space<vmem>>
      %dma_wait3A_708 = arith.constant 0 : i32
      %dma_wait3A_709 = arith.constant 0 : i32
      %dma_wait3A_710 = tpu.memref_slice %arg2[%dma_wait3A_708, %dma_wait3A_709] : memref<100000x128xf32, #tpu.memory_space<hbm>> -> memref<100000x128xf32, #tpu.memory_space<hbm>>
      %dma_wait3A_711 = tpu.memref_slice %arg9[%dma_wait3A_700] : memref<5x!tpu.dma_semaphore, #tpu.memory_space<semaphore_mem>> -> memref<1x!tpu.dma_semaphore, #tpu.memory_space<semaphore_mem>>
      %dma_wait3A_712 = tpu.memref_squeeze %dma_wait3A_711 : memref<1x!tpu.dma_semaphore, #tpu.memory_space<semaphore_mem>> -> memref<!tpu.dma_semaphore, #tpu.memory_space<semaphore_mem>>
      tpu.wait_indirect_dma semaphore(%dma_wait3A_712 : memref<!tpu.dma_semaphore, #tpu.memory_space<semaphore_mem>>) src(%dma_wait3A_710 : memref<100000x128xf32, #tpu.memory_space<hbm>>) dst(%dma_wait3A_704 : memref<128x128xf32, #tpu.memory_space<vmem>>)
      %mul3A_713 = arith.constant 128 : i32
      %mul3A_714 = arith.muli %add3A_697, %mul3A_713 : i32
      %add3A_715 = arith.addi %mul3A_2, %mul3A_714 : i32
      %dma_start3A_716 = arith.constant 1 : i32
      %dma_start3A_717 = arith.constant 1 : i32
      %dma_start3A_718 = arith.constant 0 : i32
      %dma_start3A_719 = arith.constant 0 : i32
      %dma_start3A_720 = tpu.memref_slice %arg8[%dma_start3A_716, %dma_start3A_718, %dma_start3A_719] : memref<5x128x128xf32, #tpu.memory_space<vmem>> -> memref<1x128x128xf32, #tpu.memory_space<vmem>>
      %dma_start3A_721 = tpu.memref_squeeze %dma_start3A_720 : memref<1x128x128xf32, #tpu.memory_space<vmem>> -> memref<128x128xf32, #tpu.memory_space<vmem>>
      %dma_start3A_722 = arith.constant 0 : i32
      %dma_start3A_723 = tpu.memref_slice %arg6[%add3A_715, %dma_start3A_722] : memref<204800x128xf32, #tpu.memory_space<hbm>> -> memref<128x128xf32, #tpu.memory_space<hbm>>
      %dma_start3A_724 = tpu.memref_slice %arg10[%dma_start3A_717] : memref<5x!tpu.dma_semaphore, #tpu.memory_space<semaphore_mem>> -> memref<1x!tpu.dma_semaphore, #tpu.memory_space<semaphore_mem>>
      %dma_start3A_725 = tpu.memref_squeeze %dma_start3A_724 : memref<1x!tpu.dma_semaphore, #tpu.memory_space<semaphore_mem>> -> memref<!tpu.dma_semaphore, #tpu.memory_space<semaphore_mem>>
      %dma_start3A_726 = arith.constant 0 : i32
      %dma_start3A_727 = tpu.memref_slice %arg6[%add3A_715, %dma_start3A_726] : memref<204800x128xf32, #tpu.memory_space<hbm>> -> memref<128x128xf32, #tpu.memory_space<hbm>>
      %dma_start3A_728 = arith.constant 0 : i32
      %dma_start3A_729 = arith.constant 0 : i32
      %dma_start3A_730 = tpu.memref_slice %arg8[%dma_start3A_716, %dma_start3A_728, %dma_start3A_729] : memref<5x128x128xf32, #tpu.memory_space<vmem>> -> memref<1x128x128xf32, #tpu.memory_space<vmem>>
      %dma_start3A_731 = tpu.memref_squeeze %dma_start3A_730 : memref<1x128x128xf32, #tpu.memory_space<vmem>> -> memref<128x128xf32, #tpu.memory_space<vmem>>
      tpu.enqueue_dma source(%dma_start3A_731 : memref<128x128xf32, #tpu.memory_space<vmem>>) target(%dma_start3A_727 : memref<128x128xf32, #tpu.memory_space<hbm>>) target_semaphore(%dma_start3A_725 : memref<!tpu.dma_semaphore, #tpu.memory_space<semaphore_mem>>)
      %mul3A_732 = arith.constant 5 : i32
      %mul3A_733 = arith.muli %scan3A_654, %mul3A_732 : i32
      %add3A_734 = arith.constant 2 : i32
      %add3A_735 = arith.addi %mul3A_733, %add3A_734 : i32
      %dma_wait3A_736 = arith.constant 0 : i32
      %dma_wait3A_737 = arith.constant 2 : i32
      %dma_wait3A_738 = arith.constant 2 : i32
      %dma_wait3A_739 = arith.constant 0 : i32
      %dma_wait3A_740 = arith.constant 0 : i32
      %dma_wait3A_741 = tpu.memref_slice %arg8[%dma_wait3A_737, %dma_wait3A_739, %dma_wait3A_740] : memref<5x128x128xf32, #tpu.memory_space<vmem>> -> memref<1x128x128xf32, #tpu.memory_space<vmem>>
      %dma_wait3A_742 = tpu.memref_squeeze %dma_wait3A_741 : memref<1x128x128xf32, #tpu.memory_space<vmem>> -> memref<128x128xf32, #tpu.memory_space<vmem>>
      %dma_wait3A_743 = arith.constant 0 : i32
      %dma_wait3A_744 = tpu.memref_slice %arg7[%dma_wait3A_736, %dma_wait3A_743] : memref<50x128xi32, #tpu.memory_space<vmem>> -> memref<1x128xi32, #tpu.memory_space<vmem>>
      %dma_wait3A_745 = tpu.memref_squeeze %dma_wait3A_744 : memref<1x128xi32, #tpu.memory_space<vmem>> -> memref<128xi32, #tpu.memory_space<vmem>>
      %dma_wait3A_746 = arith.constant 0 : i32
      %dma_wait3A_747 = arith.constant 0 : i32
      %dma_wait3A_748 = tpu.memref_slice %arg2[%dma_wait3A_746, %dma_wait3A_747] : memref<100000x128xf32, #tpu.memory_space<hbm>> -> memref<100000x128xf32, #tpu.memory_space<hbm>>
      %dma_wait3A_749 = tpu.memref_slice %arg9[%dma_wait3A_738] : memref<5x!tpu.dma_semaphore, #tpu.memory_space<semaphore_mem>> -> memref<1x!tpu.dma_semaphore, #tpu.memory_space<semaphore_mem>>
      %dma_wait3A_750 = tpu.memref_squeeze %dma_wait3A_749 : memref<1x!tpu.dma_semaphore, #tpu.memory_space<semaphore_mem>> -> memref<!tpu.dma_semaphore, #tpu.memory_space<semaphore_mem>>
      tpu.wait_indirect_dma semaphore(%dma_wait3A_750 : memref<!tpu.dma_semaphore, #tpu.memory_space<semaphore_mem>>) src(%dma_wait3A_748 : memref<100000x128xf32, #tpu.memory_space<hbm>>) dst(%dma_wait3A_742 : memref<128x128xf32, #tpu.memory_space<vmem>>)
      %mul3A_751 = arith.constant 128 : i32
      %mul3A_752 = arith.muli %add3A_735, %mul3A_751 : i32
      %add3A_753 = arith.addi %mul3A_2, %mul3A_752 : i32
      %dma_start3A_754 = arith.constant 2 : i32
      %dma_start3A_755 = arith.constant 2 : i32
      %dma_start3A_756 = arith.constant 0 : i32
      %dma_start3A_757 = arith.constant 0 : i32
      %dma_start3A_758 = tpu.memref_slice %arg8[%dma_start3A_754, %dma_start3A_756, %dma_start3A_757] : memref<5x128x128xf32, #tpu.memory_space<vmem>> -> memref<1x128x128xf32, #tpu.memory_space<vmem>>
      %dma_start3A_759 = tpu.memref_squeeze %dma_start3A_758 : memref<1x128x128xf32, #tpu.memory_space<vmem>> -> memref<128x128xf32, #tpu.memory_space<vmem>>
      %dma_start3A_760 = arith.constant 0 : i32
      %dma_start3A_761 = tpu.memref_slice %arg6[%add3A_753, %dma_start3A_760] : memref<204800x128xf32, #tpu.memory_space<hbm>> -> memref<128x128xf32, #tpu.memory_space<hbm>>
      %dma_start3A_762 = tpu.memref_slice %arg10[%dma_start3A_755] : memref<5x!tpu.dma_semaphore, #tpu.memory_space<semaphore_mem>> -> memref<1x!tpu.dma_semaphore, #tpu.memory_space<semaphore_mem>>
      %dma_start3A_763 = tpu.memref_squeeze %dma_start3A_762 : memref<1x!tpu.dma_semaphore, #tpu.memory_space<semaphore_mem>> -> memref<!tpu.dma_semaphore, #tpu.memory_space<semaphore_mem>>
      %dma_start3A_764 = arith.constant 0 : i32
      %dma_start3A_765 = tpu.memref_slice %arg6[%add3A_753, %dma_start3A_764] : memref<204800x128xf32, #tpu.memory_space<hbm>> -> memref<128x128xf32, #tpu.memory_space<hbm>>
      %dma_start3A_766 = arith.constant 0 : i32
      %dma_start3A_767 = arith.constant 0 : i32
      %dma_start3A_768 = tpu.memref_slice %arg8[%dma_start3A_754, %dma_start3A_766, %dma_start3A_767] : memref<5x128x128xf32, #tpu.memory_space<vmem>> -> memref<1x128x128xf32, #tpu.memory_space<vmem>>
      %dma_start3A_769 = tpu.memref_squeeze %dma_start3A_768 : memref<1x128x128xf32, #tpu.memory_space<vmem>> -> memref<128x128xf32, #tpu.memory_space<vmem>>
      tpu.enqueue_dma source(%dma_start3A_769 : memref<128x128xf32, #tpu.memory_space<vmem>>) target(%dma_start3A_765 : memref<128x128xf32, #tpu.memory_space<hbm>>) target_semaphore(%dma_start3A_763 : memref<!tpu.dma_semaphore, #tpu.memory_space<semaphore_mem>>)
      %mul3A_770 = arith.constant 5 : i32
      %mul3A_771 = arith.muli %scan3A_654, %mul3A_770 : i32
      %add3A_772 = arith.constant 3 : i32
      %add3A_773 = arith.addi %mul3A_771, %add3A_772 : i32
      %dma_wait3A_774 = arith.constant 0 : i32
      %dma_wait3A_775 = arith.constant 3 : i32
      %dma_wait3A_776 = arith.constant 3 : i32
      %dma_wait3A_777 = arith.constant 0 : i32
      %dma_wait3A_778 = arith.constant 0 : i32
      %dma_wait3A_779 = tpu.memref_slice %arg8[%dma_wait3A_775, %dma_wait3A_777, %dma_wait3A_778] : memref<5x128x128xf32, #tpu.memory_space<vmem>> -> memref<1x128x128xf32, #tpu.memory_space<vmem>>
      %dma_wait3A_780 = tpu.memref_squeeze %dma_wait3A_779 : memref<1x128x128xf32, #tpu.memory_space<vmem>> -> memref<128x128xf32, #tpu.memory_space<vmem>>
      %dma_wait3A_781 = arith.constant 0 : i32
      %dma_wait3A_782 = tpu.memref_slice %arg7[%dma_wait3A_774, %dma_wait3A_781] : memref<50x128xi32, #tpu.memory_space<vmem>> -> memref<1x128xi32, #tpu.memory_space<vmem>>
      %dma_wait3A_783 = tpu.memref_squeeze %dma_wait3A_782 : memref<1x128xi32, #tpu.memory_space<vmem>> -> memref<128xi32, #tpu.memory_space<vmem>>
      %dma_wait3A_784 = arith.constant 0 : i32
      %dma_wait3A_785 = arith.constant 0 : i32
      %dma_wait3A_786 = tpu.memref_slice %arg2[%dma_wait3A_784, %dma_wait3A_785] : memref<100000x128xf32, #tpu.memory_space<hbm>> -> memref<100000x128xf32, #tpu.memory_space<hbm>>
      %dma_wait3A_787 = tpu.memref_slice %arg9[%dma_wait3A_776] : memref<5x!tpu.dma_semaphore, #tpu.memory_space<semaphore_mem>> -> memref<1x!tpu.dma_semaphore, #tpu.memory_space<semaphore_mem>>
      %dma_wait3A_788 = tpu.memref_squeeze %dma_wait3A_787 : memref<1x!tpu.dma_semaphore, #tpu.memory_space<semaphore_mem>> -> memref<!tpu.dma_semaphore, #tpu.memory_space<semaphore_mem>>
      tpu.wait_indirect_dma semaphore(%dma_wait3A_788 : memref<!tpu.dma_semaphore, #tpu.memory_space<semaphore_mem>>) src(%dma_wait3A_786 : memref<100000x128xf32, #tpu.memory_space<hbm>>) dst(%dma_wait3A_780 : memref<128x128xf32, #tpu.memory_space<vmem>>)
      %mul3A_789 = arith.constant 128 : i32
      %mul3A_790 = arith.muli %add3A_773, %mul3A_789 : i32
      %add3A_791 = arith.addi %mul3A_2, %mul3A_790 : i32
      %dma_start3A_792 = arith.constant 3 : i32
      %dma_start3A_793 = arith.constant 3 : i32
      %dma_start3A_794 = arith.constant 0 : i32
      %dma_start3A_795 = arith.constant 0 : i32
      %dma_start3A_796 = tpu.memref_slice %arg8[%dma_start3A_792, %dma_start3A_794, %dma_start3A_795] : memref<5x128x128xf32, #tpu.memory_space<vmem>> -> memref<1x128x128xf32, #tpu.memory_space<vmem>>
      %dma_start3A_797 = tpu.memref_squeeze %dma_start3A_796 : memref<1x128x128xf32, #tpu.memory_space<vmem>> -> memref<128x128xf32, #tpu.memory_space<vmem>>
      %dma_start3A_798 = arith.constant 0 : i32
      %dma_start3A_799 = tpu.memref_slice %arg6[%add3A_791, %dma_start3A_798] : memref<204800x128xf32, #tpu.memory_space<hbm>> -> memref<128x128xf32, #tpu.memory_space<hbm>>
      %dma_start3A_800 = tpu.memref_slice %arg10[%dma_start3A_793] : memref<5x!tpu.dma_semaphore, #tpu.memory_space<semaphore_mem>> -> memref<1x!tpu.dma_semaphore, #tpu.memory_space<semaphore_mem>>
      %dma_start3A_801 = tpu.memref_squeeze %dma_start3A_800 : memref<1x!tpu.dma_semaphore, #tpu.memory_space<semaphore_mem>> -> memref<!tpu.dma_semaphore, #tpu.memory_space<semaphore_mem>>
      %dma_start3A_802 = arith.constant 0 : i32
      %dma_start3A_803 = tpu.memref_slice %arg6[%add3A_791, %dma_start3A_802] : memref<204800x128xf32, #tpu.memory_space<hbm>> -> memref<128x128xf32, #tpu.memory_space<hbm>>
      %dma_start3A_804 = arith.constant 0 : i32
      %dma_start3A_805 = arith.constant 0 : i32
      %dma_start3A_806 = tpu.memref_slice %arg8[%dma_start3A_792, %dma_start3A_804, %dma_start3A_805] : memref<5x128x128xf32, #tpu.memory_space<vmem>> -> memref<1x128x128xf32, #tpu.memory_space<vmem>>
      %dma_start3A_807 = tpu.memref_squeeze %dma_start3A_806 : memref<1x128x128xf32, #tpu.memory_space<vmem>> -> memref<128x128xf32, #tpu.memory_space<vmem>>
      tpu.enqueue_dma source(%dma_start3A_807 : memref<128x128xf32, #tpu.memory_space<vmem>>) target(%dma_start3A_803 : memref<128x128xf32, #tpu.memory_space<hbm>>) target_semaphore(%dma_start3A_801 : memref<!tpu.dma_semaphore, #tpu.memory_space<semaphore_mem>>)
      %mul3A_808 = arith.constant 5 : i32
      %mul3A_809 = arith.muli %scan3A_654, %mul3A_808 : i32
      %add3A_810 = arith.constant 4 : i32
      %add3A_811 = arith.addi %mul3A_809, %add3A_810 : i32
      %dma_wait3A_812 = arith.constant 0 : i32
      %dma_wait3A_813 = arith.constant 4 : i32
      %dma_wait3A_814 = arith.constant 4 : i32
      %dma_wait3A_815 = arith.constant 0 : i32
      %dma_wait3A_816 = arith.constant 0 : i32
      %dma_wait3A_817 = tpu.memref_slice %arg8[%dma_wait3A_813, %dma_wait3A_815, %dma_wait3A_816] : memref<5x128x128xf32, #tpu.memory_space<vmem>> -> memref<1x128x128xf32, #tpu.memory_space<vmem>>
      %dma_wait3A_818 = tpu.memref_squeeze %dma_wait3A_817 : memref<1x128x128xf32, #tpu.memory_space<vmem>> -> memref<128x128xf32, #tpu.memory_space<vmem>>
      %dma_wait3A_819 = arith.constant 0 : i32
      %dma_wait3A_820 = tpu.memref_slice %arg7[%dma_wait3A_812, %dma_wait3A_819] : memref<50x128xi32, #tpu.memory_space<vmem>> -> memref<1x128xi32, #tpu.memory_space<vmem>>
      %dma_wait3A_821 = tpu.memref_squeeze %dma_wait3A_820 : memref<1x128xi32, #tpu.memory_space<vmem>> -> memref<128xi32, #tpu.memory_space<vmem>>
      %dma_wait3A_822 = arith.constant 0 : i32
      %dma_wait3A_823 = arith.constant 0 : i32
      %dma_wait3A_824 = tpu.memref_slice %arg2[%dma_wait3A_822, %dma_wait3A_823] : memref<100000x128xf32, #tpu.memory_space<hbm>> -> memref<100000x128xf32, #tpu.memory_space<hbm>>
      %dma_wait3A_825 = tpu.memref_slice %arg9[%dma_wait3A_814] : memref<5x!tpu.dma_semaphore, #tpu.memory_space<semaphore_mem>> -> memref<1x!tpu.dma_semaphore, #tpu.memory_space<semaphore_mem>>
      %dma_wait3A_826 = tpu.memref_squeeze %dma_wait3A_825 : memref<1x!tpu.dma_semaphore, #tpu.memory_space<semaphore_mem>> -> memref<!tpu.dma_semaphore, #tpu.memory_space<semaphore_mem>>
      tpu.wait_indirect_dma semaphore(%dma_wait3A_826 : memref<!tpu.dma_semaphore, #tpu.memory_space<semaphore_mem>>) src(%dma_wait3A_824 : memref<100000x128xf32, #tpu.memory_space<hbm>>) dst(%dma_wait3A_818 : memref<128x128xf32, #tpu.memory_space<vmem>>)
      %mul3A_827 = arith.constant 128 : i32
      %mul3A_828 = arith.muli %add3A_811, %mul3A_827 : i32
      %add3A_829 = arith.addi %mul3A_2, %mul3A_828 : i32
      %dma_start3A_830 = arith.constant 4 : i32
      %dma_start3A_831 = arith.constant 4 : i32
      %dma_start3A_832 = arith.constant 0 : i32
      %dma_start3A_833 = arith.constant 0 : i32
      %dma_start3A_834 = tpu.memref_slice %arg8[%dma_start3A_830, %dma_start3A_832, %dma_start3A_833] : memref<5x128x128xf32, #tpu.memory_space<vmem>> -> memref<1x128x128xf32, #tpu.memory_space<vmem>>
      %dma_start3A_835 = tpu.memref_squeeze %dma_start3A_834 : memref<1x128x128xf32, #tpu.memory_space<vmem>> -> memref<128x128xf32, #tpu.memory_space<vmem>>
      %dma_start3A_836 = arith.constant 0 : i32
      %dma_start3A_837 = tpu.memref_slice %arg6[%add3A_829, %dma_start3A_836] : memref<204800x128xf32, #tpu.memory_space<hbm>> -> memref<128x128xf32, #tpu.memory_space<hbm>>
      %dma_start3A_838 = tpu.memref_slice %arg10[%dma_start3A_831] : memref<5x!tpu.dma_semaphore, #tpu.memory_space<semaphore_mem>> -> memref<1x!tpu.dma_semaphore, #tpu.memory_space<semaphore_mem>>
      %dma_start3A_839 = tpu.memref_squeeze %dma_start3A_838 : memref<1x!tpu.dma_semaphore, #tpu.memory_space<semaphore_mem>> -> memref<!tpu.dma_semaphore, #tpu.memory_space<semaphore_mem>>
      %dma_start3A_840 = arith.constant 0 : i32
      %dma_start3A_841 = tpu.memref_slice %arg6[%add3A_829, %dma_start3A_840] : memref<204800x128xf32, #tpu.memory_space<hbm>> -> memref<128x128xf32, #tpu.memory_space<hbm>>
      %dma_start3A_842 = arith.constant 0 : i32
      %dma_start3A_843 = arith.constant 0 : i32
      %dma_start3A_844 = tpu.memref_slice %arg8[%dma_start3A_830, %dma_start3A_842, %dma_start3A_843] : memref<5x128x128xf32, #tpu.memory_space<vmem>> -> memref<1x128x128xf32, #tpu.memory_space<vmem>>
      %dma_start3A_845 = tpu.memref_squeeze %dma_start3A_844 : memref<1x128x128xf32, #tpu.memory_space<vmem>> -> memref<128x128xf32, #tpu.memory_space<vmem>>
      tpu.enqueue_dma source(%dma_start3A_845 : memref<128x128xf32, #tpu.memory_space<vmem>>) target(%dma_start3A_841 : memref<128x128xf32, #tpu.memory_space<hbm>>) target_semaphore(%dma_start3A_839 : memref<!tpu.dma_semaphore, #tpu.memory_space<semaphore_mem>>)
      %add3A_846 = arith.constant 1 : i32
      %add3A_847 = arith.addi %scan3A_654, %add3A_846 : i32
      %mul3A_848 = arith.constant 5 : i32
      %mul3A_849 = arith.muli %add3A_847, %mul3A_848 : i32
      %add3A_850 = arith.constant 0 : i32
      %add3A_851 = arith.addi %mul3A_849, %add3A_850 : i32
      %dma_wait3A_852 = arith.constant 0 : i32
      %dma_wait3A_853 = arith.constant 0 : i32
      %dma_wait3A_854 = arith.constant 0 : i32
      %dma_wait3A_855 = arith.constant 0 : i32
      %dma_wait3A_856 = tpu.memref_slice %arg8[%dma_wait3A_852, %dma_wait3A_854, %dma_wait3A_855] : memref<5x128x128xf32, #tpu.memory_space<vmem>> -> memref<1x128x128xf32, #tpu.memory_space<vmem>>
      %dma_wait3A_857 = tpu.memref_squeeze %dma_wait3A_856 : memref<1x128x128xf32, #tpu.memory_space<vmem>> -> memref<128x128xf32, #tpu.memory_space<vmem>>
      %dma_wait3A_858 = arith.constant 0 : i32
      %dma_wait3A_859 = tpu.memref_slice %arg6[%mul3A_2, %dma_wait3A_858] : memref<204800x128xf32, #tpu.memory_space<hbm>> -> memref<128x128xf32, #tpu.memory_space<hbm>>
      %dma_wait3A_860 = tpu.memref_slice %arg10[%dma_wait3A_853] : memref<5x!tpu.dma_semaphore, #tpu.memory_space<semaphore_mem>> -> memref<1x!tpu.dma_semaphore, #tpu.memory_space<semaphore_mem>>
      %dma_wait3A_861 = tpu.memref_squeeze %dma_wait3A_860 : memref<1x!tpu.dma_semaphore, #tpu.memory_space<semaphore_mem>> -> memref<!tpu.dma_semaphore, #tpu.memory_space<semaphore_mem>>
      %dma_wait3A_862 = arith.constant 0 : i32
      %dma_wait3A_863 = tpu.memref_slice %arg6[%mul3A_2, %dma_wait3A_862] : memref<204800x128xf32, #tpu.memory_space<hbm>> -> memref<128x128xf32, #tpu.memory_space<hbm>>
      %dma_wait3A_864 = arith.constant 0 : i32
      %dma_wait3A_865 = arith.constant 0 : i32
      %dma_wait3A_866 = tpu.memref_slice %arg8[%dma_wait3A_852, %dma_wait3A_864, %dma_wait3A_865] : memref<5x128x128xf32, #tpu.memory_space<vmem>> -> memref<1x128x128xf32, #tpu.memory_space<vmem>>
      %dma_wait3A_867 = tpu.memref_squeeze %dma_wait3A_866 : memref<1x128x128xf32, #tpu.memory_space<vmem>> -> memref<128x128xf32, #tpu.memory_space<vmem>>
      tpu.wait_dma2 semaphore(%dma_wait3A_861 : memref<!tpu.dma_semaphore, #tpu.memory_space<semaphore_mem>>) src(%dma_wait3A_867 : memref<128x128xf32, #tpu.memory_space<vmem>>) dst(%dma_wait3A_863 : memref<128x128xf32, #tpu.memory_space<hbm>>)
      %dma_start3A_868 = arith.constant 0 : i32
      %dma_start3A_869 = arith.constant 0 : i32
      %dma_start3A_870 = arith.constant 0 : i32
      %dma_start3A_871 = arith.constant 0 : i32
      %dma_start3A_872 = tpu.memref_slice %arg8[%dma_start3A_868, %dma_start3A_870, %dma_start3A_871] : memref<5x128x128xf32, #tpu.memory_space<vmem>> -> memref<1x128x128xf32, #tpu.memory_space<vmem>>
      %dma_start3A_873 = tpu.memref_squeeze %dma_start3A_872 : memref<1x128x128xf32, #tpu.memory_space<vmem>> -> memref<128x128xf32, #tpu.memory_space<vmem>>
      %dma_start3A_874 = arith.constant 0 : i32
      %dma_start3A_875 = tpu.memref_slice %arg7[%add3A_851, %dma_start3A_874] : memref<50x128xi32, #tpu.memory_space<vmem>> -> memref<1x128xi32, #tpu.memory_space<vmem>>
      %dma_start3A_876 = tpu.memref_squeeze %dma_start3A_875 : memref<1x128xi32, #tpu.memory_space<vmem>> -> memref<128xi32, #tpu.memory_space<vmem>>
      %dma_start3A_877 = arith.constant 0 : i32
      %dma_start3A_878 = arith.constant 0 : i32
      %dma_start3A_879 = tpu.memref_slice %arg2[%dma_start3A_877, %dma_start3A_878] : memref<100000x128xf32, #tpu.memory_space<hbm>> -> memref<100000x128xf32, #tpu.memory_space<hbm>>
      %dma_start3A_880 = tpu.memref_slice %arg9[%dma_start3A_869] : memref<5x!tpu.dma_semaphore, #tpu.memory_space<semaphore_mem>> -> memref<1x!tpu.dma_semaphore, #tpu.memory_space<semaphore_mem>>
      %dma_start3A_881 = tpu.memref_squeeze %dma_start3A_880 : memref<1x!tpu.dma_semaphore, #tpu.memory_space<semaphore_mem>> -> memref<!tpu.dma_semaphore, #tpu.memory_space<semaphore_mem>>
      tpu.enqueue_indirect_dma source(%dma_start3A_879 : memref<100000x128xf32, #tpu.memory_space<hbm>>) target(%dma_start3A_873 : memref<128x128xf32, #tpu.memory_space<vmem>>) offsets(%dma_start3A_876 : memref<128xi32, #tpu.memory_space<vmem>>) semaphore(%dma_start3A_881 : memref<!tpu.dma_semaphore, #tpu.memory_space<semaphore_mem>>)
      %add3A_882 = arith.constant 1 : i32
      %add3A_883 = arith.addi %scan3A_654, %add3A_882 : i32
      %mul3A_884 = arith.constant 5 : i32
      %mul3A_885 = arith.muli %add3A_883, %mul3A_884 : i32
      %add3A_886 = arith.constant 1 : i32
      %add3A_887 = arith.addi %mul3A_885, %add3A_886 : i32
      %dma_wait3A_888 = arith.constant 1 : i32
      %dma_wait3A_889 = arith.constant 1 : i32
      %dma_wait3A_890 = arith.constant 0 : i32
      %dma_wait3A_891 = arith.constant 0 : i32
      %dma_wait3A_892 = tpu.memref_slice %arg8[%dma_wait3A_888, %dma_wait3A_890, %dma_wait3A_891] : memref<5x128x128xf32, #tpu.memory_space<vmem>> -> memref<1x128x128xf32, #tpu.memory_space<vmem>>
      %dma_wait3A_893 = tpu.memref_squeeze %dma_wait3A_892 : memref<1x128x128xf32, #tpu.memory_space<vmem>> -> memref<128x128xf32, #tpu.memory_space<vmem>>
      %dma_wait3A_894 = arith.constant 0 : i32
      %dma_wait3A_895 = tpu.memref_slice %arg6[%mul3A_2, %dma_wait3A_894] : memref<204800x128xf32, #tpu.memory_space<hbm>> -> memref<128x128xf32, #tpu.memory_space<hbm>>
      %dma_wait3A_896 = tpu.memref_slice %arg10[%dma_wait3A_889] : memref<5x!tpu.dma_semaphore, #tpu.memory_space<semaphore_mem>> -> memref<1x!tpu.dma_semaphore, #tpu.memory_space<semaphore_mem>>
      %dma_wait3A_897 = tpu.memref_squeeze %dma_wait3A_896 : memref<1x!tpu.dma_semaphore, #tpu.memory_space<semaphore_mem>> -> memref<!tpu.dma_semaphore, #tpu.memory_space<semaphore_mem>>
      %dma_wait3A_898 = arith.constant 0 : i32
      %dma_wait3A_899 = tpu.memref_slice %arg6[%mul3A_2, %dma_wait3A_898] : memref<204800x128xf32, #tpu.memory_space<hbm>> -> memref<128x128xf32, #tpu.memory_space<hbm>>
      %dma_wait3A_900 = arith.constant 0 : i32
      %dma_wait3A_901 = arith.constant 0 : i32
      %dma_wait3A_902 = tpu.memref_slice %arg8[%dma_wait3A_888, %dma_wait3A_900, %dma_wait3A_901] : memref<5x128x128xf32, #tpu.memory_space<vmem>> -> memref<1x128x128xf32, #tpu.memory_space<vmem>>
      %dma_wait3A_903 = tpu.memref_squeeze %dma_wait3A_902 : memref<1x128x128xf32, #tpu.memory_space<vmem>> -> memref<128x128xf32, #tpu.memory_space<vmem>>
      tpu.wait_dma2 semaphore(%dma_wait3A_897 : memref<!tpu.dma_semaphore, #tpu.memory_space<semaphore_mem>>) src(%dma_wait3A_903 : memref<128x128xf32, #tpu.memory_space<vmem>>) dst(%dma_wait3A_899 : memref<128x128xf32, #tpu.memory_space<hbm>>)
      %dma_start3A_904 = arith.constant 1 : i32
      %dma_start3A_905 = arith.constant 1 : i32
      %dma_start3A_906 = arith.constant 0 : i32
      %dma_start3A_907 = arith.constant 0 : i32
      %dma_start3A_908 = tpu.memref_slice %arg8[%dma_start3A_904, %dma_start3A_906, %dma_start3A_907] : memref<5x128x128xf32, #tpu.memory_space<vmem>> -> memref<1x128x128xf32, #tpu.memory_space<vmem>>
      %dma_start3A_909 = tpu.memref_squeeze %dma_start3A_908 : memref<1x128x128xf32, #tpu.memory_space<vmem>> -> memref<128x128xf32, #tpu.memory_space<vmem>>
      %dma_start3A_910 = arith.constant 0 : i32
      %dma_start3A_911 = tpu.memref_slice %arg7[%add3A_887, %dma_start3A_910] : memref<50x128xi32, #tpu.memory_space<vmem>> -> memref<1x128xi32, #tpu.memory_space<vmem>>
      %dma_start3A_912 = tpu.memref_squeeze %dma_start3A_911 : memref<1x128xi32, #tpu.memory_space<vmem>> -> memref<128xi32, #tpu.memory_space<vmem>>
      %dma_start3A_913 = arith.constant 0 : i32
      %dma_start3A_914 = arith.constant 0 : i32
      %dma_start3A_915 = tpu.memref_slice %arg2[%dma_start3A_913, %dma_start3A_914] : memref<100000x128xf32, #tpu.memory_space<hbm>> -> memref<100000x128xf32, #tpu.memory_space<hbm>>
      %dma_start3A_916 = tpu.memref_slice %arg9[%dma_start3A_905] : memref<5x!tpu.dma_semaphore, #tpu.memory_space<semaphore_mem>> -> memref<1x!tpu.dma_semaphore, #tpu.memory_space<semaphore_mem>>
      %dma_start3A_917 = tpu.memref_squeeze %dma_start3A_916 : memref<1x!tpu.dma_semaphore, #tpu.memory_space<semaphore_mem>> -> memref<!tpu.dma_semaphore, #tpu.memory_space<semaphore_mem>>
      tpu.enqueue_indirect_dma source(%dma_start3A_915 : memref<100000x128xf32, #tpu.memory_space<hbm>>) target(%dma_start3A_909 : memref<128x128xf32, #tpu.memory_space<vmem>>) offsets(%dma_start3A_912 : memref<128xi32, #tpu.memory_space<vmem>>) semaphore(%dma_start3A_917 : memref<!tpu.dma_semaphore, #tpu.memory_space<semaphore_mem>>)
      %add3A_918 = arith.constant 1 : i32
      %add3A_919 = arith.addi %scan3A_654, %add3A_918 : i32
      %mul3A_920 = arith.constant 5 : i32
      %mul3A_921 = arith.muli %add3A_919, %mul3A_920 : i32
      %add3A_922 = arith.constant 2 : i32
      %add3A_923 = arith.addi %mul3A_921, %add3A_922 : i32
      %dma_wait3A_924 = arith.constant 2 : i32
      %dma_wait3A_925 = arith.constant 2 : i32
      %dma_wait3A_926 = arith.constant 0 : i32
      %dma_wait3A_927 = arith.constant 0 : i32
      %dma_wait3A_928 = tpu.memref_slice %arg8[%dma_wait3A_924, %dma_wait3A_926, %dma_wait3A_927] : memref<5x128x128xf32, #tpu.memory_space<vmem>> -> memref<1x128x128xf32, #tpu.memory_space<vmem>>
      %dma_wait3A_929 = tpu.memref_squeeze %dma_wait3A_928 : memref<1x128x128xf32, #tpu.memory_space<vmem>> -> memref<128x128xf32, #tpu.memory_space<vmem>>
      %dma_wait3A_930 = arith.constant 0 : i32
      %dma_wait3A_931 = tpu.memref_slice %arg6[%mul3A_2, %dma_wait3A_930] : memref<204800x128xf32, #tpu.memory_space<hbm>> -> memref<128x128xf32, #tpu.memory_space<hbm>>
      %dma_wait3A_932 = tpu.memref_slice %arg10[%dma_wait3A_925] : memref<5x!tpu.dma_semaphore, #tpu.memory_space<semaphore_mem>> -> memref<1x!tpu.dma_semaphore, #tpu.memory_space<semaphore_mem>>
      %dma_wait3A_933 = tpu.memref_squeeze %dma_wait3A_932 : memref<1x!tpu.dma_semaphore, #tpu.memory_space<semaphore_mem>> -> memref<!tpu.dma_semaphore, #tpu.memory_space<semaphore_mem>>
      %dma_wait3A_934 = arith.constant 0 : i32
      %dma_wait3A_935 = tpu.memref_slice %arg6[%mul3A_2, %dma_wait3A_934] : memref<204800x128xf32, #tpu.memory_space<hbm>> -> memref<128x128xf32, #tpu.memory_space<hbm>>
      %dma_wait3A_936 = arith.constant 0 : i32
      %dma_wait3A_937 = arith.constant 0 : i32
      %dma_wait3A_938 = tpu.memref_slice %arg8[%dma_wait3A_924, %dma_wait3A_936, %dma_wait3A_937] : memref<5x128x128xf32, #tpu.memory_space<vmem>> -> memref<1x128x128xf32, #tpu.memory_space<vmem>>
      %dma_wait3A_939 = tpu.memref_squeeze %dma_wait3A_938 : memref<1x128x128xf32, #tpu.memory_space<vmem>> -> memref<128x128xf32, #tpu.memory_space<vmem>>
      tpu.wait_dma2 semaphore(%dma_wait3A_933 : memref<!tpu.dma_semaphore, #tpu.memory_space<semaphore_mem>>) src(%dma_wait3A_939 : memref<128x128xf32, #tpu.memory_space<vmem>>) dst(%dma_wait3A_935 : memref<128x128xf32, #tpu.memory_space<hbm>>)
      %dma_start3A_940 = arith.constant 2 : i32
      %dma_start3A_941 = arith.constant 2 : i32
      %dma_start3A_942 = arith.constant 0 : i32
      %dma_start3A_943 = arith.constant 0 : i32
      %dma_start3A_944 = tpu.memref_slice %arg8[%dma_start3A_940, %dma_start3A_942, %dma_start3A_943] : memref<5x128x128xf32, #tpu.memory_space<vmem>> -> memref<1x128x128xf32, #tpu.memory_space<vmem>>
      %dma_start3A_945 = tpu.memref_squeeze %dma_start3A_944 : memref<1x128x128xf32, #tpu.memory_space<vmem>> -> memref<128x128xf32, #tpu.memory_space<vmem>>
      %dma_start3A_946 = arith.constant 0 : i32
      %dma_start3A_947 = tpu.memref_slice %arg7[%add3A_923, %dma_start3A_946] : memref<50x128xi32, #tpu.memory_space<vmem>> -> memref<1x128xi32, #tpu.memory_space<vmem>>
      %dma_start3A_948 = tpu.memref_squeeze %dma_start3A_947 : memref<1x128xi32, #tpu.memory_space<vmem>> -> memref<128xi32, #tpu.memory_space<vmem>>
      %dma_start3A_949 = arith.constant 0 : i32
      %dma_start3A_950 = arith.constant 0 : i32
      %dma_start3A_951 = tpu.memref_slice %arg2[%dma_start3A_949, %dma_start3A_950] : memref<100000x128xf32, #tpu.memory_space<hbm>> -> memref<100000x128xf32, #tpu.memory_space<hbm>>
      %dma_start3A_952 = tpu.memref_slice %arg9[%dma_start3A_941] : memref<5x!tpu.dma_semaphore, #tpu.memory_space<semaphore_mem>> -> memref<1x!tpu.dma_semaphore, #tpu.memory_space<semaphore_mem>>
      %dma_start3A_953 = tpu.memref_squeeze %dma_start3A_952 : memref<1x!tpu.dma_semaphore, #tpu.memory_space<semaphore_mem>> -> memref<!tpu.dma_semaphore, #tpu.memory_space<semaphore_mem>>
      tpu.enqueue_indirect_dma source(%dma_start3A_951 : memref<100000x128xf32, #tpu.memory_space<hbm>>) target(%dma_start3A_945 : memref<128x128xf32, #tpu.memory_space<vmem>>) offsets(%dma_start3A_948 : memref<128xi32, #tpu.memory_space<vmem>>) semaphore(%dma_start3A_953 : memref<!tpu.dma_semaphore, #tpu.memory_space<semaphore_mem>>)
      %add3A_954 = arith.constant 1 : i32
      %add3A_955 = arith.addi %scan3A_654, %add3A_954 : i32
      %mul3A_956 = arith.constant 5 : i32
      %mul3A_957 = arith.muli %add3A_955, %mul3A_956 : i32
      %add3A_958 = arith.constant 3 : i32
      %add3A_959 = arith.addi %mul3A_957, %add3A_958 : i32
      %dma_wait3A_960 = arith.constant 3 : i32
      %dma_wait3A_961 = arith.constant 3 : i32
      %dma_wait3A_962 = arith.constant 0 : i32
      %dma_wait3A_963 = arith.constant 0 : i32
      %dma_wait3A_964 = tpu.memref_slice %arg8[%dma_wait3A_960, %dma_wait3A_962, %dma_wait3A_963] : memref<5x128x128xf32, #tpu.memory_space<vmem>> -> memref<1x128x128xf32, #tpu.memory_space<vmem>>
      %dma_wait3A_965 = tpu.memref_squeeze %dma_wait3A_964 : memref<1x128x128xf32, #tpu.memory_space<vmem>> -> memref<128x128xf32, #tpu.memory_space<vmem>>
      %dma_wait3A_966 = arith.constant 0 : i32
      %dma_wait3A_967 = tpu.memref_slice %arg6[%mul3A_2, %dma_wait3A_966] : memref<204800x128xf32, #tpu.memory_space<hbm>> -> memref<128x128xf32, #tpu.memory_space<hbm>>
      %dma_wait3A_968 = tpu.memref_slice %arg10[%dma_wait3A_961] : memref<5x!tpu.dma_semaphore, #tpu.memory_space<semaphore_mem>> -> memref<1x!tpu.dma_semaphore, #tpu.memory_space<semaphore_mem>>
      %dma_wait3A_969 = tpu.memref_squeeze %dma_wait3A_968 : memref<1x!tpu.dma_semaphore, #tpu.memory_space<semaphore_mem>> -> memref<!tpu.dma_semaphore, #tpu.memory_space<semaphore_mem>>
      %dma_wait3A_970 = arith.constant 0 : i32
      %dma_wait3A_971 = tpu.memref_slice %arg6[%mul3A_2, %dma_wait3A_970] : memref<204800x128xf32, #tpu.memory_space<hbm>> -> memref<128x128xf32, #tpu.memory_space<hbm>>
      %dma_wait3A_972 = arith.constant 0 : i32
      %dma_wait3A_973 = arith.constant 0 : i32
      %dma_wait3A_974 = tpu.memref_slice %arg8[%dma_wait3A_960, %dma_wait3A_972, %dma_wait3A_973] : memref<5x128x128xf32, #tpu.memory_space<vmem>> -> memref<1x128x128xf32, #tpu.memory_space<vmem>>
      %dma_wait3A_975 = tpu.memref_squeeze %dma_wait3A_974 : memref<1x128x128xf32, #tpu.memory_space<vmem>> -> memref<128x128xf32, #tpu.memory_space<vmem>>
      tpu.wait_dma2 semaphore(%dma_wait3A_969 : memref<!tpu.dma_semaphore, #tpu.memory_space<semaphore_mem>>) src(%dma_wait3A_975 : memref<128x128xf32, #tpu.memory_space<vmem>>) dst(%dma_wait3A_971 : memref<128x128xf32, #tpu.memory_space<hbm>>)
      %dma_start3A_976 = arith.constant 3 : i32
      %dma_start3A_977 = arith.constant 3 : i32
      %dma_start3A_978 = arith.constant 0 : i32
      %dma_start3A_979 = arith.constant 0 : i32
      %dma_start3A_980 = tpu.memref_slice %arg8[%dma_start3A_976, %dma_start3A_978, %dma_start3A_979] : memref<5x128x128xf32, #tpu.memory_space<vmem>> -> memref<1x128x128xf32, #tpu.memory_space<vmem>>
      %dma_start3A_981 = tpu.memref_squeeze %dma_start3A_980 : memref<1x128x128xf32, #tpu.memory_space<vmem>> -> memref<128x128xf32, #tpu.memory_space<vmem>>
      %dma_start3A_982 = arith.constant 0 : i32
      %dma_start3A_983 = tpu.memref_slice %arg7[%add3A_959, %dma_start3A_982] : memref<50x128xi32, #tpu.memory_space<vmem>> -> memref<1x128xi32, #tpu.memory_space<vmem>>
      %dma_start3A_984 = tpu.memref_squeeze %dma_start3A_983 : memref<1x128xi32, #tpu.memory_space<vmem>> -> memref<128xi32, #tpu.memory_space<vmem>>
      %dma_start3A_985 = arith.constant 0 : i32
      %dma_start3A_986 = arith.constant 0 : i32
      %dma_start3A_987 = tpu.memref_slice %arg2[%dma_start3A_985, %dma_start3A_986] : memref<100000x128xf32, #tpu.memory_space<hbm>> -> memref<100000x128xf32, #tpu.memory_space<hbm>>
      %dma_start3A_988 = tpu.memref_slice %arg9[%dma_start3A_977] : memref<5x!tpu.dma_semaphore, #tpu.memory_space<semaphore_mem>> -> memref<1x!tpu.dma_semaphore, #tpu.memory_space<semaphore_mem>>
      %dma_start3A_989 = tpu.memref_squeeze %dma_start3A_988 : memref<1x!tpu.dma_semaphore, #tpu.memory_space<semaphore_mem>> -> memref<!tpu.dma_semaphore, #tpu.memory_space<semaphore_mem>>
      tpu.enqueue_indirect_dma source(%dma_start3A_987 : memref<100000x128xf32, #tpu.memory_space<hbm>>) target(%dma_start3A_981 : memref<128x128xf32, #tpu.memory_space<vmem>>) offsets(%dma_start3A_984 : memref<128xi32, #tpu.memory_space<vmem>>) semaphore(%dma_start3A_989 : memref<!tpu.dma_semaphore, #tpu.memory_space<semaphore_mem>>)
      %add3A_990 = arith.constant 1 : i32
      %add3A_991 = arith.addi %scan3A_654, %add3A_990 : i32
      %mul3A_992 = arith.constant 5 : i32
      %mul3A_993 = arith.muli %add3A_991, %mul3A_992 : i32
      %add3A_994 = arith.constant 4 : i32
      %add3A_995 = arith.addi %mul3A_993, %add3A_994 : i32
      %dma_wait3A_996 = arith.constant 4 : i32
      %dma_wait3A_997 = arith.constant 4 : i32
      %dma_wait3A_998 = arith.constant 0 : i32
      %dma_wait3A_999 = arith.constant 0 : i32
      %dma_wait3A_1000 = tpu.memref_slice %arg8[%dma_wait3A_996, %dma_wait3A_998, %dma_wait3A_999] : memref<5x128x128xf32, #tpu.memory_space<vmem>> -> memref<1x128x128xf32, #tpu.memory_space<vmem>>
      %dma_wait3A_1001 = tpu.memref_squeeze %dma_wait3A_1000 : memref<1x128x128xf32, #tpu.memory_space<vmem>> -> memref<128x128xf32, #tpu.memory_space<vmem>>
      %dma_wait3A_1002 = arith.constant 0 : i32
      %dma_wait3A_1003 = tpu.memref_slice %arg6[%mul3A_2, %dma_wait3A_1002] : memref<204800x128xf32, #tpu.memory_space<hbm>> -> memref<128x128xf32, #tpu.memory_space<hbm>>
      %dma_wait3A_1004 = tpu.memref_slice %arg10[%dma_wait3A_997] : memref<5x!tpu.dma_semaphore, #tpu.memory_space<semaphore_mem>> -> memref<1x!tpu.dma_semaphore, #tpu.memory_space<semaphore_mem>>
      %dma_wait3A_1005 = tpu.memref_squeeze %dma_wait3A_1004 : memref<1x!tpu.dma_semaphore, #tpu.memory_space<semaphore_mem>> -> memref<!tpu.dma_semaphore, #tpu.memory_space<semaphore_mem>>
      %dma_wait3A_1006 = arith.constant 0 : i32
      %dma_wait3A_1007 = tpu.memref_slice %arg6[%mul3A_2, %dma_wait3A_1006] : memref<204800x128xf32, #tpu.memory_space<hbm>> -> memref<128x128xf32, #tpu.memory_space<hbm>>
      %dma_wait3A_1008 = arith.constant 0 : i32
      %dma_wait3A_1009 = arith.constant 0 : i32
      %dma_wait3A_1010 = tpu.memref_slice %arg8[%dma_wait3A_996, %dma_wait3A_1008, %dma_wait3A_1009] : memref<5x128x128xf32, #tpu.memory_space<vmem>> -> memref<1x128x128xf32, #tpu.memory_space<vmem>>
      %dma_wait3A_1011 = tpu.memref_squeeze %dma_wait3A_1010 : memref<1x128x128xf32, #tpu.memory_space<vmem>> -> memref<128x128xf32, #tpu.memory_space<vmem>>
      tpu.wait_dma2 semaphore(%dma_wait3A_1005 : memref<!tpu.dma_semaphore, #tpu.memory_space<semaphore_mem>>) src(%dma_wait3A_1011 : memref<128x128xf32, #tpu.memory_space<vmem>>) dst(%dma_wait3A_1007 : memref<128x128xf32, #tpu.memory_space<hbm>>)
      %dma_start3A_1012 = arith.constant 4 : i32
      %dma_start3A_1013 = arith.constant 4 : i32
      %dma_start3A_1014 = arith.constant 0 : i32
      %dma_start3A_1015 = arith.constant 0 : i32
      %dma_start3A_1016 = tpu.memref_slice %arg8[%dma_start3A_1012, %dma_start3A_1014, %dma_start3A_1015] : memref<5x128x128xf32, #tpu.memory_space<vmem>> -> memref<1x128x128xf32, #tpu.memory_space<vmem>>
      %dma_start3A_1017 = tpu.memref_squeeze %dma_start3A_1016 : memref<1x128x128xf32, #tpu.memory_space<vmem>> -> memref<128x128xf32, #tpu.memory_space<vmem>>
      %dma_start3A_1018 = arith.constant 0 : i32
      %dma_start3A_1019 = tpu.memref_slice %arg7[%add3A_995, %dma_start3A_1018] : memref<50x128xi32, #tpu.memory_space<vmem>> -> memref<1x128xi32, #tpu.memory_space<vmem>>
      %dma_start3A_1020 = tpu.memref_squeeze %dma_start3A_1019 : memref<1x128xi32, #tpu.memory_space<vmem>> -> memref<128xi32, #tpu.memory_space<vmem>>
      %dma_start3A_1021 = arith.constant 0 : i32
      %dma_start3A_1022 = arith.constant 0 : i32
      %dma_start3A_1023 = tpu.memref_slice %arg2[%dma_start3A_1021, %dma_start3A_1022] : memref<100000x128xf32, #tpu.memory_space<hbm>> -> memref<100000x128xf32, #tpu.memory_space<hbm>>
      %dma_start3A_1024 = tpu.memref_slice %arg9[%dma_start3A_1013] : memref<5x!tpu.dma_semaphore, #tpu.memory_space<semaphore_mem>> -> memref<1x!tpu.dma_semaphore, #tpu.memory_space<semaphore_mem>>
      %dma_start3A_1025 = tpu.memref_squeeze %dma_start3A_1024 : memref<1x!tpu.dma_semaphore, #tpu.memory_space<semaphore_mem>> -> memref<!tpu.dma_semaphore, #tpu.memory_space<semaphore_mem>>
      tpu.enqueue_indirect_dma source(%dma_start3A_1023 : memref<100000x128xf32, #tpu.memory_space<hbm>>) target(%dma_start3A_1017 : memref<128x128xf32, #tpu.memory_space<vmem>>) offsets(%dma_start3A_1020 : memref<128xi32, #tpu.memory_space<vmem>>) semaphore(%dma_start3A_1025 : memref<!tpu.dma_semaphore, #tpu.memory_space<semaphore_mem>>)
      %scan3A_1026 = arith.constant 0 : i32
      scf.yield %scan3A_1026 : i32
    }
    %scan3A_408 = arith.constant 9 : i32
    %dma_wait3A_409 = arith.constant 0 : i32
    %dma_wait3A_410 = arith.constant 0 : i32
    %dma_wait3A_411 = arith.constant 0 : i32
    %dma_wait3A_412 = arith.constant 0 : i32
    %dma_wait3A_413 = arith.constant 0 : i32
    %dma_wait3A_414 = tpu.memref_slice %arg8[%dma_wait3A_410, %dma_wait3A_412, %dma_wait3A_413] : memref<5x128x128xf32, #tpu.memory_space<vmem>> -> memref<1x128x128xf32, #tpu.memory_space<vmem>>
    %dma_wait3A_415 = tpu.memref_squeeze %dma_wait3A_414 : memref<1x128x128xf32, #tpu.memory_space<vmem>> -> memref<128x128xf32, #tpu.memory_space<vmem>>
    %dma_wait3A_416 = arith.constant 0 : i32
    %dma_wait3A_417 = tpu.memref_slice %arg7[%dma_wait3A_409, %dma_wait3A_416] : memref<50x128xi32, #tpu.memory_space<vmem>> -> memref<1x128xi32, #tpu.memory_space<vmem>>
    %dma_wait3A_418 = tpu.memref_squeeze %dma_wait3A_417 : memref<1x128xi32, #tpu.memory_space<vmem>> -> memref<128xi32, #tpu.memory_space<vmem>>
    %dma_wait3A_419 = arith.constant 0 : i32
    %dma_wait3A_420 = arith.constant 0 : i32
    %dma_wait3A_421 = tpu.memref_slice %arg2[%dma_wait3A_419, %dma_wait3A_420] : memref<100000x128xf32, #tpu.memory_space<hbm>> -> memref<100000x128xf32, #tpu.memory_space<hbm>>
    %dma_wait3A_422 = tpu.memref_slice %arg9[%dma_wait3A_411] : memref<5x!tpu.dma_semaphore, #tpu.memory_space<semaphore_mem>> -> memref<1x!tpu.dma_semaphore, #tpu.memory_space<semaphore_mem>>
    %dma_wait3A_423 = tpu.memref_squeeze %dma_wait3A_422 : memref<1x!tpu.dma_semaphore, #tpu.memory_space<semaphore_mem>> -> memref<!tpu.dma_semaphore, #tpu.memory_space<semaphore_mem>>
    tpu.wait_indirect_dma semaphore(%dma_wait3A_423 : memref<!tpu.dma_semaphore, #tpu.memory_space<semaphore_mem>>) src(%dma_wait3A_421 : memref<100000x128xf32, #tpu.memory_space<hbm>>) dst(%dma_wait3A_415 : memref<128x128xf32, #tpu.memory_space<vmem>>)
    %add3A_424 = arith.constant 5760 : i32
    %add3A_425 = arith.addi %mul3A_2, %add3A_424 : i32
    %dma_start3A_426 = arith.constant 0 : i32
    %dma_start3A_427 = arith.constant 0 : i32
    %dma_start3A_428 = arith.constant 0 : i32
    %dma_start3A_429 = arith.constant 0 : i32
    %dma_start3A_430 = tpu.memref_slice %arg8[%dma_start3A_426, %dma_start3A_428, %dma_start3A_429] : memref<5x128x128xf32, #tpu.memory_space<vmem>> -> memref<1x128x128xf32, #tpu.memory_space<vmem>>
    %dma_start3A_431 = tpu.memref_squeeze %dma_start3A_430 : memref<1x128x128xf32, #tpu.memory_space<vmem>> -> memref<128x128xf32, #tpu.memory_space<vmem>>
    %dma_start3A_432 = arith.constant 0 : i32
    %dma_start3A_433 = tpu.memref_slice %arg6[%add3A_425, %dma_start3A_432] : memref<204800x128xf32, #tpu.memory_space<hbm>> -> memref<128x128xf32, #tpu.memory_space<hbm>>
    %dma_start3A_434 = tpu.memref_slice %arg10[%dma_start3A_427] : memref<5x!tpu.dma_semaphore, #tpu.memory_space<semaphore_mem>> -> memref<1x!tpu.dma_semaphore, #tpu.memory_space<semaphore_mem>>
    %dma_start3A_435 = tpu.memref_squeeze %dma_start3A_434 : memref<1x!tpu.dma_semaphore, #tpu.memory_space<semaphore_mem>> -> memref<!tpu.dma_semaphore, #tpu.memory_space<semaphore_mem>>
    %dma_start3A_436 = arith.constant 0 : i32
    %dma_start3A_437 = tpu.memref_slice %arg6[%add3A_425, %dma_start3A_436] : memref<204800x128xf32, #tpu.memory_space<hbm>> -> memref<128x128xf32, #tpu.memory_space<hbm>>
    %dma_start3A_438 = arith.constant 0 : i32
    %dma_start3A_439 = arith.constant 0 : i32
    %dma_start3A_440 = tpu.memref_slice %arg8[%dma_start3A_426, %dma_start3A_438, %dma_start3A_439] : memref<5x128x128xf32, #tpu.memory_space<vmem>> -> memref<1x128x128xf32, #tpu.memory_space<vmem>>
    %dma_start3A_441 = tpu.memref_squeeze %dma_start3A_440 : memref<1x128x128xf32, #tpu.memory_space<vmem>> -> memref<128x128xf32, #tpu.memory_space<vmem>>
    tpu.enqueue_dma source(%dma_start3A_441 : memref<128x128xf32, #tpu.memory_space<vmem>>) target(%dma_start3A_437 : memref<128x128xf32, #tpu.memory_space<hbm>>) target_semaphore(%dma_start3A_435 : memref<!tpu.dma_semaphore, #tpu.memory_space<semaphore_mem>>)
    %dma_wait3A_442 = arith.constant 0 : i32
    %dma_wait3A_443 = arith.constant 1 : i32
    %dma_wait3A_444 = arith.constant 1 : i32
    %dma_wait3A_445 = arith.constant 0 : i32
    %dma_wait3A_446 = arith.constant 0 : i32
    %dma_wait3A_447 = tpu.memref_slice %arg8[%dma_wait3A_443, %dma_wait3A_445, %dma_wait3A_446] : memref<5x128x128xf32, #tpu.memory_space<vmem>> -> memref<1x128x128xf32, #tpu.memory_space<vmem>>
    %dma_wait3A_448 = tpu.memref_squeeze %dma_wait3A_447 : memref<1x128x128xf32, #tpu.memory_space<vmem>> -> memref<128x128xf32, #tpu.memory_space<vmem>>
    %dma_wait3A_449 = arith.constant 0 : i32
    %dma_wait3A_450 = tpu.memref_slice %arg7[%dma_wait3A_442, %dma_wait3A_449] : memref<50x128xi32, #tpu.memory_space<vmem>> -> memref<1x128xi32, #tpu.memory_space<vmem>>
    %dma_wait3A_451 = tpu.memref_squeeze %dma_wait3A_450 : memref<1x128xi32, #tpu.memory_space<vmem>> -> memref<128xi32, #tpu.memory_space<vmem>>
    %dma_wait3A_452 = arith.constant 0 : i32
    %dma_wait3A_453 = arith.constant 0 : i32
    %dma_wait3A_454 = tpu.memref_slice %arg2[%dma_wait3A_452, %dma_wait3A_453] : memref<100000x128xf32, #tpu.memory_space<hbm>> -> memref<100000x128xf32, #tpu.memory_space<hbm>>
    %dma_wait3A_455 = tpu.memref_slice %arg9[%dma_wait3A_444] : memref<5x!tpu.dma_semaphore, #tpu.memory_space<semaphore_mem>> -> memref<1x!tpu.dma_semaphore, #tpu.memory_space<semaphore_mem>>
    %dma_wait3A_456 = tpu.memref_squeeze %dma_wait3A_455 : memref<1x!tpu.dma_semaphore, #tpu.memory_space<semaphore_mem>> -> memref<!tpu.dma_semaphore, #tpu.memory_space<semaphore_mem>>
    tpu.wait_indirect_dma semaphore(%dma_wait3A_456 : memref<!tpu.dma_semaphore, #tpu.memory_space<semaphore_mem>>) src(%dma_wait3A_454 : memref<100000x128xf32, #tpu.memory_space<hbm>>) dst(%dma_wait3A_448 : memref<128x128xf32, #tpu.memory_space<vmem>>)
    %add3A_457 = arith.constant 5888 : i32
    %add3A_458 = arith.addi %mul3A_2, %add3A_457 : i32
    %dma_start3A_459 = arith.constant 1 : i32
    %dma_start3A_460 = arith.constant 1 : i32
    %dma_start3A_461 = arith.constant 0 : i32
    %dma_start3A_462 = arith.constant 0 : i32
    %dma_start3A_463 = tpu.memref_slice %arg8[%dma_start3A_459, %dma_start3A_461, %dma_start3A_462] : memref<5x128x128xf32, #tpu.memory_space<vmem>> -> memref<1x128x128xf32, #tpu.memory_space<vmem>>
    %dma_start3A_464 = tpu.memref_squeeze %dma_start3A_463 : memref<1x128x128xf32, #tpu.memory_space<vmem>> -> memref<128x128xf32, #tpu.memory_space<vmem>>
    %dma_start3A_465 = arith.constant 0 : i32
    %dma_start3A_466 = tpu.memref_slice %arg6[%add3A_458, %dma_start3A_465] : memref<204800x128xf32, #tpu.memory_space<hbm>> -> memref<128x128xf32, #tpu.memory_space<hbm>>
    %dma_start3A_467 = tpu.memref_slice %arg10[%dma_start3A_460] : memref<5x!tpu.dma_semaphore, #tpu.memory_space<semaphore_mem>> -> memref<1x!tpu.dma_semaphore, #tpu.memory_space<semaphore_mem>>
    %dma_start3A_468 = tpu.memref_squeeze %dma_start3A_467 : memref<1x!tpu.dma_semaphore, #tpu.memory_space<semaphore_mem>> -> memref<!tpu.dma_semaphore, #tpu.memory_space<semaphore_mem>>
    %dma_start3A_469 = arith.constant 0 : i32
    %dma_start3A_470 = tpu.memref_slice %arg6[%add3A_458, %dma_start3A_469] : memref<204800x128xf32, #tpu.memory_space<hbm>> -> memref<128x128xf32, #tpu.memory_space<hbm>>
    %dma_start3A_471 = arith.constant 0 : i32
    %dma_start3A_472 = arith.constant 0 : i32
    %dma_start3A_473 = tpu.memref_slice %arg8[%dma_start3A_459, %dma_start3A_471, %dma_start3A_472] : memref<5x128x128xf32, #tpu.memory_space<vmem>> -> memref<1x128x128xf32, #tpu.memory_space<vmem>>
    %dma_start3A_474 = tpu.memref_squeeze %dma_start3A_473 : memref<1x128x128xf32, #tpu.memory_space<vmem>> -> memref<128x128xf32, #tpu.memory_space<vmem>>
    tpu.enqueue_dma source(%dma_start3A_474 : memref<128x128xf32, #tpu.memory_space<vmem>>) target(%dma_start3A_470 : memref<128x128xf32, #tpu.memory_space<hbm>>) target_semaphore(%dma_start3A_468 : memref<!tpu.dma_semaphore, #tpu.memory_space<semaphore_mem>>)
    %dma_wait3A_475 = arith.constant 0 : i32
    %dma_wait3A_476 = arith.constant 2 : i32
    %dma_wait3A_477 = arith.constant 2 : i32
    %dma_wait3A_478 = arith.constant 0 : i32
    %dma_wait3A_479 = arith.constant 0 : i32
    %dma_wait3A_480 = tpu.memref_slice %arg8[%dma_wait3A_476, %dma_wait3A_478, %dma_wait3A_479] : memref<5x128x128xf32, #tpu.memory_space<vmem>> -> memref<1x128x128xf32, #tpu.memory_space<vmem>>
    %dma_wait3A_481 = tpu.memref_squeeze %dma_wait3A_480 : memref<1x128x128xf32, #tpu.memory_space<vmem>> -> memref<128x128xf32, #tpu.memory_space<vmem>>
    %dma_wait3A_482 = arith.constant 0 : i32
    %dma_wait3A_483 = tpu.memref_slice %arg7[%dma_wait3A_475, %dma_wait3A_482] : memref<50x128xi32, #tpu.memory_space<vmem>> -> memref<1x128xi32, #tpu.memory_space<vmem>>
    %dma_wait3A_484 = tpu.memref_squeeze %dma_wait3A_483 : memref<1x128xi32, #tpu.memory_space<vmem>> -> memref<128xi32, #tpu.memory_space<vmem>>
    %dma_wait3A_485 = arith.constant 0 : i32
    %dma_wait3A_486 = arith.constant 0 : i32
    %dma_wait3A_487 = tpu.memref_slice %arg2[%dma_wait3A_485, %dma_wait3A_486] : memref<100000x128xf32, #tpu.memory_space<hbm>> -> memref<100000x128xf32, #tpu.memory_space<hbm>>
    %dma_wait3A_488 = tpu.memref_slice %arg9[%dma_wait3A_477] : memref<5x!tpu.dma_semaphore, #tpu.memory_space<semaphore_mem>> -> memref<1x!tpu.dma_semaphore, #tpu.memory_space<semaphore_mem>>
    %dma_wait3A_489 = tpu.memref_squeeze %dma_wait3A_488 : memref<1x!tpu.dma_semaphore, #tpu.memory_space<semaphore_mem>> -> memref<!tpu.dma_semaphore, #tpu.memory_space<semaphore_mem>>
    tpu.wait_indirect_dma semaphore(%dma_wait3A_489 : memref<!tpu.dma_semaphore, #tpu.memory_space<semaphore_mem>>) src(%dma_wait3A_487 : memref<100000x128xf32, #tpu.memory_space<hbm>>) dst(%dma_wait3A_481 : memref<128x128xf32, #tpu.memory_space<vmem>>)
    %add3A_490 = arith.constant 6016 : i32
    %add3A_491 = arith.addi %mul3A_2, %add3A_490 : i32
    %dma_start3A_492 = arith.constant 2 : i32
    %dma_start3A_493 = arith.constant 2 : i32
    %dma_start3A_494 = arith.constant 0 : i32
    %dma_start3A_495 = arith.constant 0 : i32
    %dma_start3A_496 = tpu.memref_slice %arg8[%dma_start3A_492, %dma_start3A_494, %dma_start3A_495] : memref<5x128x128xf32, #tpu.memory_space<vmem>> -> memref<1x128x128xf32, #tpu.memory_space<vmem>>
    %dma_start3A_497 = tpu.memref_squeeze %dma_start3A_496 : memref<1x128x128xf32, #tpu.memory_space<vmem>> -> memref<128x128xf32, #tpu.memory_space<vmem>>
    %dma_start3A_498 = arith.constant 0 : i32
    %dma_start3A_499 = tpu.memref_slice %arg6[%add3A_491, %dma_start3A_498] : memref<204800x128xf32, #tpu.memory_space<hbm>> -> memref<128x128xf32, #tpu.memory_space<hbm>>
    %dma_start3A_500 = tpu.memref_slice %arg10[%dma_start3A_493] : memref<5x!tpu.dma_semaphore, #tpu.memory_space<semaphore_mem>> -> memref<1x!tpu.dma_semaphore, #tpu.memory_space<semaphore_mem>>
    %dma_start3A_501 = tpu.memref_squeeze %dma_start3A_500 : memref<1x!tpu.dma_semaphore, #tpu.memory_space<semaphore_mem>> -> memref<!tpu.dma_semaphore, #tpu.memory_space<semaphore_mem>>
    %dma_start3A_502 = arith.constant 0 : i32
    %dma_start3A_503 = tpu.memref_slice %arg6[%add3A_491, %dma_start3A_502] : memref<204800x128xf32, #tpu.memory_space<hbm>> -> memref<128x128xf32, #tpu.memory_space<hbm>>
    %dma_start3A_504 = arith.constant 0 : i32
    %dma_start3A_505 = arith.constant 0 : i32
    %dma_start3A_506 = tpu.memref_slice %arg8[%dma_start3A_492, %dma_start3A_504, %dma_start3A_505] : memref<5x128x128xf32, #tpu.memory_space<vmem>> -> memref<1x128x128xf32, #tpu.memory_space<vmem>>
    %dma_start3A_507 = tpu.memref_squeeze %dma_start3A_506 : memref<1x128x128xf32, #tpu.memory_space<vmem>> -> memref<128x128xf32, #tpu.memory_space<vmem>>
    tpu.enqueue_dma source(%dma_start3A_507 : memref<128x128xf32, #tpu.memory_space<vmem>>) target(%dma_start3A_503 : memref<128x128xf32, #tpu.memory_space<hbm>>) target_semaphore(%dma_start3A_501 : memref<!tpu.dma_semaphore, #tpu.memory_space<semaphore_mem>>)
    %dma_wait3A_508 = arith.constant 0 : i32
    %dma_wait3A_509 = arith.constant 3 : i32
    %dma_wait3A_510 = arith.constant 3 : i32
    %dma_wait3A_511 = arith.constant 0 : i32
    %dma_wait3A_512 = arith.constant 0 : i32
    %dma_wait3A_513 = tpu.memref_slice %arg8[%dma_wait3A_509, %dma_wait3A_511, %dma_wait3A_512] : memref<5x128x128xf32, #tpu.memory_space<vmem>> -> memref<1x128x128xf32, #tpu.memory_space<vmem>>
    %dma_wait3A_514 = tpu.memref_squeeze %dma_wait3A_513 : memref<1x128x128xf32, #tpu.memory_space<vmem>> -> memref<128x128xf32, #tpu.memory_space<vmem>>
    %dma_wait3A_515 = arith.constant 0 : i32
    %dma_wait3A_516 = tpu.memref_slice %arg7[%dma_wait3A_508, %dma_wait3A_515] : memref<50x128xi32, #tpu.memory_space<vmem>> -> memref<1x128xi32, #tpu.memory_space<vmem>>
    %dma_wait3A_517 = tpu.memref_squeeze %dma_wait3A_516 : memref<1x128xi32, #tpu.memory_space<vmem>> -> memref<128xi32, #tpu.memory_space<vmem>>
    %dma_wait3A_518 = arith.constant 0 : i32
    %dma_wait3A_519 = arith.constant 0 : i32
    %dma_wait3A_520 = tpu.memref_slice %arg2[%dma_wait3A_518, %dma_wait3A_519] : memref<100000x128xf32, #tpu.memory_space<hbm>> -> memref<100000x128xf32, #tpu.memory_space<hbm>>
    %dma_wait3A_521 = tpu.memref_slice %arg9[%dma_wait3A_510] : memref<5x!tpu.dma_semaphore, #tpu.memory_space<semaphore_mem>> -> memref<1x!tpu.dma_semaphore, #tpu.memory_space<semaphore_mem>>
    %dma_wait3A_522 = tpu.memref_squeeze %dma_wait3A_521 : memref<1x!tpu.dma_semaphore, #tpu.memory_space<semaphore_mem>> -> memref<!tpu.dma_semaphore, #tpu.memory_space<semaphore_mem>>
    tpu.wait_indirect_dma semaphore(%dma_wait3A_522 : memref<!tpu.dma_semaphore, #tpu.memory_space<semaphore_mem>>) src(%dma_wait3A_520 : memref<100000x128xf32, #tpu.memory_space<hbm>>) dst(%dma_wait3A_514 : memref<128x128xf32, #tpu.memory_space<vmem>>)
    %add3A_523 = arith.constant 6144 : i32
    %add3A_524 = arith.addi %mul3A_2, %add3A_523 : i32
    %dma_start3A_525 = arith.constant 3 : i32
    %dma_start3A_526 = arith.constant 3 : i32
    %dma_start3A_527 = arith.constant 0 : i32
    %dma_start3A_528 = arith.constant 0 : i32
    %dma_start3A_529 = tpu.memref_slice %arg8[%dma_start3A_525, %dma_start3A_527, %dma_start3A_528] : memref<5x128x128xf32, #tpu.memory_space<vmem>> -> memref<1x128x128xf32, #tpu.memory_space<vmem>>
    %dma_start3A_530 = tpu.memref_squeeze %dma_start3A_529 : memref<1x128x128xf32, #tpu.memory_space<vmem>> -> memref<128x128xf32, #tpu.memory_space<vmem>>
    %dma_start3A_531 = arith.constant 0 : i32
    %dma_start3A_532 = tpu.memref_slice %arg6[%add3A_524, %dma_start3A_531] : memref<204800x128xf32, #tpu.memory_space<hbm>> -> memref<128x128xf32, #tpu.memory_space<hbm>>
    %dma_start3A_533 = tpu.memref_slice %arg10[%dma_start3A_526] : memref<5x!tpu.dma_semaphore, #tpu.memory_space<semaphore_mem>> -> memref<1x!tpu.dma_semaphore, #tpu.memory_space<semaphore_mem>>
    %dma_start3A_534 = tpu.memref_squeeze %dma_start3A_533 : memref<1x!tpu.dma_semaphore, #tpu.memory_space<semaphore_mem>> -> memref<!tpu.dma_semaphore, #tpu.memory_space<semaphore_mem>>
    %dma_start3A_535 = arith.constant 0 : i32
    %dma_start3A_536 = tpu.memref_slice %arg6[%add3A_524, %dma_start3A_535] : memref<204800x128xf32, #tpu.memory_space<hbm>> -> memref<128x128xf32, #tpu.memory_space<hbm>>
    %dma_start3A_537 = arith.constant 0 : i32
    %dma_start3A_538 = arith.constant 0 : i32
    %dma_start3A_539 = tpu.memref_slice %arg8[%dma_start3A_525, %dma_start3A_537, %dma_start3A_538] : memref<5x128x128xf32, #tpu.memory_space<vmem>> -> memref<1x128x128xf32, #tpu.memory_space<vmem>>
    %dma_start3A_540 = tpu.memref_squeeze %dma_start3A_539 : memref<1x128x128xf32, #tpu.memory_space<vmem>> -> memref<128x128xf32, #tpu.memory_space<vmem>>
    tpu.enqueue_dma source(%dma_start3A_540 : memref<128x128xf32, #tpu.memory_space<vmem>>) target(%dma_start3A_536 : memref<128x128xf32, #tpu.memory_space<hbm>>) target_semaphore(%dma_start3A_534 : memref<!tpu.dma_semaphore, #tpu.memory_space<semaphore_mem>>)
    %dma_wait3A_541 = arith.constant 0 : i32
    %dma_wait3A_542 = arith.constant 4 : i32
    %dma_wait3A_543 = arith.constant 4 : i32
    %dma_wait3A_544 = arith.constant 0 : i32
    %dma_wait3A_545 = arith.constant 0 : i32
    %dma_wait3A_546 = tpu.memref_slice %arg8[%dma_wait3A_542, %dma_wait3A_544, %dma_wait3A_545] : memref<5x128x128xf32, #tpu.memory_space<vmem>> -> memref<1x128x128xf32, #tpu.memory_space<vmem>>
    %dma_wait3A_547 = tpu.memref_squeeze %dma_wait3A_546 : memref<1x128x128xf32, #tpu.memory_space<vmem>> -> memref<128x128xf32, #tpu.memory_space<vmem>>
    %dma_wait3A_548 = arith.constant 0 : i32
    %dma_wait3A_549 = tpu.memref_slice %arg7[%dma_wait3A_541, %dma_wait3A_548] : memref<50x128xi32, #tpu.memory_space<vmem>> -> memref<1x128xi32, #tpu.memory_space<vmem>>
    %dma_wait3A_550 = tpu.memref_squeeze %dma_wait3A_549 : memref<1x128xi32, #tpu.memory_space<vmem>> -> memref<128xi32, #tpu.memory_space<vmem>>
    %dma_wait3A_551 = arith.constant 0 : i32
    %dma_wait3A_552 = arith.constant 0 : i32
    %dma_wait3A_553 = tpu.memref_slice %arg2[%dma_wait3A_551, %dma_wait3A_552] : memref<100000x128xf32, #tpu.memory_space<hbm>> -> memref<100000x128xf32, #tpu.memory_space<hbm>>
    %dma_wait3A_554 = tpu.memref_slice %arg9[%dma_wait3A_543] : memref<5x!tpu.dma_semaphore, #tpu.memory_space<semaphore_mem>> -> memref<1x!tpu.dma_semaphore, #tpu.memory_space<semaphore_mem>>
    %dma_wait3A_555 = tpu.memref_squeeze %dma_wait3A_554 : memref<1x!tpu.dma_semaphore, #tpu.memory_space<semaphore_mem>> -> memref<!tpu.dma_semaphore, #tpu.memory_space<semaphore_mem>>
    tpu.wait_indirect_dma semaphore(%dma_wait3A_555 : memref<!tpu.dma_semaphore, #tpu.memory_space<semaphore_mem>>) src(%dma_wait3A_553 : memref<100000x128xf32, #tpu.memory_space<hbm>>) dst(%dma_wait3A_547 : memref<128x128xf32, #tpu.memory_space<vmem>>)
    %add3A_556 = arith.constant 6272 : i32
    %add3A_557 = arith.addi %mul3A_2, %add3A_556 : i32
    %dma_start3A_558 = arith.constant 4 : i32
    %dma_start3A_559 = arith.constant 4 : i32
    %dma_start3A_560 = arith.constant 0 : i32
    %dma_start3A_561 = arith.constant 0 : i32
    %dma_start3A_562 = tpu.memref_slice %arg8[%dma_start3A_558, %dma_start3A_560, %dma_start3A_561] : memref<5x128x128xf32, #tpu.memory_space<vmem>> -> memref<1x128x128xf32, #tpu.memory_space<vmem>>
    %dma_start3A_563 = tpu.memref_squeeze %dma_start3A_562 : memref<1x128x128xf32, #tpu.memory_space<vmem>> -> memref<128x128xf32, #tpu.memory_space<vmem>>
    %dma_start3A_564 = arith.constant 0 : i32
    %dma_start3A_565 = tpu.memref_slice %arg6[%add3A_557, %dma_start3A_564] : memref<204800x128xf32, #tpu.memory_space<hbm>> -> memref<128x128xf32, #tpu.memory_space<hbm>>
    %dma_start3A_566 = tpu.memref_slice %arg10[%dma_start3A_559] : memref<5x!tpu.dma_semaphore, #tpu.memory_space<semaphore_mem>> -> memref<1x!tpu.dma_semaphore, #tpu.memory_space<semaphore_mem>>
    %dma_start3A_567 = tpu.memref_squeeze %dma_start3A_566 : memref<1x!tpu.dma_semaphore, #tpu.memory_space<semaphore_mem>> -> memref<!tpu.dma_semaphore, #tpu.memory_space<semaphore_mem>>
    %dma_start3A_568 = arith.constant 0 : i32
    %dma_start3A_569 = tpu.memref_slice %arg6[%add3A_557, %dma_start3A_568] : memref<204800x128xf32, #tpu.memory_space<hbm>> -> memref<128x128xf32, #tpu.memory_space<hbm>>
    %dma_start3A_570 = arith.constant 0 : i32
    %dma_start3A_571 = arith.constant 0 : i32
    %dma_start3A_572 = tpu.memref_slice %arg8[%dma_start3A_558, %dma_start3A_570, %dma_start3A_571] : memref<5x128x128xf32, #tpu.memory_space<vmem>> -> memref<1x128x128xf32, #tpu.memory_space<vmem>>
    %dma_start3A_573 = tpu.memref_squeeze %dma_start3A_572 : memref<1x128x128xf32, #tpu.memory_space<vmem>> -> memref<128x128xf32, #tpu.memory_space<vmem>>
    tpu.enqueue_dma source(%dma_start3A_573 : memref<128x128xf32, #tpu.memory_space<vmem>>) target(%dma_start3A_569 : memref<128x128xf32, #tpu.memory_space<hbm>>) target_semaphore(%dma_start3A_567 : memref<!tpu.dma_semaphore, #tpu.memory_space<semaphore_mem>>)
    %dma_wait3A_574 = arith.constant 0 : i32
    %dma_wait3A_575 = arith.constant 0 : i32
    %dma_wait3A_576 = arith.constant 0 : i32
    %dma_wait3A_577 = arith.constant 0 : i32
    %dma_wait3A_578 = tpu.memref_slice %arg8[%dma_wait3A_574, %dma_wait3A_576, %dma_wait3A_577] : memref<5x128x128xf32, #tpu.memory_space<vmem>> -> memref<1x128x128xf32, #tpu.memory_space<vmem>>
    %dma_wait3A_579 = tpu.memref_squeeze %dma_wait3A_578 : memref<1x128x128xf32, #tpu.memory_space<vmem>> -> memref<128x128xf32, #tpu.memory_space<vmem>>
    %dma_wait3A_580 = arith.constant 0 : i32
    %dma_wait3A_581 = tpu.memref_slice %arg6[%mul3A_2, %dma_wait3A_580] : memref<204800x128xf32, #tpu.memory_space<hbm>> -> memref<128x128xf32, #tpu.memory_space<hbm>>
    %dma_wait3A_582 = tpu.memref_slice %arg10[%dma_wait3A_575] : memref<5x!tpu.dma_semaphore, #tpu.memory_space<semaphore_mem>> -> memref<1x!tpu.dma_semaphore, #tpu.memory_space<semaphore_mem>>
    %dma_wait3A_583 = tpu.memref_squeeze %dma_wait3A_582 : memref<1x!tpu.dma_semaphore, #tpu.memory_space<semaphore_mem>> -> memref<!tpu.dma_semaphore, #tpu.memory_space<semaphore_mem>>
    %dma_wait3A_584 = arith.constant 0 : i32
    %dma_wait3A_585 = tpu.memref_slice %arg6[%mul3A_2, %dma_wait3A_584] : memref<204800x128xf32, #tpu.memory_space<hbm>> -> memref<128x128xf32, #tpu.memory_space<hbm>>
    %dma_wait3A_586 = arith.constant 0 : i32
    %dma_wait3A_587 = arith.constant 0 : i32
    %dma_wait3A_588 = tpu.memref_slice %arg8[%dma_wait3A_574, %dma_wait3A_586, %dma_wait3A_587] : memref<5x128x128xf32, #tpu.memory_space<vmem>> -> memref<1x128x128xf32, #tpu.memory_space<vmem>>
    %dma_wait3A_589 = tpu.memref_squeeze %dma_wait3A_588 : memref<1x128x128xf32, #tpu.memory_space<vmem>> -> memref<128x128xf32, #tpu.memory_space<vmem>>
    tpu.wait_dma2 semaphore(%dma_wait3A_583 : memref<!tpu.dma_semaphore, #tpu.memory_space<semaphore_mem>>) src(%dma_wait3A_589 : memref<128x128xf32, #tpu.memory_space<vmem>>) dst(%dma_wait3A_585 : memref<128x128xf32, #tpu.memory_space<hbm>>)
    %dma_wait3A_590 = arith.constant 1 : i32
    %dma_wait3A_591 = arith.constant 1 : i32
    %dma_wait3A_592 = arith.constant 0 : i32
    %dma_wait3A_593 = arith.constant 0 : i32
    %dma_wait3A_594 = tpu.memref_slice %arg8[%dma_wait3A_590, %dma_wait3A_592, %dma_wait3A_593] : memref<5x128x128xf32, #tpu.memory_space<vmem>> -> memref<1x128x128xf32, #tpu.memory_space<vmem>>
    %dma_wait3A_595 = tpu.memref_squeeze %dma_wait3A_594 : memref<1x128x128xf32, #tpu.memory_space<vmem>> -> memref<128x128xf32, #tpu.memory_space<vmem>>
    %dma_wait3A_596 = arith.constant 0 : i32
    %dma_wait3A_597 = tpu.memref_slice %arg6[%mul3A_2, %dma_wait3A_596] : memref<204800x128xf32, #tpu.memory_space<hbm>> -> memref<128x128xf32, #tpu.memory_space<hbm>>
    %dma_wait3A_598 = tpu.memref_slice %arg10[%dma_wait3A_591] : memref<5x!tpu.dma_semaphore, #tpu.memory_space<semaphore_mem>> -> memref<1x!tpu.dma_semaphore, #tpu.memory_space<semaphore_mem>>
    %dma_wait3A_599 = tpu.memref_squeeze %dma_wait3A_598 : memref<1x!tpu.dma_semaphore, #tpu.memory_space<semaphore_mem>> -> memref<!tpu.dma_semaphore, #tpu.memory_space<semaphore_mem>>
    %dma_wait3A_600 = arith.constant 0 : i32
    %dma_wait3A_601 = tpu.memref_slice %arg6[%mul3A_2, %dma_wait3A_600] : memref<204800x128xf32, #tpu.memory_space<hbm>> -> memref<128x128xf32, #tpu.memory_space<hbm>>
    %dma_wait3A_602 = arith.constant 0 : i32
    %dma_wait3A_603 = arith.constant 0 : i32
    %dma_wait3A_604 = tpu.memref_slice %arg8[%dma_wait3A_590, %dma_wait3A_602, %dma_wait3A_603] : memref<5x128x128xf32, #tpu.memory_space<vmem>> -> memref<1x128x128xf32, #tpu.memory_space<vmem>>
    %dma_wait3A_605 = tpu.memref_squeeze %dma_wait3A_604 : memref<1x128x128xf32, #tpu.memory_space<vmem>> -> memref<128x128xf32, #tpu.memory_space<vmem>>
    tpu.wait_dma2 semaphore(%dma_wait3A_599 : memref<!tpu.dma_semaphore, #tpu.memory_space<semaphore_mem>>) src(%dma_wait3A_605 : memref<128x128xf32, #tpu.memory_space<vmem>>) dst(%dma_wait3A_601 : memref<128x128xf32, #tpu.memory_space<hbm>>)
    %dma_wait3A_606 = arith.constant 2 : i32
    %dma_wait3A_607 = arith.constant 2 : i32
    %dma_wait3A_608 = arith.constant 0 : i32
    %dma_wait3A_609 = arith.constant 0 : i32
    %dma_wait3A_610 = tpu.memref_slice %arg8[%dma_wait3A_606, %dma_wait3A_608, %dma_wait3A_609] : memref<5x128x128xf32, #tpu.memory_space<vmem>> -> memref<1x128x128xf32, #tpu.memory_space<vmem>>
    %dma_wait3A_611 = tpu.memref_squeeze %dma_wait3A_610 : memref<1x128x128xf32, #tpu.memory_space<vmem>> -> memref<128x128xf32, #tpu.memory_space<vmem>>
    %dma_wait3A_612 = arith.constant 0 : i32
    %dma_wait3A_613 = tpu.memref_slice %arg6[%mul3A_2, %dma_wait3A_612] : memref<204800x128xf32, #tpu.memory_space<hbm>> -> memref<128x128xf32, #tpu.memory_space<hbm>>
    %dma_wait3A_614 = tpu.memref_slice %arg10[%dma_wait3A_607] : memref<5x!tpu.dma_semaphore, #tpu.memory_space<semaphore_mem>> -> memref<1x!tpu.dma_semaphore, #tpu.memory_space<semaphore_mem>>
    %dma_wait3A_615 = tpu.memref_squeeze %dma_wait3A_614 : memref<1x!tpu.dma_semaphore, #tpu.memory_space<semaphore_mem>> -> memref<!tpu.dma_semaphore, #tpu.memory_space<semaphore_mem>>
    %dma_wait3A_616 = arith.constant 0 : i32
    %dma_wait3A_617 = tpu.memref_slice %arg6[%mul3A_2, %dma_wait3A_616] : memref<204800x128xf32, #tpu.memory_space<hbm>> -> memref<128x128xf32, #tpu.memory_space<hbm>>
    %dma_wait3A_618 = arith.constant 0 : i32
    %dma_wait3A_619 = arith.constant 0 : i32
    %dma_wait3A_620 = tpu.memref_slice %arg8[%dma_wait3A_606, %dma_wait3A_618, %dma_wait3A_619] : memref<5x128x128xf32, #tpu.memory_space<vmem>> -> memref<1x128x128xf32, #tpu.memory_space<vmem>>
    %dma_wait3A_621 = tpu.memref_squeeze %dma_wait3A_620 : memref<1x128x128xf32, #tpu.memory_space<vmem>> -> memref<128x128xf32, #tpu.memory_space<vmem>>
    tpu.wait_dma2 semaphore(%dma_wait3A_615 : memref<!tpu.dma_semaphore, #tpu.memory_space<semaphore_mem>>) src(%dma_wait3A_621 : memref<128x128xf32, #tpu.memory_space<vmem>>) dst(%dma_wait3A_617 : memref<128x128xf32, #tpu.memory_space<hbm>>)
    %dma_wait3A_622 = arith.constant 3 : i32
    %dma_wait3A_623 = arith.constant 3 : i32
    %dma_wait3A_624 = arith.constant 0 : i32
    %dma_wait3A_625 = arith.constant 0 : i32
    %dma_wait3A_626 = tpu.memref_slice %arg8[%dma_wait3A_622, %dma_wait3A_624, %dma_wait3A_625] : memref<5x128x128xf32, #tpu.memory_space<vmem>> -> memref<1x128x128xf32, #tpu.memory_space<vmem>>
    %dma_wait3A_627 = tpu.memref_squeeze %dma_wait3A_626 : memref<1x128x128xf32, #tpu.memory_space<vmem>> -> memref<128x128xf32, #tpu.memory_space<vmem>>
    %dma_wait3A_628 = arith.constant 0 : i32
    %dma_wait3A_629 = tpu.memref_slice %arg6[%mul3A_2, %dma_wait3A_628] : memref<204800x128xf32, #tpu.memory_space<hbm>> -> memref<128x128xf32, #tpu.memory_space<hbm>>
    %dma_wait3A_630 = tpu.memref_slice %arg10[%dma_wait3A_623] : memref<5x!tpu.dma_semaphore, #tpu.memory_space<semaphore_mem>> -> memref<1x!tpu.dma_semaphore, #tpu.memory_space<semaphore_mem>>
    %dma_wait3A_631 = tpu.memref_squeeze %dma_wait3A_630 : memref<1x!tpu.dma_semaphore, #tpu.memory_space<semaphore_mem>> -> memref<!tpu.dma_semaphore, #tpu.memory_space<semaphore_mem>>
    %dma_wait3A_632 = arith.constant 0 : i32
    %dma_wait3A_633 = tpu.memref_slice %arg6[%mul3A_2, %dma_wait3A_632] : memref<204800x128xf32, #tpu.memory_space<hbm>> -> memref<128x128xf32, #tpu.memory_space<hbm>>
    %dma_wait3A_634 = arith.constant 0 : i32
    %dma_wait3A_635 = arith.constant 0 : i32
    %dma_wait3A_636 = tpu.memref_slice %arg8[%dma_wait3A_622, %dma_wait3A_634, %dma_wait3A_635] : memref<5x128x128xf32, #tpu.memory_space<vmem>> -> memref<1x128x128xf32, #tpu.memory_space<vmem>>
    %dma_wait3A_637 = tpu.memref_squeeze %dma_wait3A_636 : memref<1x128x128xf32, #tpu.memory_space<vmem>> -> memref<128x128xf32, #tpu.memory_space<vmem>>
    tpu.wait_dma2 semaphore(%dma_wait3A_631 : memref<!tpu.dma_semaphore, #tpu.memory_space<semaphore_mem>>) src(%dma_wait3A_637 : memref<128x128xf32, #tpu.memory_space<vmem>>) dst(%dma_wait3A_633 : memref<128x128xf32, #tpu.memory_space<hbm>>)
    %dma_wait3A_638 = arith.constant 4 : i32
    %dma_wait3A_639 = arith.constant 4 : i32
    %dma_wait3A_640 = arith.constant 0 : i32
    %dma_wait3A_641 = arith.constant 0 : i32
    %dma_wait3A_642 = tpu.memref_slice %arg8[%dma_wait3A_638, %dma_wait3A_640, %dma_wait3A_641] : memref<5x128x128xf32, #tpu.memory_space<vmem>> -> memref<1x128x128xf32, #tpu.memory_space<vmem>>
    %dma_wait3A_643 = tpu.memref_squeeze %dma_wait3A_642 : memref<1x128x128xf32, #tpu.memory_space<vmem>> -> memref<128x128xf32, #tpu.memory_space<vmem>>
    %dma_wait3A_644 = arith.constant 0 : i32
    %dma_wait3A_645 = tpu.memref_slice %arg6[%mul3A_2, %dma_wait3A_644] : memref<204800x128xf32, #tpu.memory_space<hbm>> -> memref<128x128xf32, #tpu.memory_space<hbm>>
    %dma_wait3A_646 = tpu.memref_slice %arg10[%dma_wait3A_639] : memref<5x!tpu.dma_semaphore, #tpu.memory_space<semaphore_mem>> -> memref<1x!tpu.dma_semaphore, #tpu.memory_space<semaphore_mem>>
    %dma_wait3A_647 = tpu.memref_squeeze %dma_wait3A_646 : memref<1x!tpu.dma_semaphore, #tpu.memory_space<semaphore_mem>> -> memref<!tpu.dma_semaphore, #tpu.memory_space<semaphore_mem>>
    %dma_wait3A_648 = arith.constant 0 : i32
    %dma_wait3A_649 = tpu.memref_slice %arg6[%mul3A_2, %dma_wait3A_648] : memref<204800x128xf32, #tpu.memory_space<hbm>> -> memref<128x128xf32, #tpu.memory_space<hbm>>
    %dma_wait3A_650 = arith.constant 0 : i32
    %dma_wait3A_651 = arith.constant 0 : i32
    %dma_wait3A_652 = tpu.memref_slice %arg8[%dma_wait3A_638, %dma_wait3A_650, %dma_wait3A_651] : memref<5x128x128xf32, #tpu.memory_space<vmem>> -> memref<1x128x128xf32, #tpu.memory_space<vmem>>
    %dma_wait3A_653 = tpu.memref_squeeze %dma_wait3A_652 : memref<1x128x128xf32, #tpu.memory_space<vmem>> -> memref<128x128xf32, #tpu.memory_space<vmem>>
    tpu.wait_dma2 semaphore(%dma_wait3A_647 : memref<!tpu.dma_semaphore, #tpu.memory_space<semaphore_mem>>) src(%dma_wait3A_653 : memref<128x128xf32, #tpu.memory_space<vmem>>) dst(%dma_wait3A_649 : memref<128x128xf32, #tpu.memory_space<hbm>>)
    return
  }
}

</mosaic_0001>

<sc_bundles>
// kernel: _dual_gather.3.cloned.1.call-start
scs
__scs_entry_jumppad:
0x0: {  	(pc) =	sbr.rel $0x88, $3  }
0x1: {  	(tag) =	ssettag $0x0;
	lr =	simm.s32 $0x1  }
0x2: {  	[smem:$0x3F9E] =	sst lr;
	_ =	strace $0xD0000000  }
0x3: {  	_ = 	snop  }
0x4: {  	_ = 	snop  }
0x5: {  	_ = 	snop  }
0x6: {  	_ = 	snop  }
0x7: {  	_ = 	snop  }
__scs_overlays_trampoline_lowered:
0x8: {  	[smem:$0x3FAD] =	sst s0  }
0x9: {  	[smem:$0x3FAE] =	sst s1  }
0xa: {  	[smem:$0x3FAF] =	sst s2  }
0xb: {  	[smem:$0x3FB0] =	sst s3  }
0xc: {  	[smem:$0x3FB1] =	sst s4  }
0xd: {  	[smem:$0x3FB2] =	sst s5  }
0xe: {  	[smem:$0x3FB3] =	sst s6  }
0xf: {  	[smem:$0x3FB4] =	sst s7  }
0x10: {  	[smem:$0x3FB5] =	sst s8  }
0x11: {  	[smem:$0x3FB6] =	sst s9;
	s0 =	simm.s32 @!p0 $0x0  }
0x12: {  	s1 =	sld [smem:$0x3F9C];
	s0 =	simm.s32 @p0 $0x1  }
0x13: {  	[smem:$0x3FB7] =	sst s0;
	s0 =	simm.s32 @!p1 $0x0  }
0x14: {  	s2 =	sld [smem:$0x3F9B];
	s0 =	simm.s32 @p1 $0x1  }
0x15: {  	[smem:$0x3FB8] =	sst s0;
	s0 =	simm.s32 @!p2 $0x0  }
0x16: {  	s3 =	sld [smem:$0x3FDB];
	s0 =	simm.s32 @p2 $0x1  }
0x17: {  	s4 =	simm.s32 $0x1BF5;
	[smem:$0x3FBA] =	sst s0  }
0x18: {  	s0 =	sld [smem:$0x3F9D];
	_ =	swait.ge [sflag:s4], $0x0  }
0x19: {  	s7 =	sld [smem:$0x3F9E]  }
0x1a: {  	s8 =	sadd.s32 $0xFFFFE003, lr  }
0x1b: {  	s9 =	sadd.s32 $0xFFFFFEF7, lr;
	s5 =	simm.s32 $0xFFFFFFFF;
	p2 =	slt.u32 s8, $0xFFFFF086  }
0x1c: {  	p1 =	slt.u32 s9, $0xF7A;
	s5 =	simm.s32 @!p2 $0x0  }
0x1d: {  	s5 =	simm.s32 @p1 $0x1;
	p0 =	seq.s32 s7, s2  }
0x1e: {  	s7 =	smul.u32 @!p0 $0xF7A, s2;
	p2 =	seq.s32 @!p0 s5, $0x0  }
0x1f: {  	s9 =	smul.u32 $0xF7A, s1;
	s8 =	simm.s32 @!p0 $0x1BF5;
	p2 =	por !p2, p0  }
0x20: {  	[sflag:s8] =	ssyncset.s32 @!p0 $0xFFFFF086;
	s6 =	sadd.s32 @!p0 s3, s7;
	s7 =	simm.s32 @!p0 $0x108  }
0x21: {  	s3 =	sadd.s32 s3, s9;
	s6 =	sadd.s32 @!p0 $0x88, s6;
	s7 =	simm.s32 @p2 $0x1082  }
0x22: {  	[simem:s7], [sflag:s8] =	dma.local @!p0 [hbm:s6], $0xF7A  }
0x23: {  	s9 =	sor.u32 $0xD0000000, s2;
	s6 =	simm.s32 $0x108;
	_ =	swait.ge @!p0 [sflag:s8], $0x0  }
0x24: {  	s3 =	sadd.s32 $0x88, s3;
	s6 =	simm.s32 @!p1 $0x1082;
	[sflag:s4] =	ssyncset.s32 $0xFFFFF086  }
0x25: {  	[simem:s6], [sflag:s4] =	dma.local [hbm:s3], $0xF7A  }
0x26: {  	[smem:$0x3F9E] =	sst s1;
	(tag) =	ssettag s2;
	_ =	strace s9  }
0x27: {  	s1 =	sld [smem:$0x3FAE]  }
0x28: {  	s2 =	sld [smem:$0x3FAF]  }
0x29: {  	s4 =	sld [smem:$0x3FB1]  }
0x2a: {  	p0 =	seq.s32 s5, $0x0;
	s5 =	sld [smem:$0x3FB2]  }
0x2b: {  	s6 =	sld [smem:$0x3FB3]  }
0x2c: {  	s7 =	sld [smem:$0x3FB4]  }
0x2d: {  	s3 =	simm.s32 $0x108;
	s8 =	sld [smem:$0x3FB5]  }
0x2e: {  	s3 =	simm.s32 @!p0 $0x1082;
	s9 =	sld [smem:$0x3FB6]  }
0x2f: {  	lr =	sadd.s32 s0, s3;
	s0 =	sld [smem:$0x3FAD]  }
0x30: {  	s3 =	sld [smem:$0x3FB0]  }
0x31: {  	[smem:$0x3FB9] =	sst s10  }
0x32: {  	s10 =	sld [smem:$0x3FB7];
	_ =	sdelay $0x3  }
0x33: {  	p0 =	seq.s32 s10, $0x1;
	s10 =	sld [smem:$0x3FB9];
	_ =	sdelay $0x3  }
0x34: {  	[smem:$0x3FB9] =	sst s10  }
0x35: {  	s10 =	sld [smem:$0x3FB8];
	_ =	sdelay $0x3  }
0x36: {  	p1 =	seq.s32 s10, $0x1;
	s10 =	sld [smem:$0x3FB9];
	_ =	sdelay $0x3  }
0x37: {  	[smem:$0x3FB9] =	sst s10  }
0x38: {  	s10 =	sld [smem:$0x3FBA]  }
0x39: {  	_ = 	snop;
	(pc) =	sbr.ind lr, $3  }
0x3a: {  	_ = 	snop  }
0x3b: {  	_ = 	snop  }
0x3c: {  	p2 =	seq.s32 s10, $0x1;
	s10 =	sld [smem:$0x3FB9]  }
0x3d: {  	_ =	shalt  }
0x3e: {  	_ =	shalt  }
0x3f: {  	_ =	shalt  }
0x40: {  	_ =	shalt  }
0x41: {  	_ =	shalt  }
0x42: {  	_ =	shalt  }
0x43: {  	_ =	shalt  }
0x44: {  	_ =	shalt  }
0x45: {  	_ =	shalt  }
0x46: {  	_ =	shalt  }
0x47: {  	_ =	shalt  }
0x48: {  	_ =	shalt  }
0x49: {  	_ =	shalt  }
0x4a: {  	_ =	shalt  }
0x4b: {  	_ =	shalt  }
0x4c: {  	_ =	shalt  }
0x4d: {  	_ =	shalt  }
0x4e: {  	_ =	shalt  }
0x4f: {  	_ =	shalt  }
0x50: {  	_ =	shalt  }
0x51: {  	_ =	shalt  }
0x52: {  	_ =	shalt  }
0x53: {  	_ =	shalt  }
0x54: {  	_ =	shalt  }
0x55: {  	_ =	shalt  }
0x56: {  	_ =	shalt  }
0x57: {  	_ =	shalt  }
0x58: {  	_ =	shalt  }
0x59: {  	_ =	shalt  }
0x5a: {  	_ =	shalt  }
0x5b: {  	_ =	shalt  }
0x5c: {  	_ =	shalt  }
0x5d: {  	_ =	shalt  }
0x5e: {  	_ =	shalt  }
0x5f: {  	_ =	shalt  }
0x60: {  	_ =	shalt  }
0x61: {  	_ =	shalt  }
0x62: {  	_ =	shalt  }
0x63: {  	_ =	shalt  }
0x64: {  	_ =	shalt  }
0x65: {  	_ =	shalt  }
0x66: {  	_ =	shalt  }
0x67: {  	_ =	shalt  }
0x68: {  	_ =	shalt  }
0x69: {  	_ =	shalt  }
0x6a: {  	_ =	shalt  }
0x6b: {  	_ =	shalt  }
0x6c: {  	_ =	shalt  }
0x6d: {  	_ =	shalt  }
0x6e: {  	_ =	shalt  }
0x6f: {  	_ =	shalt  }
0x70: {  	_ =	shalt  }
0x71: {  	_ =	shalt  }
0x72: {  	_ =	shalt  }
0x73: {  	_ =	shalt  }
0x74: {  	_ =	shalt  }
0x75: {  	_ =	shalt  }
0x76: {  	_ =	shalt  }
0x77: {  	_ =	shalt  }
0x78: {  	_ =	shalt  }
0x79: {  	_ =	shalt  }
0x7a: {  	_ =	shalt  }
0x7b: {  	_ =	shalt  }
0x7c: {  	_ =	shalt  }
0x7d: {  	_ =	shalt  }
0x7e: {  	_ =	shalt  }
0x7f: {  	_ =	shalt  }
0x80: {  	_ =	shalt  }
0x81: {  	_ =	shalt  }
0x82: {  	_ =	shalt  }
0x83: {  	_ =	shalt  }
0x84: {  	_ =	shalt  }
0x85: {  	_ =	shalt  }
0x86: {  	_ =	shalt  }
0x87: {  	_ =	shalt  }
.Lfunc_end0:
.L_simem_size_0:
called_computation_lowered:
.L_overlay_start_0:
0x88: {  	s2 =	sld [smem:$0x3FD9]  }
0x89: {  	s3 =	sld [smem:$0x3FFE];
	_ =	sdelay $0x1  }
0x8a: {  	s1 =	srdreg.scid  }
0x8b: {  	s0 =	sand.u32 $0x1, s1  }
0x8c: {  	s14 =	sshll.u32 s0, $0xA;
	s2 =	sadd.s32 s3, s2  }
0x8d: {  	s2 =	sadd.s32 s2, s14  }
0x8e: {  	[smem:$0x3FC5] =	sst s2  }
0x8f: {  	_ = 	snop  }
0x90: {  	s2 =	sld [smem:$0x3FD0];
	_ =	sdelay $0x2  }
0x91: {  	s4 =	simm.s32 $0xA;
	s5 =	simm.s32 $0x10;
	s15 =	sld [smem:$0x3FC9]  }
0x92: {  	[smem:s5], [sflag:s4] =	dma.local [hbm:s2], $0x1  }
0x93: {  	_ =	swait.eq [sflag:s4], $0x1  }
0x94: {  	[sflag:s4] =	ssyncset.done $0x0  }
0x95: {  	s16 =	sld [smem:$0x10];
	[sflag:s4] =	ssyncadd.s32 $0xFFFFFFFF  }
0x96: {  	s17 =	sld [smem:$0x11];
	(tm) =	ssettm $0x1  }
0x97: {  	s18 =	sld [smem:$0x3FFB];
	_ =	sdelay $0x3  }
0x98: {  	_ =	strace s18  }
0x99: {  	s5 =	sld [smem:$0x3FFC];
	_ =	sdelay $0x3  }
0x9a: {  	_ =	strace s5  }
0x9b: {  	s5 =	sld [smem:$0x3FFD];
	_ =	sdelay $0x3  }
0x9c: {  	_ =	strace s5  }
0x9d: {  	_ =	strace $0x8FFFFFFF  }
0x9e: {  	s19 =	sld [smem:$0x3FDB];
	_ =	sdelay $0x1  }
0x9f: {  	s6 =	simm.s32 $_scs_section_size  }
0xa0: {  	s7 =	simm.s32 $_size__tile_overlayer_lowered;
	s8 =	simm.s32 $_tile_overlayer_lowered  }
0xa1: {  	s22 =	simm.s32 $0x1BFF;
	s21 =	sshll.u32 s8, $0x1;
	s5 =	sadd.s32 s6, s19  }
0xa2: {  	s9 =	simm.s32 $0x0;
	s20 =	sshll.u32 s7, $0x1;
	s7 =	sadd.s32 s21, s5  }
0xa3: {  	[timem:s9], [sflag:s22] =	dma.local [hbm:s7], s20  }
0xa4: {  	_ =	swait.ge [sflag:s22], s20  }
0xa5: {  	s6 =	ssub.s32 $0x0, s20;
	[sflag:s22] =	ssyncset.done $0x0  }
0xa6: {  	[sflag:s22] =	ssyncadd.s32 s6;
	_ =	sdelay $0x1  }
0xa7: {  	s23 =	simm.s32 $0x1B8B  }
0xa8: {  	_ =	swait.ge [sflag:s23], $0x1  }
0xa9: {  	[sflag:s23] =	ssyncset.done $0x0  }
0xaa: {  	s25 =	simm.s32 $0x1B8E;
	s24 =	sld [smem:$0x3FFE];
	[sflag:s23] =	ssyncadd.s32 $0xFFFFFFFF  }
0xab: {  	s26 =	simm.s32 $execute0_lowered;
	[smem:$0x3FD2] =	sst s25  }
0xac: {  	s7 =	sshll.u32 s26, $0x1;
	_ =	strace $0x80000046;
	[dreg:$0x1] =	wrdreg $0xFFFFFFFF  }
0xad: {  	s28 =	simm.s32 $_size_execute0_lowered;
	s5 =	sadd.s32 s5, s7;
	[dreg:$0x0] =	wrdreg $0x0  }
0xae: {  	s7 =	sshll.u32 s28, $0x1;
	[dreg:$0x2] =	wrdreg s5  }
0xaf: {  	[dreg:$0x3] =	wrdreg s7  }
0xb0: {  	[dreg:$0x4] =	wrdreg $0xC0  }
0xb1: {  	_ =	task [dreg:s9], $0x5FFFF  }
0xb2: {  	[dreg:$0x1] =	wrdreg $0xFFFFFFFF  }
0xb3: {  	[dreg:$0x0] =	wrdreg $0x60  }
0xb4: {  	[dreg:$0x2] =	wrdreg s15  }
0xb5: {  	[dreg:$0x3] =	wrdreg s24  }
0xb6: {  	[dreg:$0x4] =	wrdreg s16  }
0xb7: {  	[dreg:$0x5] =	wrdreg s17  }
0xb8: {  	[dreg:$0x6] =	wrdreg $0x9  }
0xb9: {  	_ =	task.clear_ibuf [dreg:s9], $0x7FFFF;
	_ =	strace $0x90000046  }
0xba: {  	s29 =	simm.s32 $0x9;
	_ =	strace $0x80000048  }
0xbb: {  	_ =	swait.ge [sflag:s29], $0x1  }
0xbc: {  	[sflag:s29] =	ssyncadd.s32 $0xFFFFFFFF  }
0xbd: {  	_ =	strace $0x90000048  }
0xbe: {  	_ =	sfence  }
0xbf: {  	s30 =	sld [smem:$0x0];
	_ =	sdelay $0x2  }
0xc0: {  	s31 =	sshll.u32 s1, $0xD;
	s1 =	sshrl.u32 s1, $0x2  }
0xc1: {  	s3 =	sand.u32 $0x4000, s31;
	s1 =	sadd.s32 s1, s30  }
0xc2: {  	s0 =	sor.u32 s3, s0;
	s1 =	sshll.u32 s1, $0x11  }
0xc3: {  	s0 =	sor.u32 s1, s0  }
0xc4: {  	s0 =	sadd.s32 $0x8F2B, s0  }
0xc5: {  	[sflag:s0] =	ssyncadd.remote.s32 $0x1  }
0xc6: {  	_ =	sfence.sel $0xFFFF  }
0xc7: {  	[dreg:$0x0] =	wrdreg $0xFFFFFFFF;
	(pc) =	sbr.abs _section_cstart, $3  }
0xc8: {  	[dreg:$0x1] =	wrdreg $0xFFFFFFFF  }
0xc9: {  	_ =	task.clear_ibuf [dreg:s9], $0x2FFFF;
	_ =	strace $0x9FFFFFFF  }
0xca: {  	(tm) =	ssettm $0x7FFFFFFF  }
0xcb: {  	_ =	shalt  }
tec
execute0_lowered:
.L_overlay_start_1:
0x0: {  	(tag) =	ssettag $0x1  }
0x1: {  	s1 =	rddreg [dreg:$0x0]  }
0x2: {  	s0 =	rddreg [dreg:$0x1];
	s2 =	srdreg.scid  }
0x3: {  	s12 =	stileid.u32;
	s4 =	rddreg [dreg:$0x2]  }
0x4: {  	s5 =	rddreg [dreg:$0x3];
	s28 =	simm.s32 $0x200;
	s29 =	simm.s32 $0x11C00  }
0x5: {  	s2 =	sand.u32 $0x1, s2;
	s3 =	sshll.u32 s12, $0x1;
	s23 =	smul.u32 $0x32000, s12  }
0x6: {  	s6 =	sor.u32 s2, s3;
	s8 =	ssub.s32 $0x2, s2;
	s2 =	smul.u32 $0x19000, s2  }
0x7: {  	s30 =	simm.s32 $0x1;
	s3 =	simm.s32 $0x0;
	s7 =	smul.u32 $0x380, s6  }
0x8: {  	s31 =	simm.s32 $0x2;
	[smem:$0x7FF] =	sst s3;
	s6 =	smul.u32 $0xC8000, s6  }
0x9: {  	s15 =	sshrl.u32 s8, $0x1;
	_ =	strace $0x80000047;
	s0 =	sadd.s32 s7, s0  }
0xa: {  	s6 =	sshrl.u32 s6, $0x3;
	s7 =	ssub.s32 s8, s15;
	s8 =	simm.s32 $0x9  }
0xb: {  	s16 =	sadd.s32 $0x16800, s6;
	s9 =	sadd.s32 $0x17000, s6;
	s10 =	sadd.s32 $0x600, s0  }
0xc: {  	s19 =	sadd.s32 $0x17800, s6;
	s11 =	sadd.s32 $0x18000, s6;
	s6 =	sadd.s32 $0x18800, s6  }
0xd: {  	s0 =	sadd.s32 $0x7600, s0;
	[dreg:$0x5] =	wrdreg s10;
	s17 =	sadd.s32 s4, s16  }
0xe: {  	s18 =	sadd.s32 s4, s9;
	s13 =	sadd.s32 s4, s19;
	[dreg:$0xb] =	wrdreg s0  }
0xf: {  	s20 =	sadd.s32 s4, s11;
	s21 =	sadd.s32 s4, s6;
	[dreg:$0x6] =	wrdreg s17  }
0x10: {  	s22 =	sadd.s32 s5, s16;
	s24 =	sadd.s32 s5, s9;
	[dreg:$0x7] =	wrdreg s18  }
0x11: {  	s25 =	sadd.s32 s5, s19;
	s26 =	sadd.s32 s5, s11;
	[dreg:$0x8] =	wrdreg s13  }
0x12: {  	s4 =	sadd.s32 s23, s4;
	s0 =	sadd.s32 s23, s5;
	[dreg:$0x9] =	wrdreg s20  }
0x13: {  	s15 =	sadd.s32 s5, s6;
	s16 =	smax.u32 s7, $0x1;
	[dreg:$0xa] =	wrdreg s21  }
0x14: {  	s19 =	simm.s32 $0xB;
	s23 =	simm.s32 $0x100;
	[dreg:$0xc] =	wrdreg s22  }
0x15: {  	s5 =	simm.s32 $0x6;
	s6 =	simm.s32 $0x7;
	[dreg:$0xd] =	wrdreg s24  }
0x16: {  	s7 =	simm.s32 $0x8;
	s9 =	simm.s32 $0xA;
	[dreg:$0xe] =	wrdreg s25  }
0x17: {  	s10 =	simm.s32 $0x0;
	[dreg:$0xf] =	wrdreg s26;
	s4 =	sadd.s32 s2, s4  }
0x18: {  	s0 =	sadd.s32 s2, s0;
	s20 =	simm.s32 $0x80;
	s21 =	simm.s32 $0x1C00  }
0x19: {  	s22 =	simm.s32 $0x5C00;
	s24 =	simm.s32 $0x9C00;
	s25 =	simm.s32 $0x180  }
0x1a: {  	s26 =	simm.s32 $0xDC00;
	s2 =	simm.s32 $0x3;
	s17 =	sadd.s32 $0x2000, s4  }
0x1b: {  	s18 =	sadd.s32 $0x2000, s0;
	s0 =	simm.s32 $0x4;
	s4 =	simm.s32 $0x5  }
.LBB2_1:
0x1c: {  	s11 =	rddreg [dreg:$0x5]  }
0x1d: {  	[tilespmem:s3], [sflag:$0xB] =	stream.linear.gather [hbm4b:s11+s3], $0x1900, $0x38;
	[tilespmem:$0x15C00] =	vst v63  }
0x1e: {  	_ =	swait.ge [sflag:s19], $0x1900  }
0x1f: {  	[sflag:s19] =	ssyncset.done $0x0  }
0x20: {  	[sflag:s19] =	ssyncadd.s32 $0xFFFFE700  }
0x21: {  	[tilespmem:s21], [sflag:$0x1] =	stream.indirect.gather [hbm4b:s1+s20], $0x80, s3, s20, $0xb8;
	[tilespmem:$0x15C00] =	vst v63  }
0x22: {  	_ = 	snop  }
0x23: {  	[tilespmem:s22], [sflag:$0x2] =	stream.indirect.gather [hbm4b:s1+s20], $0x80, s20, s20, $0xb8;
	[tilespmem:$0x15C00] =	vst v63  }
0x24: {  	_ = 	snop  }
0x25: {  	[tilespmem:s24], [sflag:$0x3] =	stream.indirect.gather [hbm4b:s1+s20], $0x80, s23, s20, $0xb8;
	[tilespmem:$0x15C00] =	vst v63  }
0x26: {  	_ = 	snop  }
0x27: {  	[tilespmem:s26], [sflag:$0x4] =	stream.indirect.gather [hbm4b:s1+s20], $0x80, s25, s20, $0xb8;
	[tilespmem:$0x15C00] =	vst v63  }
0x28: {  	_ = 	snop  }
0x29: {  	[tilespmem:s29], [sflag:$0x5] =	stream.indirect.gather [hbm4b:s1+s20], $0x80, s28, s20, $0xb8;
	[tilespmem:$0x15C00] =	vst v63  }
0x2a: {  	_ =	swait.ge [sflag:s30], $0x4000  }
0x2b: {  	[sflag:s30] =	ssyncset.done $0x0  }
0x2c: {  	s13 =	sadd.s32 $0xFFFFE000, s17;
	[sflag:s30] =	ssyncadd.s32 $0xFFFFC000  }
0x2d: {  	[hbm4b:s13+s3] =	stream.linear.scatter [tilespmem:s21], [sflag:$0x6], $0x4000, $0x38;
	[tilespmem:$0x15C00] =	vst v63  }
0x2e: {  	_ =	swait.ge [sflag:s31], $0x4000  }
0x2f: {  	[sflag:s31] =	ssyncset.done $0x0  }
0x30: {  	s14 =	sadd.s32 $0xFFFFE800, s17;
	[sflag:s31] =	ssyncadd.s32 $0xFFFFC000  }
0x31: {  	[hbm4b:s14+s3] =	stream.linear.scatter [tilespmem:s22], [sflag:$0x7], $0x4000, $0x38;
	[tilespmem:$0x15C00] =	vst v63  }
0x32: {  	_ =	swait.ge [sflag:s2], $0x4000  }
0x33: {  	[sflag:s2] =	ssyncset.done $0x0  }
0x34: {  	s12 =	sadd.s32 $0xFFFFF000, s17;
	[sflag:s2] =	ssyncadd.s32 $0xFFFFC000  }
0x35: {  	[hbm4b:s12+s3] =	stream.linear.scatter [tilespmem:s24], [sflag:$0x8], $0x4000, $0x38;
	[tilespmem:$0x15C00] =	vst v63  }
0x36: {  	_ =	swait.ge [sflag:s0], $0x4000  }
0x37: {  	[sflag:s0] =	ssyncset.done $0x0  }
0x38: {  	s13 =	sadd.s32 $0xFFFFF800, s17;
	[sflag:s0] =	ssyncadd.s32 $0xFFFFC000  }
0x39: {  	[hbm4b:s13+s3] =	stream.linear.scatter [tilespmem:s26], [sflag:$0x9], $0x4000, $0x38;
	[tilespmem:$0x15C00] =	vst v63  }
0x3a: {  	_ =	swait.ge [sflag:s4], $0x4000  }
0x3b: {  	[sflag:s4] =	ssyncset.done $0x0  }
0x3c: {  	[sflag:s4] =	ssyncadd.s32 $0xFFFFC000  }
0x3d: {  	[hbm4b:s17+s3] =	stream.linear.scatter [tilespmem:s29], [sflag:$0xA], $0x4000, $0x38;
	[tilespmem:$0x15C00] =	vst v63  }
0x3e: {  	_ =	swait.ge [sflag:s5], $0x4000  }
0x3f: {  	[sflag:s5] =	ssyncset.done $0x0  }
0x40: {  	s14 =	simm.s32 $0x280;
	[sflag:s5] =	ssyncadd.s32 $0xFFFFC000  }
0x41: {  	[tilespmem:s21], [sflag:$0x1] =	stream.indirect.gather [hbm4b:s1+s20], $0x80, s14, s20, $0xb8;
	[tilespmem:$0x15C00] =	vst v63  }
0x42: {  	_ =	swait.ge [sflag:s6], $0x4000  }
0x43: {  	[sflag:s6] =	ssyncset.done $0x0  }
0x44: {  	s12 =	simm.s32 $0x300;
	[sflag:s6] =	ssyncadd.s32 $0xFFFFC000  }
0x45: {  	[tilespmem:s22], [sflag:$0x2] =	stream.indirect.gather [hbm4b:s1+s20], $0x80, s12, s20, $0xb8;
	[tilespmem:$0x15C00] =	vst v63  }
0x46: {  	_ =	swait.ge [sflag:s7], $0x4000  }
0x47: {  	[sflag:s7] =	ssyncset.done $0x0  }
0x48: {  	s13 =	simm.s32 $0x380;
	[sflag:s7] =	ssyncadd.s32 $0xFFFFC000  }
0x49: {  	[tilespmem:s24], [sflag:$0x3] =	stream.indirect.gather [hbm4b:s1+s20], $0x80, s13, s20, $0xb8;
	[tilespmem:$0x15C00] =	vst v63  }
0x4a: {  	_ =	swait.ge [sflag:s8], $0x4000  }
0x4b: {  	[sflag:s8] =	ssyncset.done $0x0  }
0x4c: {  	s14 =	simm.s32 $0x400;
	[sflag:s8] =	ssyncadd.s32 $0xFFFFC000  }
0x4d: {  	[tilespmem:s26], [sflag:$0x4] =	stream.indirect.gather [hbm4b:s1+s20], $0x80, s14, s20, $0xb8;
	[tilespmem:$0x15C00] =	vst v63  }
0x4e: {  	_ =	swait.ge [sflag:s9], $0x4000  }
0x4f: {  	s11 =	simm.s32 $0xA00;
	[sflag:s9] =	ssyncset.done $0x0  }
0x50: {  	s12 =	sadd.s32 $0x2800, s17;
	s13 =	simm.s32 $0x480;
	[sflag:s9] =	ssyncadd.s32 $0xFFFFC000  }
.LBB2_2:
0x51: {  	[tilespmem:s29], [sflag:$0x5] =	stream.indirect.gather [hbm4b:s1+s20], $0x80, s13, s20, $0xb8;
	[tilespmem:$0x15C00] =	vst v63  }
0x52: {  	s13 =	smov.u32 s11  }
0x53: {  	p0 =	sne.s32 s11, $0x5000;
	s11 =	sadd.s32 $0xA00, s11;
	_ =	swait.ge [sflag:s30], $0x4000  }
0x54: {  	[sflag:s30] =	ssyncset.done $0x0  }
0x55: {  	s14 =	sadd.s32 $0xFFFFE000, s12;
	[sflag:s30] =	ssyncadd.s32 $0xFFFFC000  }
0x56: {  	[hbm4b:s14+s3] =	stream.linear.scatter [tilespmem:s21], [sflag:$0x6], $0x4000, $0x38;
	[tilespmem:$0x15C00] =	vst v63  }
0x57: {  	_ =	swait.ge [sflag:s31], $0x4000  }
0x58: {  	[sflag:s31] =	ssyncset.done $0x0  }
0x59: {  	s14 =	sadd.s32 $0xFFFFE800, s12;
	[sflag:s31] =	ssyncadd.s32 $0xFFFFC000  }
0x5a: {  	[hbm4b:s14+s3] =	stream.linear.scatter [tilespmem:s22], [sflag:$0x7], $0x4000, $0x38;
	[tilespmem:$0x15C00] =	vst v63  }
0x5b: {  	_ =	swait.ge [sflag:s2], $0x4000  }
0x5c: {  	[sflag:s2] =	ssyncset.done $0x0  }
0x5d: {  	s14 =	sadd.s32 $0xFFFFF000, s12;
	[sflag:s2] =	ssyncadd.s32 $0xFFFFC000  }
0x5e: {  	[hbm4b:s14+s3] =	stream.linear.scatter [tilespmem:s24], [sflag:$0x8], $0x4000, $0x38;
	[tilespmem:$0x15C00] =	vst v63  }
0x5f: {  	_ =	swait.ge [sflag:s0], $0x4000  }
0x60: {  	[sflag:s0] =	ssyncset.done $0x0  }
0x61: {  	s14 =	sadd.s32 $0xFFFFF800, s12;
	[sflag:s0] =	ssyncadd.s32 $0xFFFFC000  }
0x62: {  	[hbm4b:s14+s3] =	stream.linear.scatter [tilespmem:s26], [sflag:$0x9], $0x4000, $0x38;
	[tilespmem:$0x15C00] =	vst v63  }
0x63: {  	_ =	swait.ge [sflag:s4], $0x4000  }
0x64: {  	[sflag:s4] =	ssyncset.done $0x0  }
0x65: {  	[sflag:s4] =	ssyncadd.s32 $0xFFFFC000  }
0x66: {  	[hbm4b:s12+s3] =	stream.linear.scatter [tilespmem:s29], [sflag:$0xA], $0x4000, $0x38;
	[tilespmem:$0x15C00] =	vst v63  }
0x67: {  	_ =	swait.ge [sflag:s5], $0x4000  }
0x68: {  	s13 =	sshra.s32 s13, $0x2;
	[sflag:s5] =	ssyncset.done $0x0  }
0x69: {  	s14 =	sadd.s32 $0x280, s13;
	[sflag:s5] =	ssyncadd.s32 $0xFFFFC000  }
0x6a: {  	[tilespmem:s21], [sflag:$0x1] =	stream.indirect.gather [hbm4b:s1+s20], $0x80, s14, s20, $0xb8;
	[tilespmem:$0x15C00] =	vst v63  }
0x6b: {  	_ =	swait.ge [sflag:s6], $0x4000  }
0x6c: {  	[sflag:s6] =	ssyncset.done $0x0  }
0x6d: {  	s14 =	sadd.s32 $0x300, s13;
	[sflag:s6] =	ssyncadd.s32 $0xFFFFC000  }
0x6e: {  	[tilespmem:s22], [sflag:$0x2] =	stream.indirect.gather [hbm4b:s1+s20], $0x80, s14, s20, $0xb8;
	[tilespmem:$0x15C00] =	vst v63  }
0x6f: {  	_ =	swait.ge [sflag:s7], $0x4000  }
0x70: {  	[sflag:s7] =	ssyncset.done $0x0  }
0x71: {  	s14 =	sadd.s32 $0x380, s13;
	[sflag:s7] =	ssyncadd.s32 $0xFFFFC000  }
0x72: {  	[tilespmem:s24], [sflag:$0x3] =	stream.indirect.gather [hbm4b:s1+s20], $0x80, s14, s20, $0xb8;
	[tilespmem:$0x15C00] =	vst v63  }
0x73: {  	_ =	swait.ge [sflag:s8], $0x4000  }
0x74: {  	[sflag:s8] =	ssyncset.done $0x0  }
.Ltmp0:
0x75: {  	s14 =	sadd.s32 $0x400, s13;
	[sflag:s8] =	ssyncadd.s32 $0xFFFFC000;
	(pc) =	sbr.rel @p0 .LBB2_2-.Ltmp0, $4  }
0x76: {  	[tilespmem:s26], [sflag:$0x4] =	stream.indirect.gather [hbm4b:s1+s20], $0x80, s14, s20, $0xb8;
	[tilespmem:$0x15C00] =	vst v63  }
0x77: {  	_ =	swait.ge [sflag:s9], $0x4000  }
0x78: {  	[sflag:s9] =	ssyncset.done $0x0  }
0x79: {  	s12 =	sadd.s32 $0x2800, s12;
	s13 =	sadd.s32 $0x480, s13;
	[sflag:s9] =	ssyncadd.s32 $0xFFFFC000  }
0x7a: {  	[tilespmem:s29], [sflag:$0x5] =	stream.indirect.gather [hbm4b:s1+s20], $0x80, s13, s20, $0xb8;
	[tilespmem:$0x15C00] =	vst v63  }
0x7b: {  	_ =	swait.ge [sflag:s30], $0x4000  }
0x7c: {  	[sflag:s30] =	ssyncset.done $0x0  }
0x7d: {  	s11 =	simm.s32 $0x0;
	s12 =	rddreg [dreg:$0x6];
	[sflag:s30] =	ssyncadd.s32 $0xFFFFC000  }
0x7e: {  	[hbm4b:s12+s11] =	stream.linear.scatter [tilespmem:s21], [sflag:$0x6], $0x4000, $0x38;
	[tilespmem:$0x15C00] =	vst v63  }
0x7f: {  	_ =	swait.ge [sflag:s31], $0x4000  }
0x80: {  	[sflag:s31] =	ssyncset.done $0x0  }
0x81: {  	s14 =	rddreg [dreg:$0x7];
	[sflag:s31] =	ssyncadd.s32 $0xFFFFC000  }
0x82: {  	[hbm4b:s14+s11] =	stream.linear.scatter [tilespmem:s22], [sflag:$0x7], $0x4000, $0x38;
	[tilespmem:$0x15C00] =	vst v63  }
0x83: {  	_ =	swait.ge [sflag:s2], $0x4000  }
0x84: {  	[sflag:s2] =	ssyncset.done $0x0  }
0x85: {  	s13 =	rddreg [dreg:$0x8];
	[sflag:s2] =	ssyncadd.s32 $0xFFFFC000  }
0x86: {  	[hbm4b:s13+s11] =	stream.linear.scatter [tilespmem:s24], [sflag:$0x8], $0x4000, $0x38;
	[tilespmem:$0x15C00] =	vst v63  }
0x87: {  	_ =	swait.ge [sflag:s0], $0x4000  }
0x88: {  	[sflag:s0] =	ssyncset.done $0x0  }
0x89: {  	s14 =	rddreg [dreg:$0x9];
	[sflag:s0] =	ssyncadd.s32 $0xFFFFC000  }
0x8a: {  	[hbm4b:s14+s11] =	stream.linear.scatter [tilespmem:s26], [sflag:$0x9], $0x4000, $0x38;
	[tilespmem:$0x15C00] =	vst v63  }
0x8b: {  	_ =	swait.ge [sflag:s4], $0x4000  }
0x8c: {  	[sflag:s4] =	ssyncset.done $0x0  }
0x8d: {  	s13 =	rddreg [dreg:$0xa];
	[sflag:s4] =	ssyncadd.s32 $0xFFFFC000  }
0x8e: {  	[hbm4b:s13+s11] =	stream.linear.scatter [tilespmem:s29], [sflag:$0xA], $0x4000, $0x38;
	[tilespmem:$0x15C00] =	vst v63  }
0x8f: {  	_ =	swait.ge [sflag:s5], $0x4000  }
0x90: {  	[sflag:s5] =	ssyncset.done $0x0  }
0x91: {  	[sflag:s5] =	ssyncadd.s32 $0xFFFFC000  }
0x92: {  	_ =	swait.ge [sflag:s6], $0x4000  }
0x93: {  	[sflag:s6] =	ssyncset.done $0x0  }
0x94: {  	[sflag:s6] =	ssyncadd.s32 $0xFFFFC000  }
0x95: {  	_ =	swait.ge [sflag:s7], $0x4000  }
0x96: {  	[sflag:s7] =	ssyncset.done $0x0  }
0x97: {  	[sflag:s7] =	ssyncadd.s32 $0xFFFFC000  }
0x98: {  	_ =	swait.ge [sflag:s8], $0x4000  }
0x99: {  	[sflag:s8] =	ssyncset.done $0x0  }
0x9a: {  	[sflag:s8] =	ssyncadd.s32 $0xFFFFC000  }
0x9b: {  	_ =	swait.ge [sflag:s9], $0x4000  }
0x9c: {  	[sflag:s9] =	ssyncset.done $0x0  }
0x9d: {  	s14 =	rddreg [dreg:$0xb];
	[sflag:s9] =	ssyncadd.s32 $0xFFFFC000  }
0x9e: {  	[tilespmem:s11], [sflag:$0xB] =	stream.linear.gather [hbm4b:s14+s11], $0x1900, $0x38;
	[tilespmem:$0x15C00] =	vst v63  }
0x9f: {  	_ =	swait.ge [sflag:s19], $0x1900  }
0xa0: {  	[sflag:s19] =	ssyncset.done $0x0  }
0xa1: {  	[sflag:s19] =	ssyncadd.s32 $0xFFFFE700  }
0xa2: {  	[tilespmem:s21], [sflag:$0x1] =	stream.indirect.gather [hbm4b:s1+s20], $0x80, s11, s20, $0xb8;
	[tilespmem:$0x15C00] =	vst v63  }
0xa3: {  	_ = 	snop  }
0xa4: {  	[tilespmem:s22], [sflag:$0x2] =	stream.indirect.gather [hbm4b:s1+s20], $0x80, s20, s20, $0xb8;
	[tilespmem:$0x15C00] =	vst v63  }
0xa5: {  	_ = 	snop  }
0xa6: {  	[tilespmem:s24], [sflag:$0x3] =	stream.indirect.gather [hbm4b:s1+s20], $0x80, s23, s20, $0xb8;
	[tilespmem:$0x15C00] =	vst v63  }
0xa7: {  	_ = 	snop  }
0xa8: {  	[tilespmem:s26], [sflag:$0x4] =	stream.indirect.gather [hbm4b:s1+s20], $0x80, s25, s20, $0xb8;
	[tilespmem:$0x15C00] =	vst v63  }
0xa9: {  	_ = 	snop  }
0xaa: {  	[tilespmem:s29], [sflag:$0x5] =	stream.indirect.gather [hbm4b:s1+s20], $0x80, s28, s20, $0xb8;
	[tilespmem:$0x15C00] =	vst v63  }
0xab: {  	_ =	swait.ge [sflag:s30], $0x4000  }
0xac: {  	[sflag:s30] =	ssyncset.done $0x0  }
0xad: {  	s13 =	sadd.s32 $0xFFFFE000, s18;
	[sflag:s30] =	ssyncadd.s32 $0xFFFFC000  }
0xae: {  	[hbm4b:s13+s3] =	stream.linear.scatter [tilespmem:s21], [sflag:$0x6], $0x4000, $0x38;
	[tilespmem:$0x15C00] =	vst v63  }
0xaf: {  	_ =	swait.ge [sflag:s31], $0x4000  }
0xb0: {  	[sflag:s31] =	ssyncset.done $0x0  }
0xb1: {  	s14 =	sadd.s32 $0xFFFFE800, s18;
	[sflag:s31] =	ssyncadd.s32 $0xFFFFC000  }
0xb2: {  	[hbm4b:s14+s3] =	stream.linear.scatter [tilespmem:s22], [sflag:$0x7], $0x4000, $0x38;
	[tilespmem:$0x15C00] =	vst v63  }
0xb3: {  	_ =	swait.ge [sflag:s2], $0x4000  }
0xb4: {  	[sflag:s2] =	ssyncset.done $0x0  }
0xb5: {  	s12 =	sadd.s32 $0xFFFFF000, s18;
	[sflag:s2] =	ssyncadd.s32 $0xFFFFC000  }
0xb6: {  	[hbm4b:s12+s3] =	stream.linear.scatter [tilespmem:s24], [sflag:$0x8], $0x4000, $0x38;
	[tilespmem:$0x15C00] =	vst v63  }
0xb7: {  	_ =	swait.ge [sflag:s0], $0x4000  }
0xb8: {  	[sflag:s0] =	ssyncset.done $0x0  }
0xb9: {  	s13 =	sadd.s32 $0xFFFFF800, s18;
	[sflag:s0] =	ssyncadd.s32 $0xFFFFC000  }
0xba: {  	[hbm4b:s13+s3] =	stream.linear.scatter [tilespmem:s26], [sflag:$0x9], $0x4000, $0x38;
	[tilespmem:$0x15C00] =	vst v63  }
0xbb: {  	_ =	swait.ge [sflag:s4], $0x4000  }
0xbc: {  	[sflag:s4] =	ssyncset.done $0x0  }
0xbd: {  	[sflag:s4] =	ssyncadd.s32 $0xFFFFC000  }
0xbe: {  	[hbm4b:s18+s3] =	stream.linear.scatter [tilespmem:s29], [sflag:$0xA], $0x4000, $0x38;
	[tilespmem:$0x15C00] =	vst v63  }
0xbf: {  	_ =	swait.ge [sflag:s5], $0x4000  }
0xc0: {  	[sflag:s5] =	ssyncset.done $0x0  }
0xc1: {  	s14 =	simm.s32 $0x280;
	[sflag:s5] =	ssyncadd.s32 $0xFFFFC000  }
0xc2: {  	[tilespmem:s21], [sflag:$0x1] =	stream.indirect.gather [hbm4b:s1+s20], $0x80, s14, s20, $0xb8;
	[tilespmem:$0x15C00] =	vst v63  }
0xc3: {  	_ =	swait.ge [sflag:s6], $0x4000  }
0xc4: {  	[sflag:s6] =	ssyncset.done $0x0  }
0xc5: {  	s12 =	simm.s32 $0x300;
	[sflag:s6] =	ssyncadd.s32 $0xFFFFC000  }
0xc6: {  	[tilespmem:s22], [sflag:$0x2] =	stream.indirect.gather [hbm4b:s1+s20], $0x80, s12, s20, $0xb8;
	[tilespmem:$0x15C00] =	vst v63  }
0xc7: {  	_ =	swait.ge [sflag:s7], $0x4000  }
0xc8: {  	[sflag:s7] =	ssyncset.done $0x0  }
0xc9: {  	s13 =	simm.s32 $0x380;
	[sflag:s7] =	ssyncadd.s32 $0xFFFFC000  }
0xca: {  	[tilespmem:s24], [sflag:$0x3] =	stream.indirect.gather [hbm4b:s1+s20], $0x80, s13, s20, $0xb8;
	[tilespmem:$0x15C00] =	vst v63  }
0xcb: {  	_ =	swait.ge [sflag:s8], $0x4000  }
0xcc: {  	[sflag:s8] =	ssyncset.done $0x0  }
0xcd: {  	s14 =	simm.s32 $0x400;
	[sflag:s8] =	ssyncadd.s32 $0xFFFFC000  }
0xce: {  	[tilespmem:s26], [sflag:$0x4] =	stream.indirect.gather [hbm4b:s1+s20], $0x80, s14, s20, $0xb8;
	[tilespmem:$0x15C00] =	vst v63  }
0xcf: {  	_ =	swait.ge [sflag:s9], $0x4000  }
0xd0: {  	s11 =	simm.s32 $0xA00;
	[sflag:s9] =	ssyncset.done $0x0  }
0xd1: {  	s12 =	sadd.s32 $0x2800, s18;
	s13 =	simm.s32 $0x480;
	[sflag:s9] =	ssyncadd.s32 $0xFFFFC000  }
.LBB2_4:
0xd2: {  	[tilespmem:s29], [sflag:$0x5] =	stream.indirect.gather [hbm4b:s1+s20], $0x80, s13, s20, $0xb8;
	[tilespmem:$0x15C00] =	vst v63  }
0xd3: {  	s13 =	smov.u32 s11  }
0xd4: {  	p0 =	sne.s32 s11, $0x5000;
	s11 =	sadd.s32 $0xA00, s11;
	_ =	swait.ge [sflag:s30], $0x4000  }
0xd5: {  	[sflag:s30] =	ssyncset.done $0x0  }
0xd6: {  	s14 =	sadd.s32 $0xFFFFE000, s12;
	[sflag:s30] =	ssyncadd.s32 $0xFFFFC000  }
0xd7: {  	[hbm4b:s14+s3] =	stream.linear.scatter [tilespmem:s21], [sflag:$0x6], $0x4000, $0x38;
	[tilespmem:$0x15C00] =	vst v63  }
0xd8: {  	_ =	swait.ge [sflag:s31], $0x4000  }
0xd9: {  	[sflag:s31] =	ssyncset.done $0x0  }
0xda: {  	s14 =	sadd.s32 $0xFFFFE800, s12;
	[sflag:s31] =	ssyncadd.s32 $0xFFFFC000  }
0xdb: {  	[hbm4b:s14+s3] =	stream.linear.scatter [tilespmem:s22], [sflag:$0x7], $0x4000, $0x38;
	[tilespmem:$0x15C00] =	vst v63  }
0xdc: {  	_ =	swait.ge [sflag:s2], $0x4000  }
0xdd: {  	[sflag:s2] =	ssyncset.done $0x0  }
0xde: {  	s14 =	sadd.s32 $0xFFFFF000, s12;
	[sflag:s2] =	ssyncadd.s32 $0xFFFFC000  }
0xdf: {  	[hbm4b:s14+s3] =	stream.linear.scatter [tilespmem:s24], [sflag:$0x8], $0x4000, $0x38;
	[tilespmem:$0x15C00] =	vst v63  }
0xe0: {  	_ =	swait.ge [sflag:s0], $0x4000  }
0xe1: {  	[sflag:s0] =	ssyncset.done $0x0  }
0xe2: {  	s14 =	sadd.s32 $0xFFFFF800, s12;
	[sflag:s0] =	ssyncadd.s32 $0xFFFFC000  }
0xe3: {  	[hbm4b:s14+s3] =	stream.linear.scatter [tilespmem:s26], [sflag:$0x9], $0x4000, $0x38;
	[tilespmem:$0x15C00] =	vst v63  }
0xe4: {  	_ =	swait.ge [sflag:s4], $0x4000  }
0xe5: {  	[sflag:s4] =	ssyncset.done $0x0  }
0xe6: {  	[sflag:s4] =	ssyncadd.s32 $0xFFFFC000  }
0xe7: {  	[hbm4b:s12+s3] =	stream.linear.scatter [tilespmem:s29], [sflag:$0xA], $0x4000, $0x38;
	[tilespmem:$0x15C00] =	vst v63  }
0xe8: {  	_ =	swait.ge [sflag:s5], $0x4000  }
0xe9: {  	s13 =	sshra.s32 s13, $0x2;
	[sflag:s5] =	ssyncset.done $0x0  }
0xea: {  	s14 =	sadd.s32 $0x280, s13;
	[sflag:s5] =	ssyncadd.s32 $0xFFFFC000  }
0xeb: {  	[tilespmem:s21], [sflag:$0x1] =	stream.indirect.gather [hbm4b:s1+s20], $0x80, s14, s20, $0xb8;
	[tilespmem:$0x15C00] =	vst v63  }
0xec: {  	_ =	swait.ge [sflag:s6], $0x4000  }
0xed: {  	[sflag:s6] =	ssyncset.done $0x0  }
0xee: {  	s14 =	sadd.s32 $0x300, s13;
	[sflag:s6] =	ssyncadd.s32 $0xFFFFC000  }
0xef: {  	[tilespmem:s22], [sflag:$0x2] =	stream.indirect.gather [hbm4b:s1+s20], $0x80, s14, s20, $0xb8;
	[tilespmem:$0x15C00] =	vst v63  }
0xf0: {  	_ =	swait.ge [sflag:s7], $0x4000  }
0xf1: {  	[sflag:s7] =	ssyncset.done $0x0  }
0xf2: {  	s14 =	sadd.s32 $0x380, s13;
	[sflag:s7] =	ssyncadd.s32 $0xFFFFC000  }
0xf3: {  	[tilespmem:s24], [sflag:$0x3] =	stream.indirect.gather [hbm4b:s1+s20], $0x80, s14, s20, $0xb8;
	[tilespmem:$0x15C00] =	vst v63  }
0xf4: {  	_ =	swait.ge [sflag:s8], $0x4000  }
0xf5: {  	[sflag:s8] =	ssyncset.done $0x0  }
.Ltmp1:
0xf6: {  	s14 =	sadd.s32 $0x400, s13;
	[sflag:s8] =	ssyncadd.s32 $0xFFFFC000;
	(pc) =	sbr.rel @p0 .LBB2_4-.Ltmp1, $4  }
0xf7: {  	[tilespmem:s26], [sflag:$0x4] =	stream.indirect.gather [hbm4b:s1+s20], $0x80, s14, s20, $0xb8;
	[tilespmem:$0x15C00] =	vst v63  }
0xf8: {  	_ =	swait.ge [sflag:s9], $0x4000  }
0xf9: {  	[sflag:s9] =	ssyncset.done $0x0  }
0xfa: {  	s12 =	sadd.s32 $0x2800, s12;
	s13 =	sadd.s32 $0x480, s13;
	[sflag:s9] =	ssyncadd.s32 $0xFFFFC000  }
0xfb: {  	[tilespmem:s29], [sflag:$0x5] =	stream.indirect.gather [hbm4b:s1+s20], $0x80, s13, s20, $0xb8;
	[tilespmem:$0x15C00] =	vst v63  }
0xfc: {  	_ =	swait.ge [sflag:s30], $0x4000  }
0xfd: {  	[sflag:s30] =	ssyncset.done $0x0  }
0xfe: {  	s11 =	rddreg [dreg:$0xc];
	[sflag:s30] =	ssyncadd.s32 $0xFFFFC000  }
0xff: {  	[hbm4b:s11+s3] =	stream.linear.scatter [tilespmem:s21], [sflag:$0x6], $0x4000, $0x38;
	[tilespmem:$0x15C00] =	vst v63  }
0x100: {  	_ =	swait.ge [sflag:s31], $0x4000  }
0x101: {  	[sflag:s31] =	ssyncset.done $0x0  }
0x102: {  	s12 =	rddreg [dreg:$0xd];
	[sflag:s31] =	ssyncadd.s32 $0xFFFFC000  }
0x103: {  	[hbm4b:s12+s3] =	stream.linear.scatter [tilespmem:s22], [sflag:$0x7], $0x4000, $0x38;
	[tilespmem:$0x15C00] =	vst v63  }
0x104: {  	_ =	swait.ge [sflag:s2], $0x4000  }
0x105: {  	[sflag:s2] =	ssyncset.done $0x0  }
0x106: {  	s13 =	rddreg [dreg:$0xe];
	[sflag:s2] =	ssyncadd.s32 $0xFFFFC000  }
0x107: {  	[hbm4b:s13+s3] =	stream.linear.scatter [tilespmem:s24], [sflag:$0x8], $0x4000, $0x38;
	[tilespmem:$0x15C00] =	vst v63  }
0x108: {  	_ =	swait.ge [sflag:s0], $0x4000  }
0x109: {  	[sflag:s0] =	ssyncset.done $0x0  }
0x10a: {  	s14 =	rddreg [dreg:$0xf];
	[sflag:s0] =	ssyncadd.s32 $0xFFFFC000  }
0x10b: {  	[hbm4b:s14+s3] =	stream.linear.scatter [tilespmem:s26], [sflag:$0x9], $0x4000, $0x38;
	[tilespmem:$0x15C00] =	vst v63  }
0x10c: {  	_ =	swait.ge [sflag:s4], $0x4000  }
0x10d: {  	[sflag:s4] =	ssyncset.done $0x0  }
0x10e: {  	[sflag:s4] =	ssyncadd.s32 $0xFFFFC000  }
0x10f: {  	[hbm4b:s15+s3] =	stream.linear.scatter [tilespmem:s29], [sflag:$0xA], $0x4000, $0x38;
	[tilespmem:$0x15C00] =	vst v63  }
0x110: {  	_ =	swait.ge [sflag:s5], $0x4000  }
0x111: {  	[sflag:s5] =	ssyncset.done $0x0  }
0x112: {  	[sflag:s5] =	ssyncadd.s32 $0xFFFFC000  }
0x113: {  	_ =	swait.ge [sflag:s6], $0x4000  }
0x114: {  	[sflag:s6] =	ssyncset.done $0x0  }
0x115: {  	[sflag:s6] =	ssyncadd.s32 $0xFFFFC000  }
0x116: {  	_ =	swait.ge [sflag:s7], $0x4000  }
0x117: {  	[sflag:s7] =	ssyncset.done $0x0  }
0x118: {  	s10 =	sadd.s32 $0x1, s10;
	[sflag:s7] =	ssyncadd.s32 $0xFFFFC000  }
0x119: {  	p0 =	sne.s32 s10, s16;
	_ =	swait.ge [sflag:s8], $0x4000  }
.Ltmp2:
0x11a: {  	[sflag:s8] =	ssyncset.done $0x0;
	(pc) =	sbr.rel @p0 .LBB2_1-.Ltmp2, $4  }
0x11b: {  	[sflag:s8] =	ssyncadd.s32 $0xFFFFC000  }
0x11c: {  	_ =	swait.ge [sflag:s9], $0x4000  }
0x11d: {  	[sflag:s9] =	ssyncset.done $0x0  }
0x11e: {  	[sflag:s9] =	ssyncadd.s32 $0xFFFFC000  }
0x11f: {  	_ =	sfence.sel $0x180000  }
0x120: {  	[bflag:$0x0] =	sbarrier.arrive $0xFFFF  }
0x121: {  	_ =	strace $0x90000047  }
0x122: {  	s0 =	stileid.u32;
	[bflag:$0x2] =	sbarrier.arrive $0xFFFF  }
0x123: {  	p0 =	sne.s32 s0, $0x0;
	s0 =	rddreg [dreg:$0x4]  }
0x124: {  	s0 =	sadd.s32 @!p0 $0x100000, s0  }
0x125: {  	[sflag:s0] =	ssyncadd.tile.s32 @!p0 $0x1;
	_ =	shalt  }
.Lfunc_end2:
_tile_overlayer_lowered:
.L_overlay_start_2:
0x126: {  	(tag) =	ssettag $0x2  }
0x127: {  	s0 =	rddreg [dreg:$0x0];
	s2 =	stileid.u32  }
0x128: {  	s1 =	rddreg [dreg:$0x1];
	p0 =	sne.s32 s2, $0x0  }
0x129: {  	s3 =	rddreg [dreg:$0x2];
	[bflag:$0x3] =	sbarrier.arrive $0xFFFF;
	s2 =	simm.s32 @!p0 $0x1C0B  }
0x12a: {  	[timem:s3], [sflag:s2] =	dma.local @!p0 [hbm:s0], s1  }
0x12b: {  	s0 =	simm.s32 @!p0 $0xB  }
0x12c: {  	_ =	swait.ge @!p0 [sflag:s0], s1  }
0x12d: {  	s1 =	ssub.s32 @!p0 $0x0, s1;
	[sflag:s0] =	ssyncset.done @!p0 $0x0  }
0x12e: {  	[sflag:s0] =	ssyncadd.s32 @!p0 s1  }
0x12f: {  	[bflag:$0x3] =	sbarrier.arrive $0xFFFF  }
0x130: {  	_ =	shalt  }

</sc_bundles>
